<compile_context>
chip_gen: v7x
topology: tpu7x:2x2x1
jax: 0.10.2.dev20260603
libtpu: 0.0.44.dev20260713+nightly
codegen_flags: <defaults>
</compile_context>

<pallas_src>
import functools

import jax
import jax.numpy as jnp
import numpy as np
from jax import lax
from jax.experimental import pallas as pl
from jax.experimental.pallas import tpu as pltpu
from jax.experimental.pallas import tpu_sc as plsc

N_ENTITY = 1000000
DIM = 64
BATCH = 16384

_info = plsc.get_sparse_core_info()
_NC = _info.num_cores
_NS = _info.num_subcores
_NW = _NC * _NS
_BPW = BATCH // _NW
_L = _info.num_lanes
_RING = 8
_GRP = 16


def _extract(blk_slot, l, b, col_v):
    lvec = jnp.full((_L,), l, dtype=jnp.int32)
    bvec = jnp.full((_L,), b, dtype=jnp.int32)
    for k in range(DIM // _L):
        dvec = lax.iota(jnp.int32, _L) + k * _L
        vals = plsc.load_gather(blk_slot, [dvec, lvec])
        plsc.store_scatter(col_v, [dvec, bvec], vals)


def _gather_body(idx_hbm, muT_hbm, outT_hbm, idx_v, blk_v, col_v, lsm, sems):
    wid = lax.axis_index("s") * _NC + lax.axis_index("c")
    base = wid * _BPW
    pltpu.sync_copy(idx_hbm.at[pl.ds(base, _BPW)], idx_v)

    def group(g, _):
        v16 = idx_v[pl.ds(g * _GRP, _GRP)]
        for j in range(_GRP):
            m = g * _GRP + j
            slot = j % _RING
            i = jnp.squeeze(lax.slice(v16, (j,), (j + 1,)))
            c = pl.multiple_of((i >> 7) << 7, 128)
            l = i & 127

            @pl.when(m >= _RING)
            def _():
                pltpu.make_async_copy(
                    muT_hbm.at[:, pl.ds(0, 128)], blk_v.at[slot], sems[slot]
                ).wait()
                _extract(blk_v.at[slot], lsm[slot], m - _RING, col_v)

            pltpu.async_copy(
                muT_hbm.at[:, pl.ds(c, 128)], blk_v.at[slot], sems[slot]
            )
            lsm[slot] = l
        return _

    lax.fori_loop(0, _BPW // _GRP, group, None)
    for jj in range(_RING):
        pltpu.make_async_copy(
            muT_hbm.at[:, pl.ds(0, 128)], blk_v.at[jj], sems[jj]
        ).wait()
        _extract(blk_v.at[jj], lsm[jj], _BPW - _RING + jj, col_v)

    pltpu.sync_copy(col_v, outT_hbm.at[:, pl.ds(base, _BPW)])


@functools.partial(
    pl.kernel,
    out_type=jax.ShapeDtypeStruct((DIM, BATCH), jnp.float32),
    mesh=plsc.VectorSubcoreMesh(core_axis_name="c", subcore_axis_name="s"),
    scratch_types=[
        pltpu.VMEM((_BPW,), jnp.int32),
        pltpu.VMEM((_RING, DIM, 128), jnp.float32),
        pltpu.VMEM((DIM, _BPW), jnp.float32),
        pltpu.SMEM((_RING,), jnp.int32),
    ] + [pltpu.SemaphoreType.DMA] * _RING,
    compiler_params=pltpu.CompilerParams(
        use_tc_tiling_on_sc=True,
        needs_layout_passes=False,
        disable_bounds_checks=True,
    ),
)
def _sc_gather(idx_hbm, muT_hbm, outT_hbm, idx_v, blk_v, col_v, lsm, *sems):
    _gather_body(idx_hbm, muT_hbm, outT_hbm, idx_v, blk_v, col_v, lsm,
                 list(sems))


def kernel(idx, mu):
    return _sc_gather(idx.astype(jnp.int32), mu.T).T

# --- scband reference (transcript-rebuilt; emitter-appended) ---
"""Pipeline reference for scband-entity-47828755808678 (READ-ONLY COPY).

The authoritative reference and input builder live on the scoring server;
editing this copy changes nothing except your own understanding.
"""

import jax, jax.numpy as jnp
import numpy as np

N_ENTITY = 1000000
DIM_EMB = 64
BATCH = 16384

def setup_inputs(seed: int = 0) -> dict:
    key = jax.random.key(seed)
    k1, k2 = jax.random.split(key)
    idx = jax.random.randint(k1, (BATCH,), 0, N_ENTITY)
    mu = jax.random.normal(k2, (N_ENTITY, DIM_EMB), dtype=jnp.float32)
    return {"idx": idx, "mu": mu}

def reference(idx, mu):
    # Entity.encode with if_reparam=False: plain embedding gather mu[idx]
    return jnp.take(mu, idx, axis=0)

if __name__ == "__main__":
    import jax
    _d = setup_inputs()
    print(jax.jit(kernel)(*tuple(_d.values())))

</pallas_src>

<mosaic_0001>
#map = affine_map<(d0, d1) -> (0)>
#map1 = affine_map<(d0, d1) -> (0, 0)>
module attributes {stable_mosaic.version = 14 : i64} {
  func.func @_sc_gather(%arg0: i32, %arg1: i32, %arg2: memref<16384xi32, #tpu.memory_space<hbm>>, %arg3: memref<64x1000000xf32, #tpu.memory_space<hbm>>, %arg4: memref<64x16384xf32, #tpu.memory_space<hbm>>, %arg5: memref<512xi32, #tpu.memory_space<vmem>>, %arg6: memref<8x64x128xf32, #tpu.memory_space<vmem>>, %arg7: memref<64x512xf32, #tpu.memory_space<vmem>>, %arg8: memref<8xi32, #tpu.memory_space<smem>>, %arg9: memref<!tpu.dma_semaphore, #tpu.memory_space<semaphore_mem>>, %arg10: memref<!tpu.dma_semaphore, #tpu.memory_space<semaphore_mem>>, %arg11: memref<!tpu.dma_semaphore, #tpu.memory_space<semaphore_mem>>, %arg12: memref<!tpu.dma_semaphore, #tpu.memory_space<semaphore_mem>>, %arg13: memref<!tpu.dma_semaphore, #tpu.memory_space<semaphore_mem>>, %arg14: memref<!tpu.dma_semaphore, #tpu.memory_space<semaphore_mem>>, %arg15: memref<!tpu.dma_semaphore, #tpu.memory_space<semaphore_mem>>, %arg16: memref<!tpu.dma_semaphore, #tpu.memory_space<semaphore_mem>>) attributes {dimension_semantics = [#tpu.dimension_semantics<core_parallel>, #tpu.dimension_semantics<subcore_parallel>], iteration_bounds = array<i64: 2, 16>, scalar_prefetch = 0 : i64, scratch_operands = 12 : i64, tpu.core_type = #tpu.core_type<sc_vector_subcore>, window_params = [{transform_indices = #map}, {transform_indices = #map1}, {transform_indices = #map1}]} {
    %mul3A = arith.constant 2 : i32
    %mul3A_0 = arith.muli %arg1, %mul3A : i32
    %add3A = arith.addi %mul3A_0, %arg0 : i32
    %mul3A_1 = arith.constant 512 : i32
    %mul3A_2 = arith.muli %add3A, %mul3A_1 : i32
    "tpu.region"() ({
      %run_scoped3A = tpu.sem_alloc : memref<!tpu.dma_semaphore, #tpu.memory_space<semaphore_mem>>
      %dma_start3A = tpu.memref_slice %arg2[%mul3A_2] : memref<16384xi32, #tpu.memory_space<hbm>> -> memref<512xi32, #tpu.memory_space<hbm>>
      %dma_start3A_490 = tpu.memref_slice %arg2[%mul3A_2] : memref<16384xi32, #tpu.memory_space<hbm>> -> memref<512xi32, #tpu.memory_space<hbm>>
      tpu.enqueue_dma source(%dma_start3A_490 : memref<512xi32, #tpu.memory_space<hbm>>) target(%arg5 : memref<512xi32, #tpu.memory_space<vmem>>) target_semaphore(%run_scoped3A : memref<!tpu.dma_semaphore, #tpu.memory_space<semaphore_mem>>)
      %dma_wait3A_491 = tpu.memref_slice %arg2[%mul3A_2] : memref<16384xi32, #tpu.memory_space<hbm>> -> memref<512xi32, #tpu.memory_space<hbm>>
      %dma_wait3A_492 = tpu.memref_slice %arg2[%mul3A_2] : memref<16384xi32, #tpu.memory_space<hbm>> -> memref<512xi32, #tpu.memory_space<hbm>>
      tpu.wait_dma2 semaphore(%run_scoped3A : memref<!tpu.dma_semaphore, #tpu.memory_space<semaphore_mem>>) src(%dma_wait3A_492 : memref<512xi32, #tpu.memory_space<hbm>>) dst(%arg5 : memref<512xi32, #tpu.memory_space<vmem>>)
      tpu.yield
    }) : () -> ()
    %scan3A = arith.constant 0 : i32
    %scan3A_3 = arith.constant 32 : i32
    %scan3A_4 = arith.addi %scan3A, %scan3A_3 : i32
    %scan3A_5 = arith.constant 1 : i32
    scf.for %scan3A_490 = %scan3A to %scan3A_4 step %scan3A_5  : i32 {
      %mul3A_491 = arith.constant 16 : i32
      %mul3A_492 = arith.muli %scan3A_490, %mul3A_491 : i32
      %get3A_493 = arith.index_cast %mul3A_492 : i32 to index
      %get3A_494 = tpu.vector_load %arg5[%get3A_493] {strides = array<i32>} : memref<512xi32, #tpu.memory_space<vmem>>, vector<16xi32>,
      %mul3A_495 = arith.constant 16 : i32
      %mul3A_496 = arith.muli %scan3A_490, %mul3A_495 : i32
      %add3A_497 = arith.constant 0 : i32
      %add3A_498 = arith.addi %mul3A_496, %add3A_497 : i32
      %slice3A = vector.extract_strided_slice %get3A_494 {offsets = [0], sizes = [1], strides = [1]} : vector<16xi32> to vector<1xi32>
      %squeeze3A = vector.extract %slice3A[0] : i32 from vector<1xi32>
      %shift_right_arithmetic3A = arith.constant 7 : i32
      %shift_right_arithmetic3A_499 = arith.shrsi %squeeze3A, %shift_right_arithmetic3A : i32
      %shift_left3A = arith.constant 7 : i32
      %shift_left3A_500 = arith.shli %shift_right_arithmetic3A_499, %shift_left3A : i32
      %multiple_of3A = tpu.assume_multiple %shift_left3A_500, 128 : i32
      %and3A = arith.constant 127 : i32
      %and3A_501 = arith.andi %squeeze3A, %and3A : i32
      %ge3A = arith.constant 8 : i32
      %ge3A_502 = arith.cmpi sge, %add3A_498, %ge3A : i32
      %convert_element_type3A = arith.extui %ge3A_502 : i1 to i32
      %cond3A = arith.constant 0 : i32
      %cond3A_503 = arith.cmpi ne, %convert_element_type3A, %cond3A : i32
      scf.if %cond3A_503 {
        %dma_wait3A_1028 = arith.constant 0 : i32
        %dma_wait3A_1029 = arith.constant 0 : i32
        %dma_wait3A_1030 = arith.constant 0 : i32
        %dma_wait3A_1031 = tpu.memref_slice %arg6[%dma_wait3A_1028, %dma_wait3A_1029, %dma_wait3A_1030] : memref<8x64x128xf32, #tpu.memory_space<vmem>> -> memref<1x64x128xf32, #tpu.memory_space<vmem>>
        %dma_wait3A_1032 = tpu.memref_squeeze %dma_wait3A_1031 : memref<1x64x128xf32, #tpu.memory_space<vmem>> -> memref<64x128xf32, #tpu.memory_space<vmem>>
        %dma_wait3A_1033 = arith.constant 0 : i32
        %dma_wait3A_1034 = arith.constant 0 : i32
        %dma_wait3A_1035 = tpu.memref_slice %arg3[%dma_wait3A_1033, %dma_wait3A_1034] : memref<64x1000000xf32, #tpu.memory_space<hbm>> -> memref<64x128xf32, #tpu.memory_space<hbm>>
        %dma_wait3A_1036 = arith.constant 0 : i32
        %dma_wait3A_1037 = arith.constant 0 : i32
        %dma_wait3A_1038 = tpu.memref_slice %arg6[%dma_wait3A_1028, %dma_wait3A_1036, %dma_wait3A_1037] : memref<8x64x128xf32, #tpu.memory_space<vmem>> -> memref<1x64x128xf32, #tpu.memory_space<vmem>>
        %dma_wait3A_1039 = tpu.memref_squeeze %dma_wait3A_1038 : memref<1x64x128xf32, #tpu.memory_space<vmem>> -> memref<64x128xf32, #tpu.memory_space<vmem>>
        %dma_wait3A_1040 = arith.constant 0 : i32
        %dma_wait3A_1041 = arith.constant 0 : i32
        %dma_wait3A_1042 = tpu.memref_slice %arg3[%dma_wait3A_1040, %dma_wait3A_1041] : memref<64x1000000xf32, #tpu.memory_space<hbm>> -> memref<64x128xf32, #tpu.memory_space<hbm>>
        tpu.wait_dma2 semaphore(%arg9 : memref<!tpu.dma_semaphore, #tpu.memory_space<semaphore_mem>>) src(%dma_wait3A_1042 : memref<64x128xf32, #tpu.memory_space<hbm>>) dst(%dma_wait3A_1039 : memref<64x128xf32, #tpu.memory_space<vmem>>)
        %get3A_1043 = arith.constant 0 : i32
        %get3A_1044 = arith.index_cast %get3A_1043 : i32 to index
        %get3A_1045 = memref.load %arg8[%get3A_1044] : memref<8xi32, #tpu.memory_space<smem>>
        %sub3A = arith.constant 8 : i32
        %sub3A_1046 = arith.subi %add3A_498, %sub3A : i32
        %broadcast_in_dim3A_1047 = vector.broadcast %get3A_1045 : i32 to vector<16xi32>
        %broadcast_in_dim3A_1048 = vector.broadcast %sub3A_1046 : i32 to vector<16xi32>
        %iota3A_1049 = tpu.iota {dimensions = array<i32: 0>} : vector<16xi32>
        %add3A_1050 = arith.constant 0 : i32
        %add3A_1051 = vector.broadcast %add3A_1050 : i32 to vector<16xi32>
        %add3A_1052 = arith.addi %iota3A_1049, %add3A_1051 : vector<16xi32>
        %gather3A_1053 = arith.constant 0 : i32
        %gather3A_1054 = arith.constant 0 : i32
        %gather3A_1055 = arith.constant 0 : i32
        %gather3A_1056 = tpu.memref_slice %arg6[%gather3A_1053, %gather3A_1054, %gather3A_1055] : memref<8x64x128xf32, #tpu.memory_space<vmem>> -> memref<1x64x128xf32, #tpu.memory_space<vmem>>
        %gather3A_1057 = tpu.memref_squeeze %gather3A_1056 : memref<1x64x128xf32, #tpu.memory_space<vmem>> -> memref<64x128xf32, #tpu.memory_space<vmem>>
        %gather3A_1058 = tpu.vector_load_idx %gather3A_1057[%add3A_1052, %broadcast_in_dim3A_1047] : memref<64x128xf32, #tpu.memory_space<vmem>>[vector<16xi32>, vector<16xi32>], vector<16xf32>,
        tpu.vector_store_idx %arg7[%add3A_1052, %broadcast_in_dim3A_1048], %gather3A_1058 : memref<64x512xf32, #tpu.memory_space<vmem>>[vector<16xi32>, vector<16xi32>], vector<16xf32>,
        %iota3A_1059 = tpu.iota {dimensions = array<i32: 0>} : vector<16xi32>
        %add3A_1060 = arith.constant 16 : i32
        %add3A_1061 = vector.broadcast %add3A_1060 : i32 to vector<16xi32>
        %add3A_1062 = arith.addi %iota3A_1059, %add3A_1061 : vector<16xi32>
        %gather3A_1063 = arith.constant 0 : i32
        %gather3A_1064 = arith.constant 0 : i32
        %gather3A_1065 = arith.constant 0 : i32
        %gather3A_1066 = tpu.memref_slice %arg6[%gather3A_1063, %gather3A_1064, %gather3A_1065] : memref<8x64x128xf32, #tpu.memory_space<vmem>> -> memref<1x64x128xf32, #tpu.memory_space<vmem>>
        %gather3A_1067 = tpu.memref_squeeze %gather3A_1066 : memref<1x64x128xf32, #tpu.memory_space<vmem>> -> memref<64x128xf32, #tpu.memory_space<vmem>>
        %gather3A_1068 = tpu.vector_load_idx %gather3A_1067[%add3A_1062, %broadcast_in_dim3A_1047] : memref<64x128xf32, #tpu.memory_space<vmem>>[vector<16xi32>, vector<16xi32>], vector<16xf32>,
        tpu.vector_store_idx %arg7[%add3A_1062, %broadcast_in_dim3A_1048], %gather3A_1068 : memref<64x512xf32, #tpu.memory_space<vmem>>[vector<16xi32>, vector<16xi32>], vector<16xf32>,
        %iota3A_1069 = tpu.iota {dimensions = array<i32: 0>} : vector<16xi32>
        %add3A_1070 = arith.constant 32 : i32
        %add3A_1071 = vector.broadcast %add3A_1070 : i32 to vector<16xi32>
        %add3A_1072 = arith.addi %iota3A_1069, %add3A_1071 : vector<16xi32>
        %gather3A_1073 = arith.constant 0 : i32
        %gather3A_1074 = arith.constant 0 : i32
        %gather3A_1075 = arith.constant 0 : i32
        %gather3A_1076 = tpu.memref_slice %arg6[%gather3A_1073, %gather3A_1074, %gather3A_1075] : memref<8x64x128xf32, #tpu.memory_space<vmem>> -> memref<1x64x128xf32, #tpu.memory_space<vmem>>
        %gather3A_1077 = tpu.memref_squeeze %gather3A_1076 : memref<1x64x128xf32, #tpu.memory_space<vmem>> -> memref<64x128xf32, #tpu.memory_space<vmem>>
        %gather3A_1078 = tpu.vector_load_idx %gather3A_1077[%add3A_1072, %broadcast_in_dim3A_1047] : memref<64x128xf32, #tpu.memory_space<vmem>>[vector<16xi32>, vector<16xi32>], vector<16xf32>,
        tpu.vector_store_idx %arg7[%add3A_1072, %broadcast_in_dim3A_1048], %gather3A_1078 : memref<64x512xf32, #tpu.memory_space<vmem>>[vector<16xi32>, vector<16xi32>], vector<16xf32>,
        %iota3A_1079 = tpu.iota {dimensions = array<i32: 0>} : vector<16xi32>
        %add3A_1080 = arith.constant 48 : i32
        %add3A_1081 = vector.broadcast %add3A_1080 : i32 to vector<16xi32>
        %add3A_1082 = arith.addi %iota3A_1079, %add3A_1081 : vector<16xi32>
        %gather3A_1083 = arith.constant 0 : i32
        %gather3A_1084 = arith.constant 0 : i32
        %gather3A_1085 = arith.constant 0 : i32
        %gather3A_1086 = tpu.memref_slice %arg6[%gather3A_1083, %gather3A_1084, %gather3A_1085] : memref<8x64x128xf32, #tpu.memory_space<vmem>> -> memref<1x64x128xf32, #tpu.memory_space<vmem>>
        %gather3A_1087 = tpu.memref_squeeze %gather3A_1086 : memref<1x64x128xf32, #tpu.memory_space<vmem>> -> memref<64x128xf32, #tpu.memory_space<vmem>>
        %gather3A_1088 = tpu.vector_load_idx %gather3A_1087[%add3A_1082, %broadcast_in_dim3A_1047] : memref<64x128xf32, #tpu.memory_space<vmem>>[vector<16xi32>, vector<16xi32>], vector<16xf32>,
        tpu.vector_store_idx %arg7[%add3A_1082, %broadcast_in_dim3A_1048], %gather3A_1088 : memref<64x512xf32, #tpu.memory_space<vmem>>[vector<16xi32>, vector<16xi32>], vector<16xf32>,
      } else {
      }
      %dma_start3A = arith.constant 0 : i32
      %dma_start3A_504 = arith.constant 0 : i32
      %dma_start3A_505 = arith.constant 0 : i32
      %dma_start3A_506 = tpu.memref_slice %arg6[%dma_start3A, %dma_start3A_504, %dma_start3A_505] : memref<8x64x128xf32, #tpu.memory_space<vmem>> -> memref<1x64x128xf32, #tpu.memory_space<vmem>>
      %dma_start3A_507 = tpu.memref_squeeze %dma_start3A_506 : memref<1x64x128xf32, #tpu.memory_space<vmem>> -> memref<64x128xf32, #tpu.memory_space<vmem>>
      %dma_start3A_508 = arith.constant 0 : i32
      %dma_start3A_509 = tpu.memref_slice %arg3[%dma_start3A_508, %multiple_of3A] : memref<64x1000000xf32, #tpu.memory_space<hbm>> -> memref<64x128xf32, #tpu.memory_space<hbm>>
      %dma_start3A_510 = arith.constant 0 : i32
      %dma_start3A_511 = arith.constant 0 : i32
      %dma_start3A_512 = tpu.memref_slice %arg6[%dma_start3A, %dma_start3A_510, %dma_start3A_511] : memref<8x64x128xf32, #tpu.memory_space<vmem>> -> memref<1x64x128xf32, #tpu.memory_space<vmem>>
      %dma_start3A_513 = tpu.memref_squeeze %dma_start3A_512 : memref<1x64x128xf32, #tpu.memory_space<vmem>> -> memref<64x128xf32, #tpu.memory_space<vmem>>
      %dma_start3A_514 = arith.constant 0 : i32
      %dma_start3A_515 = tpu.memref_slice %arg3[%dma_start3A_514, %multiple_of3A] : memref<64x1000000xf32, #tpu.memory_space<hbm>> -> memref<64x128xf32, #tpu.memory_space<hbm>>
      tpu.enqueue_dma source(%dma_start3A_515 : memref<64x128xf32, #tpu.memory_space<hbm>>) target(%dma_start3A_513 : memref<64x128xf32, #tpu.memory_space<vmem>>) target_semaphore(%arg9 : memref<!tpu.dma_semaphore, #tpu.memory_space<semaphore_mem>>)
      %swap3A = arith.constant 0 : i32
      %swap3A_516 = arith.index_cast %swap3A : i32 to index
      %swap3A_517 = memref.load %arg8[%swap3A_516] : memref<8xi32, #tpu.memory_space<smem>>
      memref.store %and3A_501, %arg8[%swap3A_516] : memref<8xi32, #tpu.memory_space<smem>>
      %mul3A_518 = arith.constant 16 : i32
      %mul3A_519 = arith.muli %scan3A_490, %mul3A_518 : i32
      %add3A_520 = arith.constant 1 : i32
      %add3A_521 = arith.addi %mul3A_519, %add3A_520 : i32
      %slice3A_522 = vector.extract_strided_slice %get3A_494 {offsets = [1], sizes = [1], strides = [1]} : vector<16xi32> to vector<1xi32>
      %squeeze3A_523 = vector.extract %slice3A_522[0] : i32 from vector<1xi32>
      %shift_right_arithmetic3A_524 = arith.constant 7 : i32
      %shift_right_arithmetic3A_525 = arith.shrsi %squeeze3A_523, %shift_right_arithmetic3A_524 : i32
      %shift_left3A_526 = arith.constant 7 : i32
      %shift_left3A_527 = arith.shli %shift_right_arithmetic3A_525, %shift_left3A_526 : i32
      %multiple_of3A_528 = tpu.assume_multiple %shift_left3A_527, 128 : i32
      %and3A_529 = arith.constant 127 : i32
      %and3A_530 = arith.andi %squeeze3A_523, %and3A_529 : i32
      %ge3A_531 = arith.constant 8 : i32
      %ge3A_532 = arith.cmpi sge, %add3A_521, %ge3A_531 : i32
      %convert_element_type3A_533 = arith.extui %ge3A_532 : i1 to i32
      %cond3A_534 = arith.constant 0 : i32
      %cond3A_535 = arith.cmpi ne, %convert_element_type3A_533, %cond3A_534 : i32
      scf.if %cond3A_535 {
        %dma_wait3A_1028 = arith.constant 1 : i32
        %dma_wait3A_1029 = arith.constant 0 : i32
        %dma_wait3A_1030 = arith.constant 0 : i32
        %dma_wait3A_1031 = tpu.memref_slice %arg6[%dma_wait3A_1028, %dma_wait3A_1029, %dma_wait3A_1030] : memref<8x64x128xf32, #tpu.memory_space<vmem>> -> memref<1x64x128xf32, #tpu.memory_space<vmem>>
        %dma_wait3A_1032 = tpu.memref_squeeze %dma_wait3A_1031 : memref<1x64x128xf32, #tpu.memory_space<vmem>> -> memref<64x128xf32, #tpu.memory_space<vmem>>
        %dma_wait3A_1033 = arith.constant 0 : i32
        %dma_wait3A_1034 = arith.constant 0 : i32
        %dma_wait3A_1035 = tpu.memref_slice %arg3[%dma_wait3A_1033, %dma_wait3A_1034] : memref<64x1000000xf32, #tpu.memory_space<hbm>> -> memref<64x128xf32, #tpu.memory_space<hbm>>
        %dma_wait3A_1036 = arith.constant 0 : i32
        %dma_wait3A_1037 = arith.constant 0 : i32
        %dma_wait3A_1038 = tpu.memref_slice %arg6[%dma_wait3A_1028, %dma_wait3A_1036, %dma_wait3A_1037] : memref<8x64x128xf32, #tpu.memory_space<vmem>> -> memref<1x64x128xf32, #tpu.memory_space<vmem>>
        %dma_wait3A_1039 = tpu.memref_squeeze %dma_wait3A_1038 : memref<1x64x128xf32, #tpu.memory_space<vmem>> -> memref<64x128xf32, #tpu.memory_space<vmem>>
        %dma_wait3A_1040 = arith.constant 0 : i32
        %dma_wait3A_1041 = arith.constant 0 : i32
        %dma_wait3A_1042 = tpu.memref_slice %arg3[%dma_wait3A_1040, %dma_wait3A_1041] : memref<64x1000000xf32, #tpu.memory_space<hbm>> -> memref<64x128xf32, #tpu.memory_space<hbm>>
        tpu.wait_dma2 semaphore(%arg10 : memref<!tpu.dma_semaphore, #tpu.memory_space<semaphore_mem>>) src(%dma_wait3A_1042 : memref<64x128xf32, #tpu.memory_space<hbm>>) dst(%dma_wait3A_1039 : memref<64x128xf32, #tpu.memory_space<vmem>>)
        %get3A_1043 = arith.constant 1 : i32
        %get3A_1044 = arith.index_cast %get3A_1043 : i32 to index
        %get3A_1045 = memref.load %arg8[%get3A_1044] : memref<8xi32, #tpu.memory_space<smem>>
        %sub3A = arith.constant 8 : i32
        %sub3A_1046 = arith.subi %add3A_521, %sub3A : i32
        %broadcast_in_dim3A_1047 = vector.broadcast %get3A_1045 : i32 to vector<16xi32>
        %broadcast_in_dim3A_1048 = vector.broadcast %sub3A_1046 : i32 to vector<16xi32>
        %iota3A_1049 = tpu.iota {dimensions = array<i32: 0>} : vector<16xi32>
        %add3A_1050 = arith.constant 0 : i32
        %add3A_1051 = vector.broadcast %add3A_1050 : i32 to vector<16xi32>
        %add3A_1052 = arith.addi %iota3A_1049, %add3A_1051 : vector<16xi32>
        %gather3A_1053 = arith.constant 1 : i32
        %gather3A_1054 = arith.constant 0 : i32
        %gather3A_1055 = arith.constant 0 : i32
        %gather3A_1056 = tpu.memref_slice %arg6[%gather3A_1053, %gather3A_1054, %gather3A_1055] : memref<8x64x128xf32, #tpu.memory_space<vmem>> -> memref<1x64x128xf32, #tpu.memory_space<vmem>>
        %gather3A_1057 = tpu.memref_squeeze %gather3A_1056 : memref<1x64x128xf32, #tpu.memory_space<vmem>> -> memref<64x128xf32, #tpu.memory_space<vmem>>
        %gather3A_1058 = tpu.vector_load_idx %gather3A_1057[%add3A_1052, %broadcast_in_dim3A_1047] : memref<64x128xf32, #tpu.memory_space<vmem>>[vector<16xi32>, vector<16xi32>], vector<16xf32>,
        tpu.vector_store_idx %arg7[%add3A_1052, %broadcast_in_dim3A_1048], %gather3A_1058 : memref<64x512xf32, #tpu.memory_space<vmem>>[vector<16xi32>, vector<16xi32>], vector<16xf32>,
        %iota3A_1059 = tpu.iota {dimensions = array<i32: 0>} : vector<16xi32>
        %add3A_1060 = arith.constant 16 : i32
        %add3A_1061 = vector.broadcast %add3A_1060 : i32 to vector<16xi32>
        %add3A_1062 = arith.addi %iota3A_1059, %add3A_1061 : vector<16xi32>
        %gather3A_1063 = arith.constant 1 : i32
        %gather3A_1064 = arith.constant 0 : i32
        %gather3A_1065 = arith.constant 0 : i32
        %gather3A_1066 = tpu.memref_slice %arg6[%gather3A_1063, %gather3A_1064, %gather3A_1065] : memref<8x64x128xf32, #tpu.memory_space<vmem>> -> memref<1x64x128xf32, #tpu.memory_space<vmem>>
        %gather3A_1067 = tpu.memref_squeeze %gather3A_1066 : memref<1x64x128xf32, #tpu.memory_space<vmem>> -> memref<64x128xf32, #tpu.memory_space<vmem>>
        %gather3A_1068 = tpu.vector_load_idx %gather3A_1067[%add3A_1062, %broadcast_in_dim3A_1047] : memref<64x128xf32, #tpu.memory_space<vmem>>[vector<16xi32>, vector<16xi32>], vector<16xf32>,
        tpu.vector_store_idx %arg7[%add3A_1062, %broadcast_in_dim3A_1048], %gather3A_1068 : memref<64x512xf32, #tpu.memory_space<vmem>>[vector<16xi32>, vector<16xi32>], vector<16xf32>,
        %iota3A_1069 = tpu.iota {dimensions = array<i32: 0>} : vector<16xi32>
        %add3A_1070 = arith.constant 32 : i32
        %add3A_1071 = vector.broadcast %add3A_1070 : i32 to vector<16xi32>
        %add3A_1072 = arith.addi %iota3A_1069, %add3A_1071 : vector<16xi32>
        %gather3A_1073 = arith.constant 1 : i32
        %gather3A_1074 = arith.constant 0 : i32
        %gather3A_1075 = arith.constant 0 : i32
        %gather3A_1076 = tpu.memref_slice %arg6[%gather3A_1073, %gather3A_1074, %gather3A_1075] : memref<8x64x128xf32, #tpu.memory_space<vmem>> -> memref<1x64x128xf32, #tpu.memory_space<vmem>>
        %gather3A_1077 = tpu.memref_squeeze %gather3A_1076 : memref<1x64x128xf32, #tpu.memory_space<vmem>> -> memref<64x128xf32, #tpu.memory_space<vmem>>
        %gather3A_1078 = tpu.vector_load_idx %gather3A_1077[%add3A_1072, %broadcast_in_dim3A_1047] : memref<64x128xf32, #tpu.memory_space<vmem>>[vector<16xi32>, vector<16xi32>], vector<16xf32>,
        tpu.vector_store_idx %arg7[%add3A_1072, %broadcast_in_dim3A_1048], %gather3A_1078 : memref<64x512xf32, #tpu.memory_space<vmem>>[vector<16xi32>, vector<16xi32>], vector<16xf32>,
        %iota3A_1079 = tpu.iota {dimensions = array<i32: 0>} : vector<16xi32>
        %add3A_1080 = arith.constant 48 : i32
        %add3A_1081 = vector.broadcast %add3A_1080 : i32 to vector<16xi32>
        %add3A_1082 = arith.addi %iota3A_1079, %add3A_1081 : vector<16xi32>
        %gather3A_1083 = arith.constant 1 : i32
        %gather3A_1084 = arith.constant 0 : i32
        %gather3A_1085 = arith.constant 0 : i32
        %gather3A_1086 = tpu.memref_slice %arg6[%gather3A_1083, %gather3A_1084, %gather3A_1085] : memref<8x64x128xf32, #tpu.memory_space<vmem>> -> memref<1x64x128xf32, #tpu.memory_space<vmem>>
        %gather3A_1087 = tpu.memref_squeeze %gather3A_1086 : memref<1x64x128xf32, #tpu.memory_space<vmem>> -> memref<64x128xf32, #tpu.memory_space<vmem>>
        %gather3A_1088 = tpu.vector_load_idx %gather3A_1087[%add3A_1082, %broadcast_in_dim3A_1047] : memref<64x128xf32, #tpu.memory_space<vmem>>[vector<16xi32>, vector<16xi32>], vector<16xf32>,
        tpu.vector_store_idx %arg7[%add3A_1082, %broadcast_in_dim3A_1048], %gather3A_1088 : memref<64x512xf32, #tpu.memory_space<vmem>>[vector<16xi32>, vector<16xi32>], vector<16xf32>,
      } else {
      }
      %dma_start3A_536 = arith.constant 1 : i32
      %dma_start3A_537 = arith.constant 0 : i32
      %dma_start3A_538 = arith.constant 0 : i32
      %dma_start3A_539 = tpu.memref_slice %arg6[%dma_start3A_536, %dma_start3A_537, %dma_start3A_538] : memref<8x64x128xf32, #tpu.memory_space<vmem>> -> memref<1x64x128xf32, #tpu.memory_space<vmem>>
      %dma_start3A_540 = tpu.memref_squeeze %dma_start3A_539 : memref<1x64x128xf32, #tpu.memory_space<vmem>> -> memref<64x128xf32, #tpu.memory_space<vmem>>
      %dma_start3A_541 = arith.constant 0 : i32
      %dma_start3A_542 = tpu.memref_slice %arg3[%dma_start3A_541, %multiple_of3A_528] : memref<64x1000000xf32, #tpu.memory_space<hbm>> -> memref<64x128xf32, #tpu.memory_space<hbm>>
      %dma_start3A_543 = arith.constant 0 : i32
      %dma_start3A_544 = arith.constant 0 : i32
      %dma_start3A_545 = tpu.memref_slice %arg6[%dma_start3A_536, %dma_start3A_543, %dma_start3A_544] : memref<8x64x128xf32, #tpu.memory_space<vmem>> -> memref<1x64x128xf32, #tpu.memory_space<vmem>>
      %dma_start3A_546 = tpu.memref_squeeze %dma_start3A_545 : memref<1x64x128xf32, #tpu.memory_space<vmem>> -> memref<64x128xf32, #tpu.memory_space<vmem>>
      %dma_start3A_547 = arith.constant 0 : i32
      %dma_start3A_548 = tpu.memref_slice %arg3[%dma_start3A_547, %multiple_of3A_528] : memref<64x1000000xf32, #tpu.memory_space<hbm>> -> memref<64x128xf32, #tpu.memory_space<hbm>>
      tpu.enqueue_dma source(%dma_start3A_548 : memref<64x128xf32, #tpu.memory_space<hbm>>) target(%dma_start3A_546 : memref<64x128xf32, #tpu.memory_space<vmem>>) target_semaphore(%arg10 : memref<!tpu.dma_semaphore, #tpu.memory_space<semaphore_mem>>)
      %swap3A_549 = arith.constant 1 : i32
      %swap3A_550 = arith.index_cast %swap3A_549 : i32 to index
      %swap3A_551 = memref.load %arg8[%swap3A_550] : memref<8xi32, #tpu.memory_space<smem>>
      memref.store %and3A_530, %arg8[%swap3A_550] : memref<8xi32, #tpu.memory_space<smem>>
      %mul3A_552 = arith.constant 16 : i32
      %mul3A_553 = arith.muli %scan3A_490, %mul3A_552 : i32
      %add3A_554 = arith.constant 2 : i32
      %add3A_555 = arith.addi %mul3A_553, %add3A_554 : i32
      %slice3A_556 = vector.extract_strided_slice %get3A_494 {offsets = [2], sizes = [1], strides = [1]} : vector<16xi32> to vector<1xi32>
      %squeeze3A_557 = vector.extract %slice3A_556[0] : i32 from vector<1xi32>
      %shift_right_arithmetic3A_558 = arith.constant 7 : i32
      %shift_right_arithmetic3A_559 = arith.shrsi %squeeze3A_557, %shift_right_arithmetic3A_558 : i32
      %shift_left3A_560 = arith.constant 7 : i32
      %shift_left3A_561 = arith.shli %shift_right_arithmetic3A_559, %shift_left3A_560 : i32
      %multiple_of3A_562 = tpu.assume_multiple %shift_left3A_561, 128 : i32
      %and3A_563 = arith.constant 127 : i32
      %and3A_564 = arith.andi %squeeze3A_557, %and3A_563 : i32
      %ge3A_565 = arith.constant 8 : i32
      %ge3A_566 = arith.cmpi sge, %add3A_555, %ge3A_565 : i32
      %convert_element_type3A_567 = arith.extui %ge3A_566 : i1 to i32
      %cond3A_568 = arith.constant 0 : i32
      %cond3A_569 = arith.cmpi ne, %convert_element_type3A_567, %cond3A_568 : i32
      scf.if %cond3A_569 {
        %dma_wait3A_1028 = arith.constant 2 : i32
        %dma_wait3A_1029 = arith.constant 0 : i32
        %dma_wait3A_1030 = arith.constant 0 : i32
        %dma_wait3A_1031 = tpu.memref_slice %arg6[%dma_wait3A_1028, %dma_wait3A_1029, %dma_wait3A_1030] : memref<8x64x128xf32, #tpu.memory_space<vmem>> -> memref<1x64x128xf32, #tpu.memory_space<vmem>>
        %dma_wait3A_1032 = tpu.memref_squeeze %dma_wait3A_1031 : memref<1x64x128xf32, #tpu.memory_space<vmem>> -> memref<64x128xf32, #tpu.memory_space<vmem>>
        %dma_wait3A_1033 = arith.constant 0 : i32
        %dma_wait3A_1034 = arith.constant 0 : i32
        %dma_wait3A_1035 = tpu.memref_slice %arg3[%dma_wait3A_1033, %dma_wait3A_1034] : memref<64x1000000xf32, #tpu.memory_space<hbm>> -> memref<64x128xf32, #tpu.memory_space<hbm>>
        %dma_wait3A_1036 = arith.constant 0 : i32
        %dma_wait3A_1037 = arith.constant 0 : i32
        %dma_wait3A_1038 = tpu.memref_slice %arg6[%dma_wait3A_1028, %dma_wait3A_1036, %dma_wait3A_1037] : memref<8x64x128xf32, #tpu.memory_space<vmem>> -> memref<1x64x128xf32, #tpu.memory_space<vmem>>
        %dma_wait3A_1039 = tpu.memref_squeeze %dma_wait3A_1038 : memref<1x64x128xf32, #tpu.memory_space<vmem>> -> memref<64x128xf32, #tpu.memory_space<vmem>>
        %dma_wait3A_1040 = arith.constant 0 : i32
        %dma_wait3A_1041 = arith.constant 0 : i32
        %dma_wait3A_1042 = tpu.memref_slice %arg3[%dma_wait3A_1040, %dma_wait3A_1041] : memref<64x1000000xf32, #tpu.memory_space<hbm>> -> memref<64x128xf32, #tpu.memory_space<hbm>>
        tpu.wait_dma2 semaphore(%arg11 : memref<!tpu.dma_semaphore, #tpu.memory_space<semaphore_mem>>) src(%dma_wait3A_1042 : memref<64x128xf32, #tpu.memory_space<hbm>>) dst(%dma_wait3A_1039 : memref<64x128xf32, #tpu.memory_space<vmem>>)
        %get3A_1043 = arith.constant 2 : i32
        %get3A_1044 = arith.index_cast %get3A_1043 : i32 to index
        %get3A_1045 = memref.load %arg8[%get3A_1044] : memref<8xi32, #tpu.memory_space<smem>>
        %sub3A = arith.constant 8 : i32
        %sub3A_1046 = arith.subi %add3A_555, %sub3A : i32
        %broadcast_in_dim3A_1047 = vector.broadcast %get3A_1045 : i32 to vector<16xi32>
        %broadcast_in_dim3A_1048 = vector.broadcast %sub3A_1046 : i32 to vector<16xi32>
        %iota3A_1049 = tpu.iota {dimensions = array<i32: 0>} : vector<16xi32>
        %add3A_1050 = arith.constant 0 : i32
        %add3A_1051 = vector.broadcast %add3A_1050 : i32 to vector<16xi32>
        %add3A_1052 = arith.addi %iota3A_1049, %add3A_1051 : vector<16xi32>
        %gather3A_1053 = arith.constant 2 : i32
        %gather3A_1054 = arith.constant 0 : i32
        %gather3A_1055 = arith.constant 0 : i32
        %gather3A_1056 = tpu.memref_slice %arg6[%gather3A_1053, %gather3A_1054, %gather3A_1055] : memref<8x64x128xf32, #tpu.memory_space<vmem>> -> memref<1x64x128xf32, #tpu.memory_space<vmem>>
        %gather3A_1057 = tpu.memref_squeeze %gather3A_1056 : memref<1x64x128xf32, #tpu.memory_space<vmem>> -> memref<64x128xf32, #tpu.memory_space<vmem>>
        %gather3A_1058 = tpu.vector_load_idx %gather3A_1057[%add3A_1052, %broadcast_in_dim3A_1047] : memref<64x128xf32, #tpu.memory_space<vmem>>[vector<16xi32>, vector<16xi32>], vector<16xf32>,
        tpu.vector_store_idx %arg7[%add3A_1052, %broadcast_in_dim3A_1048], %gather3A_1058 : memref<64x512xf32, #tpu.memory_space<vmem>>[vector<16xi32>, vector<16xi32>], vector<16xf32>,
        %iota3A_1059 = tpu.iota {dimensions = array<i32: 0>} : vector<16xi32>
        %add3A_1060 = arith.constant 16 : i32
        %add3A_1061 = vector.broadcast %add3A_1060 : i32 to vector<16xi32>
        %add3A_1062 = arith.addi %iota3A_1059, %add3A_1061 : vector<16xi32>
        %gather3A_1063 = arith.constant 2 : i32
        %gather3A_1064 = arith.constant 0 : i32
        %gather3A_1065 = arith.constant 0 : i32
        %gather3A_1066 = tpu.memref_slice %arg6[%gather3A_1063, %gather3A_1064, %gather3A_1065] : memref<8x64x128xf32, #tpu.memory_space<vmem>> -> memref<1x64x128xf32, #tpu.memory_space<vmem>>
        %gather3A_1067 = tpu.memref_squeeze %gather3A_1066 : memref<1x64x128xf32, #tpu.memory_space<vmem>> -> memref<64x128xf32, #tpu.memory_space<vmem>>
        %gather3A_1068 = tpu.vector_load_idx %gather3A_1067[%add3A_1062, %broadcast_in_dim3A_1047] : memref<64x128xf32, #tpu.memory_space<vmem>>[vector<16xi32>, vector<16xi32>], vector<16xf32>,
        tpu.vector_store_idx %arg7[%add3A_1062, %broadcast_in_dim3A_1048], %gather3A_1068 : memref<64x512xf32, #tpu.memory_space<vmem>>[vector<16xi32>, vector<16xi32>], vector<16xf32>,
        %iota3A_1069 = tpu.iota {dimensions = array<i32: 0>} : vector<16xi32>
        %add3A_1070 = arith.constant 32 : i32
        %add3A_1071 = vector.broadcast %add3A_1070 : i32 to vector<16xi32>
        %add3A_1072 = arith.addi %iota3A_1069, %add3A_1071 : vector<16xi32>
        %gather3A_1073 = arith.constant 2 : i32
        %gather3A_1074 = arith.constant 0 : i32
        %gather3A_1075 = arith.constant 0 : i32
        %gather3A_1076 = tpu.memref_slice %arg6[%gather3A_1073, %gather3A_1074, %gather3A_1075] : memref<8x64x128xf32, #tpu.memory_space<vmem>> -> memref<1x64x128xf32, #tpu.memory_space<vmem>>
        %gather3A_1077 = tpu.memref_squeeze %gather3A_1076 : memref<1x64x128xf32, #tpu.memory_space<vmem>> -> memref<64x128xf32, #tpu.memory_space<vmem>>
        %gather3A_1078 = tpu.vector_load_idx %gather3A_1077[%add3A_1072, %broadcast_in_dim3A_1047] : memref<64x128xf32, #tpu.memory_space<vmem>>[vector<16xi32>, vector<16xi32>], vector<16xf32>,
        tpu.vector_store_idx %arg7[%add3A_1072, %broadcast_in_dim3A_1048], %gather3A_1078 : memref<64x512xf32, #tpu.memory_space<vmem>>[vector<16xi32>, vector<16xi32>], vector<16xf32>,
        %iota3A_1079 = tpu.iota {dimensions = array<i32: 0>} : vector<16xi32>
        %add3A_1080 = arith.constant 48 : i32
        %add3A_1081 = vector.broadcast %add3A_1080 : i32 to vector<16xi32>
        %add3A_1082 = arith.addi %iota3A_1079, %add3A_1081 : vector<16xi32>
        %gather3A_1083 = arith.constant 2 : i32
        %gather3A_1084 = arith.constant 0 : i32
        %gather3A_1085 = arith.constant 0 : i32
        %gather3A_1086 = tpu.memref_slice %arg6[%gather3A_1083, %gather3A_1084, %gather3A_1085] : memref<8x64x128xf32, #tpu.memory_space<vmem>> -> memref<1x64x128xf32, #tpu.memory_space<vmem>>
        %gather3A_1087 = tpu.memref_squeeze %gather3A_1086 : memref<1x64x128xf32, #tpu.memory_space<vmem>> -> memref<64x128xf32, #tpu.memory_space<vmem>>
        %gather3A_1088 = tpu.vector_load_idx %gather3A_1087[%add3A_1082, %broadcast_in_dim3A_1047] : memref<64x128xf32, #tpu.memory_space<vmem>>[vector<16xi32>, vector<16xi32>], vector<16xf32>,
        tpu.vector_store_idx %arg7[%add3A_1082, %broadcast_in_dim3A_1048], %gather3A_1088 : memref<64x512xf32, #tpu.memory_space<vmem>>[vector<16xi32>, vector<16xi32>], vector<16xf32>,
      } else {
      }
      %dma_start3A_570 = arith.constant 2 : i32
      %dma_start3A_571 = arith.constant 0 : i32
      %dma_start3A_572 = arith.constant 0 : i32
      %dma_start3A_573 = tpu.memref_slice %arg6[%dma_start3A_570, %dma_start3A_571, %dma_start3A_572] : memref<8x64x128xf32, #tpu.memory_space<vmem>> -> memref<1x64x128xf32, #tpu.memory_space<vmem>>
      %dma_start3A_574 = tpu.memref_squeeze %dma_start3A_573 : memref<1x64x128xf32, #tpu.memory_space<vmem>> -> memref<64x128xf32, #tpu.memory_space<vmem>>
      %dma_start3A_575 = arith.constant 0 : i32
      %dma_start3A_576 = tpu.memref_slice %arg3[%dma_start3A_575, %multiple_of3A_562] : memref<64x1000000xf32, #tpu.memory_space<hbm>> -> memref<64x128xf32, #tpu.memory_space<hbm>>
      %dma_start3A_577 = arith.constant 0 : i32
      %dma_start3A_578 = arith.constant 0 : i32
      %dma_start3A_579 = tpu.memref_slice %arg6[%dma_start3A_570, %dma_start3A_577, %dma_start3A_578] : memref<8x64x128xf32, #tpu.memory_space<vmem>> -> memref<1x64x128xf32, #tpu.memory_space<vmem>>
      %dma_start3A_580 = tpu.memref_squeeze %dma_start3A_579 : memref<1x64x128xf32, #tpu.memory_space<vmem>> -> memref<64x128xf32, #tpu.memory_space<vmem>>
      %dma_start3A_581 = arith.constant 0 : i32
      %dma_start3A_582 = tpu.memref_slice %arg3[%dma_start3A_581, %multiple_of3A_562] : memref<64x1000000xf32, #tpu.memory_space<hbm>> -> memref<64x128xf32, #tpu.memory_space<hbm>>
      tpu.enqueue_dma source(%dma_start3A_582 : memref<64x128xf32, #tpu.memory_space<hbm>>) target(%dma_start3A_580 : memref<64x128xf32, #tpu.memory_space<vmem>>) target_semaphore(%arg11 : memref<!tpu.dma_semaphore, #tpu.memory_space<semaphore_mem>>)
      %swap3A_583 = arith.constant 2 : i32
      %swap3A_584 = arith.index_cast %swap3A_583 : i32 to index
      %swap3A_585 = memref.load %arg8[%swap3A_584] : memref<8xi32, #tpu.memory_space<smem>>
      memref.store %and3A_564, %arg8[%swap3A_584] : memref<8xi32, #tpu.memory_space<smem>>
      %mul3A_586 = arith.constant 16 : i32
      %mul3A_587 = arith.muli %scan3A_490, %mul3A_586 : i32
      %add3A_588 = arith.constant 3 : i32
      %add3A_589 = arith.addi %mul3A_587, %add3A_588 : i32
      %slice3A_590 = vector.extract_strided_slice %get3A_494 {offsets = [3], sizes = [1], strides = [1]} : vector<16xi32> to vector<1xi32>
      %squeeze3A_591 = vector.extract %slice3A_590[0] : i32 from vector<1xi32>
      %shift_right_arithmetic3A_592 = arith.constant 7 : i32
      %shift_right_arithmetic3A_593 = arith.shrsi %squeeze3A_591, %shift_right_arithmetic3A_592 : i32
      %shift_left3A_594 = arith.constant 7 : i32
      %shift_left3A_595 = arith.shli %shift_right_arithmetic3A_593, %shift_left3A_594 : i32
      %multiple_of3A_596 = tpu.assume_multiple %shift_left3A_595, 128 : i32
      %and3A_597 = arith.constant 127 : i32
      %and3A_598 = arith.andi %squeeze3A_591, %and3A_597 : i32
      %ge3A_599 = arith.constant 8 : i32
      %ge3A_600 = arith.cmpi sge, %add3A_589, %ge3A_599 : i32
      %convert_element_type3A_601 = arith.extui %ge3A_600 : i1 to i32
      %cond3A_602 = arith.constant 0 : i32
      %cond3A_603 = arith.cmpi ne, %convert_element_type3A_601, %cond3A_602 : i32
      scf.if %cond3A_603 {
        %dma_wait3A_1028 = arith.constant 3 : i32
        %dma_wait3A_1029 = arith.constant 0 : i32
        %dma_wait3A_1030 = arith.constant 0 : i32
        %dma_wait3A_1031 = tpu.memref_slice %arg6[%dma_wait3A_1028, %dma_wait3A_1029, %dma_wait3A_1030] : memref<8x64x128xf32, #tpu.memory_space<vmem>> -> memref<1x64x128xf32, #tpu.memory_space<vmem>>
        %dma_wait3A_1032 = tpu.memref_squeeze %dma_wait3A_1031 : memref<1x64x128xf32, #tpu.memory_space<vmem>> -> memref<64x128xf32, #tpu.memory_space<vmem>>
        %dma_wait3A_1033 = arith.constant 0 : i32
        %dma_wait3A_1034 = arith.constant 0 : i32
        %dma_wait3A_1035 = tpu.memref_slice %arg3[%dma_wait3A_1033, %dma_wait3A_1034] : memref<64x1000000xf32, #tpu.memory_space<hbm>> -> memref<64x128xf32, #tpu.memory_space<hbm>>
        %dma_wait3A_1036 = arith.constant 0 : i32
        %dma_wait3A_1037 = arith.constant 0 : i32
        %dma_wait3A_1038 = tpu.memref_slice %arg6[%dma_wait3A_1028, %dma_wait3A_1036, %dma_wait3A_1037] : memref<8x64x128xf32, #tpu.memory_space<vmem>> -> memref<1x64x128xf32, #tpu.memory_space<vmem>>
        %dma_wait3A_1039 = tpu.memref_squeeze %dma_wait3A_1038 : memref<1x64x128xf32, #tpu.memory_space<vmem>> -> memref<64x128xf32, #tpu.memory_space<vmem>>
        %dma_wait3A_1040 = arith.constant 0 : i32
        %dma_wait3A_1041 = arith.constant 0 : i32
        %dma_wait3A_1042 = tpu.memref_slice %arg3[%dma_wait3A_1040, %dma_wait3A_1041] : memref<64x1000000xf32, #tpu.memory_space<hbm>> -> memref<64x128xf32, #tpu.memory_space<hbm>>
        tpu.wait_dma2 semaphore(%arg12 : memref<!tpu.dma_semaphore, #tpu.memory_space<semaphore_mem>>) src(%dma_wait3A_1042 : memref<64x128xf32, #tpu.memory_space<hbm>>) dst(%dma_wait3A_1039 : memref<64x128xf32, #tpu.memory_space<vmem>>)
        %get3A_1043 = arith.constant 3 : i32
        %get3A_1044 = arith.index_cast %get3A_1043 : i32 to index
        %get3A_1045 = memref.load %arg8[%get3A_1044] : memref<8xi32, #tpu.memory_space<smem>>
        %sub3A = arith.constant 8 : i32
        %sub3A_1046 = arith.subi %add3A_589, %sub3A : i32
        %broadcast_in_dim3A_1047 = vector.broadcast %get3A_1045 : i32 to vector<16xi32>
        %broadcast_in_dim3A_1048 = vector.broadcast %sub3A_1046 : i32 to vector<16xi32>
        %iota3A_1049 = tpu.iota {dimensions = array<i32: 0>} : vector<16xi32>
        %add3A_1050 = arith.constant 0 : i32
        %add3A_1051 = vector.broadcast %add3A_1050 : i32 to vector<16xi32>
        %add3A_1052 = arith.addi %iota3A_1049, %add3A_1051 : vector<16xi32>
        %gather3A_1053 = arith.constant 3 : i32
        %gather3A_1054 = arith.constant 0 : i32
        %gather3A_1055 = arith.constant 0 : i32
        %gather3A_1056 = tpu.memref_slice %arg6[%gather3A_1053, %gather3A_1054, %gather3A_1055] : memref<8x64x128xf32, #tpu.memory_space<vmem>> -> memref<1x64x128xf32, #tpu.memory_space<vmem>>
        %gather3A_1057 = tpu.memref_squeeze %gather3A_1056 : memref<1x64x128xf32, #tpu.memory_space<vmem>> -> memref<64x128xf32, #tpu.memory_space<vmem>>
        %gather3A_1058 = tpu.vector_load_idx %gather3A_1057[%add3A_1052, %broadcast_in_dim3A_1047] : memref<64x128xf32, #tpu.memory_space<vmem>>[vector<16xi32>, vector<16xi32>], vector<16xf32>,
        tpu.vector_store_idx %arg7[%add3A_1052, %broadcast_in_dim3A_1048], %gather3A_1058 : memref<64x512xf32, #tpu.memory_space<vmem>>[vector<16xi32>, vector<16xi32>], vector<16xf32>,
        %iota3A_1059 = tpu.iota {dimensions = array<i32: 0>} : vector<16xi32>
        %add3A_1060 = arith.constant 16 : i32
        %add3A_1061 = vector.broadcast %add3A_1060 : i32 to vector<16xi32>
        %add3A_1062 = arith.addi %iota3A_1059, %add3A_1061 : vector<16xi32>
        %gather3A_1063 = arith.constant 3 : i32
        %gather3A_1064 = arith.constant 0 : i32
        %gather3A_1065 = arith.constant 0 : i32
        %gather3A_1066 = tpu.memref_slice %arg6[%gather3A_1063, %gather3A_1064, %gather3A_1065] : memref<8x64x128xf32, #tpu.memory_space<vmem>> -> memref<1x64x128xf32, #tpu.memory_space<vmem>>
        %gather3A_1067 = tpu.memref_squeeze %gather3A_1066 : memref<1x64x128xf32, #tpu.memory_space<vmem>> -> memref<64x128xf32, #tpu.memory_space<vmem>>
        %gather3A_1068 = tpu.vector_load_idx %gather3A_1067[%add3A_1062, %broadcast_in_dim3A_1047] : memref<64x128xf32, #tpu.memory_space<vmem>>[vector<16xi32>, vector<16xi32>], vector<16xf32>,
        tpu.vector_store_idx %arg7[%add3A_1062, %broadcast_in_dim3A_1048], %gather3A_1068 : memref<64x512xf32, #tpu.memory_space<vmem>>[vector<16xi32>, vector<16xi32>], vector<16xf32>,
        %iota3A_1069 = tpu.iota {dimensions = array<i32: 0>} : vector<16xi32>
        %add3A_1070 = arith.constant 32 : i32
        %add3A_1071 = vector.broadcast %add3A_1070 : i32 to vector<16xi32>
        %add3A_1072 = arith.addi %iota3A_1069, %add3A_1071 : vector<16xi32>
        %gather3A_1073 = arith.constant 3 : i32
        %gather3A_1074 = arith.constant 0 : i32
        %gather3A_1075 = arith.constant 0 : i32
        %gather3A_1076 = tpu.memref_slice %arg6[%gather3A_1073, %gather3A_1074, %gather3A_1075] : memref<8x64x128xf32, #tpu.memory_space<vmem>> -> memref<1x64x128xf32, #tpu.memory_space<vmem>>
        %gather3A_1077 = tpu.memref_squeeze %gather3A_1076 : memref<1x64x128xf32, #tpu.memory_space<vmem>> -> memref<64x128xf32, #tpu.memory_space<vmem>>
        %gather3A_1078 = tpu.vector_load_idx %gather3A_1077[%add3A_1072, %broadcast_in_dim3A_1047] : memref<64x128xf32, #tpu.memory_space<vmem>>[vector<16xi32>, vector<16xi32>], vector<16xf32>,
        tpu.vector_store_idx %arg7[%add3A_1072, %broadcast_in_dim3A_1048], %gather3A_1078 : memref<64x512xf32, #tpu.memory_space<vmem>>[vector<16xi32>, vector<16xi32>], vector<16xf32>,
        %iota3A_1079 = tpu.iota {dimensions = array<i32: 0>} : vector<16xi32>
        %add3A_1080 = arith.constant 48 : i32
        %add3A_1081 = vector.broadcast %add3A_1080 : i32 to vector<16xi32>
        %add3A_1082 = arith.addi %iota3A_1079, %add3A_1081 : vector<16xi32>
        %gather3A_1083 = arith.constant 3 : i32
        %gather3A_1084 = arith.constant 0 : i32
        %gather3A_1085 = arith.constant 0 : i32
        %gather3A_1086 = tpu.memref_slice %arg6[%gather3A_1083, %gather3A_1084, %gather3A_1085] : memref<8x64x128xf32, #tpu.memory_space<vmem>> -> memref<1x64x128xf32, #tpu.memory_space<vmem>>
        %gather3A_1087 = tpu.memref_squeeze %gather3A_1086 : memref<1x64x128xf32, #tpu.memory_space<vmem>> -> memref<64x128xf32, #tpu.memory_space<vmem>>
        %gather3A_1088 = tpu.vector_load_idx %gather3A_1087[%add3A_1082, %broadcast_in_dim3A_1047] : memref<64x128xf32, #tpu.memory_space<vmem>>[vector<16xi32>, vector<16xi32>], vector<16xf32>,
        tpu.vector_store_idx %arg7[%add3A_1082, %broadcast_in_dim3A_1048], %gather3A_1088 : memref<64x512xf32, #tpu.memory_space<vmem>>[vector<16xi32>, vector<16xi32>], vector<16xf32>,
      } else {
      }
      %dma_start3A_604 = arith.constant 3 : i32
      %dma_start3A_605 = arith.constant 0 : i32
      %dma_start3A_606 = arith.constant 0 : i32
      %dma_start3A_607 = tpu.memref_slice %arg6[%dma_start3A_604, %dma_start3A_605, %dma_start3A_606] : memref<8x64x128xf32, #tpu.memory_space<vmem>> -> memref<1x64x128xf32, #tpu.memory_space<vmem>>
      %dma_start3A_608 = tpu.memref_squeeze %dma_start3A_607 : memref<1x64x128xf32, #tpu.memory_space<vmem>> -> memref<64x128xf32, #tpu.memory_space<vmem>>
      %dma_start3A_609 = arith.constant 0 : i32
      %dma_start3A_610 = tpu.memref_slice %arg3[%dma_start3A_609, %multiple_of3A_596] : memref<64x1000000xf32, #tpu.memory_space<hbm>> -> memref<64x128xf32, #tpu.memory_space<hbm>>
      %dma_start3A_611 = arith.constant 0 : i32
      %dma_start3A_612 = arith.constant 0 : i32
      %dma_start3A_613 = tpu.memref_slice %arg6[%dma_start3A_604, %dma_start3A_611, %dma_start3A_612] : memref<8x64x128xf32, #tpu.memory_space<vmem>> -> memref<1x64x128xf32, #tpu.memory_space<vmem>>
      %dma_start3A_614 = tpu.memref_squeeze %dma_start3A_613 : memref<1x64x128xf32, #tpu.memory_space<vmem>> -> memref<64x128xf32, #tpu.memory_space<vmem>>
      %dma_start3A_615 = arith.constant 0 : i32
      %dma_start3A_616 = tpu.memref_slice %arg3[%dma_start3A_615, %multiple_of3A_596] : memref<64x1000000xf32, #tpu.memory_space<hbm>> -> memref<64x128xf32, #tpu.memory_space<hbm>>
      tpu.enqueue_dma source(%dma_start3A_616 : memref<64x128xf32, #tpu.memory_space<hbm>>) target(%dma_start3A_614 : memref<64x128xf32, #tpu.memory_space<vmem>>) target_semaphore(%arg12 : memref<!tpu.dma_semaphore, #tpu.memory_space<semaphore_mem>>)
      %swap3A_617 = arith.constant 3 : i32
      %swap3A_618 = arith.index_cast %swap3A_617 : i32 to index
      %swap3A_619 = memref.load %arg8[%swap3A_618] : memref<8xi32, #tpu.memory_space<smem>>
      memref.store %and3A_598, %arg8[%swap3A_618] : memref<8xi32, #tpu.memory_space<smem>>
      %mul3A_620 = arith.constant 16 : i32
      %mul3A_621 = arith.muli %scan3A_490, %mul3A_620 : i32
      %add3A_622 = arith.constant 4 : i32
      %add3A_623 = arith.addi %mul3A_621, %add3A_622 : i32
      %slice3A_624 = vector.extract_strided_slice %get3A_494 {offsets = [4], sizes = [1], strides = [1]} : vector<16xi32> to vector<1xi32>
      %squeeze3A_625 = vector.extract %slice3A_624[0] : i32 from vector<1xi32>
      %shift_right_arithmetic3A_626 = arith.constant 7 : i32
      %shift_right_arithmetic3A_627 = arith.shrsi %squeeze3A_625, %shift_right_arithmetic3A_626 : i32
      %shift_left3A_628 = arith.constant 7 : i32
      %shift_left3A_629 = arith.shli %shift_right_arithmetic3A_627, %shift_left3A_628 : i32
      %multiple_of3A_630 = tpu.assume_multiple %shift_left3A_629, 128 : i32
      %and3A_631 = arith.constant 127 : i32
      %and3A_632 = arith.andi %squeeze3A_625, %and3A_631 : i32
      %ge3A_633 = arith.constant 8 : i32
      %ge3A_634 = arith.cmpi sge, %add3A_623, %ge3A_633 : i32
      %convert_element_type3A_635 = arith.extui %ge3A_634 : i1 to i32
      %cond3A_636 = arith.constant 0 : i32
      %cond3A_637 = arith.cmpi ne, %convert_element_type3A_635, %cond3A_636 : i32
      scf.if %cond3A_637 {
        %dma_wait3A_1028 = arith.constant 4 : i32
        %dma_wait3A_1029 = arith.constant 0 : i32
        %dma_wait3A_1030 = arith.constant 0 : i32
        %dma_wait3A_1031 = tpu.memref_slice %arg6[%dma_wait3A_1028, %dma_wait3A_1029, %dma_wait3A_1030] : memref<8x64x128xf32, #tpu.memory_space<vmem>> -> memref<1x64x128xf32, #tpu.memory_space<vmem>>
        %dma_wait3A_1032 = tpu.memref_squeeze %dma_wait3A_1031 : memref<1x64x128xf32, #tpu.memory_space<vmem>> -> memref<64x128xf32, #tpu.memory_space<vmem>>
        %dma_wait3A_1033 = arith.constant 0 : i32
        %dma_wait3A_1034 = arith.constant 0 : i32
        %dma_wait3A_1035 = tpu.memref_slice %arg3[%dma_wait3A_1033, %dma_wait3A_1034] : memref<64x1000000xf32, #tpu.memory_space<hbm>> -> memref<64x128xf32, #tpu.memory_space<hbm>>
        %dma_wait3A_1036 = arith.constant 0 : i32
        %dma_wait3A_1037 = arith.constant 0 : i32
        %dma_wait3A_1038 = tpu.memref_slice %arg6[%dma_wait3A_1028, %dma_wait3A_1036, %dma_wait3A_1037] : memref<8x64x128xf32, #tpu.memory_space<vmem>> -> memref<1x64x128xf32, #tpu.memory_space<vmem>>
        %dma_wait3A_1039 = tpu.memref_squeeze %dma_wait3A_1038 : memref<1x64x128xf32, #tpu.memory_space<vmem>> -> memref<64x128xf32, #tpu.memory_space<vmem>>
        %dma_wait3A_1040 = arith.constant 0 : i32
        %dma_wait3A_1041 = arith.constant 0 : i32
        %dma_wait3A_1042 = tpu.memref_slice %arg3[%dma_wait3A_1040, %dma_wait3A_1041] : memref<64x1000000xf32, #tpu.memory_space<hbm>> -> memref<64x128xf32, #tpu.memory_space<hbm>>
        tpu.wait_dma2 semaphore(%arg13 : memref<!tpu.dma_semaphore, #tpu.memory_space<semaphore_mem>>) src(%dma_wait3A_1042 : memref<64x128xf32, #tpu.memory_space<hbm>>) dst(%dma_wait3A_1039 : memref<64x128xf32, #tpu.memory_space<vmem>>)
        %get3A_1043 = arith.constant 4 : i32
        %get3A_1044 = arith.index_cast %get3A_1043 : i32 to index
        %get3A_1045 = memref.load %arg8[%get3A_1044] : memref<8xi32, #tpu.memory_space<smem>>
        %sub3A = arith.constant 8 : i32
        %sub3A_1046 = arith.subi %add3A_623, %sub3A : i32
        %broadcast_in_dim3A_1047 = vector.broadcast %get3A_1045 : i32 to vector<16xi32>
        %broadcast_in_dim3A_1048 = vector.broadcast %sub3A_1046 : i32 to vector<16xi32>
        %iota3A_1049 = tpu.iota {dimensions = array<i32: 0>} : vector<16xi32>
        %add3A_1050 = arith.constant 0 : i32
        %add3A_1051 = vector.broadcast %add3A_1050 : i32 to vector<16xi32>
        %add3A_1052 = arith.addi %iota3A_1049, %add3A_1051 : vector<16xi32>
        %gather3A_1053 = arith.constant 4 : i32
        %gather3A_1054 = arith.constant 0 : i32
        %gather3A_1055 = arith.constant 0 : i32
        %gather3A_1056 = tpu.memref_slice %arg6[%gather3A_1053, %gather3A_1054, %gather3A_1055] : memref<8x64x128xf32, #tpu.memory_space<vmem>> -> memref<1x64x128xf32, #tpu.memory_space<vmem>>
        %gather3A_1057 = tpu.memref_squeeze %gather3A_1056 : memref<1x64x128xf32, #tpu.memory_space<vmem>> -> memref<64x128xf32, #tpu.memory_space<vmem>>
        %gather3A_1058 = tpu.vector_load_idx %gather3A_1057[%add3A_1052, %broadcast_in_dim3A_1047] : memref<64x128xf32, #tpu.memory_space<vmem>>[vector<16xi32>, vector<16xi32>], vector<16xf32>,
        tpu.vector_store_idx %arg7[%add3A_1052, %broadcast_in_dim3A_1048], %gather3A_1058 : memref<64x512xf32, #tpu.memory_space<vmem>>[vector<16xi32>, vector<16xi32>], vector<16xf32>,
        %iota3A_1059 = tpu.iota {dimensions = array<i32: 0>} : vector<16xi32>
        %add3A_1060 = arith.constant 16 : i32
        %add3A_1061 = vector.broadcast %add3A_1060 : i32 to vector<16xi32>
        %add3A_1062 = arith.addi %iota3A_1059, %add3A_1061 : vector<16xi32>
        %gather3A_1063 = arith.constant 4 : i32
        %gather3A_1064 = arith.constant 0 : i32
        %gather3A_1065 = arith.constant 0 : i32
        %gather3A_1066 = tpu.memref_slice %arg6[%gather3A_1063, %gather3A_1064, %gather3A_1065] : memref<8x64x128xf32, #tpu.memory_space<vmem>> -> memref<1x64x128xf32, #tpu.memory_space<vmem>>
        %gather3A_1067 = tpu.memref_squeeze %gather3A_1066 : memref<1x64x128xf32, #tpu.memory_space<vmem>> -> memref<64x128xf32, #tpu.memory_space<vmem>>
        %gather3A_1068 = tpu.vector_load_idx %gather3A_1067[%add3A_1062, %broadcast_in_dim3A_1047] : memref<64x128xf32, #tpu.memory_space<vmem>>[vector<16xi32>, vector<16xi32>], vector<16xf32>,
        tpu.vector_store_idx %arg7[%add3A_1062, %broadcast_in_dim3A_1048], %gather3A_1068 : memref<64x512xf32, #tpu.memory_space<vmem>>[vector<16xi32>, vector<16xi32>], vector<16xf32>,
        %iota3A_1069 = tpu.iota {dimensions = array<i32: 0>} : vector<16xi32>
        %add3A_1070 = arith.constant 32 : i32
        %add3A_1071 = vector.broadcast %add3A_1070 : i32 to vector<16xi32>
        %add3A_1072 = arith.addi %iota3A_1069, %add3A_1071 : vector<16xi32>
        %gather3A_1073 = arith.constant 4 : i32
        %gather3A_1074 = arith.constant 0 : i32
        %gather3A_1075 = arith.constant 0 : i32
        %gather3A_1076 = tpu.memref_slice %arg6[%gather3A_1073, %gather3A_1074, %gather3A_1075] : memref<8x64x128xf32, #tpu.memory_space<vmem>> -> memref<1x64x128xf32, #tpu.memory_space<vmem>>
        %gather3A_1077 = tpu.memref_squeeze %gather3A_1076 : memref<1x64x128xf32, #tpu.memory_space<vmem>> -> memref<64x128xf32, #tpu.memory_space<vmem>>
        %gather3A_1078 = tpu.vector_load_idx %gather3A_1077[%add3A_1072, %broadcast_in_dim3A_1047] : memref<64x128xf32, #tpu.memory_space<vmem>>[vector<16xi32>, vector<16xi32>], vector<16xf32>,
        tpu.vector_store_idx %arg7[%add3A_1072, %broadcast_in_dim3A_1048], %gather3A_1078 : memref<64x512xf32, #tpu.memory_space<vmem>>[vector<16xi32>, vector<16xi32>], vector<16xf32>,
        %iota3A_1079 = tpu.iota {dimensions = array<i32: 0>} : vector<16xi32>
        %add3A_1080 = arith.constant 48 : i32
        %add3A_1081 = vector.broadcast %add3A_1080 : i32 to vector<16xi32>
        %add3A_1082 = arith.addi %iota3A_1079, %add3A_1081 : vector<16xi32>
        %gather3A_1083 = arith.constant 4 : i32
        %gather3A_1084 = arith.constant 0 : i32
        %gather3A_1085 = arith.constant 0 : i32
        %gather3A_1086 = tpu.memref_slice %arg6[%gather3A_1083, %gather3A_1084, %gather3A_1085] : memref<8x64x128xf32, #tpu.memory_space<vmem>> -> memref<1x64x128xf32, #tpu.memory_space<vmem>>
        %gather3A_1087 = tpu.memref_squeeze %gather3A_1086 : memref<1x64x128xf32, #tpu.memory_space<vmem>> -> memref<64x128xf32, #tpu.memory_space<vmem>>
        %gather3A_1088 = tpu.vector_load_idx %gather3A_1087[%add3A_1082, %broadcast_in_dim3A_1047] : memref<64x128xf32, #tpu.memory_space<vmem>>[vector<16xi32>, vector<16xi32>], vector<16xf32>,
        tpu.vector_store_idx %arg7[%add3A_1082, %broadcast_in_dim3A_1048], %gather3A_1088 : memref<64x512xf32, #tpu.memory_space<vmem>>[vector<16xi32>, vector<16xi32>], vector<16xf32>,
      } else {
      }
      %dma_start3A_638 = arith.constant 4 : i32
      %dma_start3A_639 = arith.constant 0 : i32
      %dma_start3A_640 = arith.constant 0 : i32
      %dma_start3A_641 = tpu.memref_slice %arg6[%dma_start3A_638, %dma_start3A_639, %dma_start3A_640] : memref<8x64x128xf32, #tpu.memory_space<vmem>> -> memref<1x64x128xf32, #tpu.memory_space<vmem>>
      %dma_start3A_642 = tpu.memref_squeeze %dma_start3A_641 : memref<1x64x128xf32, #tpu.memory_space<vmem>> -> memref<64x128xf32, #tpu.memory_space<vmem>>
      %dma_start3A_643 = arith.constant 0 : i32
      %dma_start3A_644 = tpu.memref_slice %arg3[%dma_start3A_643, %multiple_of3A_630] : memref<64x1000000xf32, #tpu.memory_space<hbm>> -> memref<64x128xf32, #tpu.memory_space<hbm>>
      %dma_start3A_645 = arith.constant 0 : i32
      %dma_start3A_646 = arith.constant 0 : i32
      %dma_start3A_647 = tpu.memref_slice %arg6[%dma_start3A_638, %dma_start3A_645, %dma_start3A_646] : memref<8x64x128xf32, #tpu.memory_space<vmem>> -> memref<1x64x128xf32, #tpu.memory_space<vmem>>
      %dma_start3A_648 = tpu.memref_squeeze %dma_start3A_647 : memref<1x64x128xf32, #tpu.memory_space<vmem>> -> memref<64x128xf32, #tpu.memory_space<vmem>>
      %dma_start3A_649 = arith.constant 0 : i32
      %dma_start3A_650 = tpu.memref_slice %arg3[%dma_start3A_649, %multiple_of3A_630] : memref<64x1000000xf32, #tpu.memory_space<hbm>> -> memref<64x128xf32, #tpu.memory_space<hbm>>
      tpu.enqueue_dma source(%dma_start3A_650 : memref<64x128xf32, #tpu.memory_space<hbm>>) target(%dma_start3A_648 : memref<64x128xf32, #tpu.memory_space<vmem>>) target_semaphore(%arg13 : memref<!tpu.dma_semaphore, #tpu.memory_space<semaphore_mem>>)
      %swap3A_651 = arith.constant 4 : i32
      %swap3A_652 = arith.index_cast %swap3A_651 : i32 to index
      %swap3A_653 = memref.load %arg8[%swap3A_652] : memref<8xi32, #tpu.memory_space<smem>>
      memref.store %and3A_632, %arg8[%swap3A_652] : memref<8xi32, #tpu.memory_space<smem>>
      %mul3A_654 = arith.constant 16 : i32
      %mul3A_655 = arith.muli %scan3A_490, %mul3A_654 : i32
      %add3A_656 = arith.constant 5 : i32
      %add3A_657 = arith.addi %mul3A_655, %add3A_656 : i32
      %slice3A_658 = vector.extract_strided_slice %get3A_494 {offsets = [5], sizes = [1], strides = [1]} : vector<16xi32> to vector<1xi32>
      %squeeze3A_659 = vector.extract %slice3A_658[0] : i32 from vector<1xi32>
      %shift_right_arithmetic3A_660 = arith.constant 7 : i32
      %shift_right_arithmetic3A_661 = arith.shrsi %squeeze3A_659, %shift_right_arithmetic3A_660 : i32
      %shift_left3A_662 = arith.constant 7 : i32
      %shift_left3A_663 = arith.shli %shift_right_arithmetic3A_661, %shift_left3A_662 : i32
      %multiple_of3A_664 = tpu.assume_multiple %shift_left3A_663, 128 : i32
      %and3A_665 = arith.constant 127 : i32
      %and3A_666 = arith.andi %squeeze3A_659, %and3A_665 : i32
      %ge3A_667 = arith.constant 8 : i32
      %ge3A_668 = arith.cmpi sge, %add3A_657, %ge3A_667 : i32
      %convert_element_type3A_669 = arith.extui %ge3A_668 : i1 to i32
      %cond3A_670 = arith.constant 0 : i32
      %cond3A_671 = arith.cmpi ne, %convert_element_type3A_669, %cond3A_670 : i32
      scf.if %cond3A_671 {
        %dma_wait3A_1028 = arith.constant 5 : i32
        %dma_wait3A_1029 = arith.constant 0 : i32
        %dma_wait3A_1030 = arith.constant 0 : i32
        %dma_wait3A_1031 = tpu.memref_slice %arg6[%dma_wait3A_1028, %dma_wait3A_1029, %dma_wait3A_1030] : memref<8x64x128xf32, #tpu.memory_space<vmem>> -> memref<1x64x128xf32, #tpu.memory_space<vmem>>
        %dma_wait3A_1032 = tpu.memref_squeeze %dma_wait3A_1031 : memref<1x64x128xf32, #tpu.memory_space<vmem>> -> memref<64x128xf32, #tpu.memory_space<vmem>>
        %dma_wait3A_1033 = arith.constant 0 : i32
        %dma_wait3A_1034 = arith.constant 0 : i32
        %dma_wait3A_1035 = tpu.memref_slice %arg3[%dma_wait3A_1033, %dma_wait3A_1034] : memref<64x1000000xf32, #tpu.memory_space<hbm>> -> memref<64x128xf32, #tpu.memory_space<hbm>>
        %dma_wait3A_1036 = arith.constant 0 : i32
        %dma_wait3A_1037 = arith.constant 0 : i32
        %dma_wait3A_1038 = tpu.memref_slice %arg6[%dma_wait3A_1028, %dma_wait3A_1036, %dma_wait3A_1037] : memref<8x64x128xf32, #tpu.memory_space<vmem>> -> memref<1x64x128xf32, #tpu.memory_space<vmem>>
        %dma_wait3A_1039 = tpu.memref_squeeze %dma_wait3A_1038 : memref<1x64x128xf32, #tpu.memory_space<vmem>> -> memref<64x128xf32, #tpu.memory_space<vmem>>
        %dma_wait3A_1040 = arith.constant 0 : i32
        %dma_wait3A_1041 = arith.constant 0 : i32
        %dma_wait3A_1042 = tpu.memref_slice %arg3[%dma_wait3A_1040, %dma_wait3A_1041] : memref<64x1000000xf32, #tpu.memory_space<hbm>> -> memref<64x128xf32, #tpu.memory_space<hbm>>
        tpu.wait_dma2 semaphore(%arg14 : memref<!tpu.dma_semaphore, #tpu.memory_space<semaphore_mem>>) src(%dma_wait3A_1042 : memref<64x128xf32, #tpu.memory_space<hbm>>) dst(%dma_wait3A_1039 : memref<64x128xf32, #tpu.memory_space<vmem>>)
        %get3A_1043 = arith.constant 5 : i32
        %get3A_1044 = arith.index_cast %get3A_1043 : i32 to index
        %get3A_1045 = memref.load %arg8[%get3A_1044] : memref<8xi32, #tpu.memory_space<smem>>
        %sub3A = arith.constant 8 : i32
        %sub3A_1046 = arith.subi %add3A_657, %sub3A : i32
        %broadcast_in_dim3A_1047 = vector.broadcast %get3A_1045 : i32 to vector<16xi32>
        %broadcast_in_dim3A_1048 = vector.broadcast %sub3A_1046 : i32 to vector<16xi32>
        %iota3A_1049 = tpu.iota {dimensions = array<i32: 0>} : vector<16xi32>
        %add3A_1050 = arith.constant 0 : i32
        %add3A_1051 = vector.broadcast %add3A_1050 : i32 to vector<16xi32>
        %add3A_1052 = arith.addi %iota3A_1049, %add3A_1051 : vector<16xi32>
        %gather3A_1053 = arith.constant 5 : i32
        %gather3A_1054 = arith.constant 0 : i32
        %gather3A_1055 = arith.constant 0 : i32
        %gather3A_1056 = tpu.memref_slice %arg6[%gather3A_1053, %gather3A_1054, %gather3A_1055] : memref<8x64x128xf32, #tpu.memory_space<vmem>> -> memref<1x64x128xf32, #tpu.memory_space<vmem>>
        %gather3A_1057 = tpu.memref_squeeze %gather3A_1056 : memref<1x64x128xf32, #tpu.memory_space<vmem>> -> memref<64x128xf32, #tpu.memory_space<vmem>>
        %gather3A_1058 = tpu.vector_load_idx %gather3A_1057[%add3A_1052, %broadcast_in_dim3A_1047] : memref<64x128xf32, #tpu.memory_space<vmem>>[vector<16xi32>, vector<16xi32>], vector<16xf32>,
        tpu.vector_store_idx %arg7[%add3A_1052, %broadcast_in_dim3A_1048], %gather3A_1058 : memref<64x512xf32, #tpu.memory_space<vmem>>[vector<16xi32>, vector<16xi32>], vector<16xf32>,
        %iota3A_1059 = tpu.iota {dimensions = array<i32: 0>} : vector<16xi32>
        %add3A_1060 = arith.constant 16 : i32
        %add3A_1061 = vector.broadcast %add3A_1060 : i32 to vector<16xi32>
        %add3A_1062 = arith.addi %iota3A_1059, %add3A_1061 : vector<16xi32>
        %gather3A_1063 = arith.constant 5 : i32
        %gather3A_1064 = arith.constant 0 : i32
        %gather3A_1065 = arith.constant 0 : i32
        %gather3A_1066 = tpu.memref_slice %arg6[%gather3A_1063, %gather3A_1064, %gather3A_1065] : memref<8x64x128xf32, #tpu.memory_space<vmem>> -> memref<1x64x128xf32, #tpu.memory_space<vmem>>
        %gather3A_1067 = tpu.memref_squeeze %gather3A_1066 : memref<1x64x128xf32, #tpu.memory_space<vmem>> -> memref<64x128xf32, #tpu.memory_space<vmem>>
        %gather3A_1068 = tpu.vector_load_idx %gather3A_1067[%add3A_1062, %broadcast_in_dim3A_1047] : memref<64x128xf32, #tpu.memory_space<vmem>>[vector<16xi32>, vector<16xi32>], vector<16xf32>,
        tpu.vector_store_idx %arg7[%add3A_1062, %broadcast_in_dim3A_1048], %gather3A_1068 : memref<64x512xf32, #tpu.memory_space<vmem>>[vector<16xi32>, vector<16xi32>], vector<16xf32>,
        %iota3A_1069 = tpu.iota {dimensions = array<i32: 0>} : vector<16xi32>
        %add3A_1070 = arith.constant 32 : i32
        %add3A_1071 = vector.broadcast %add3A_1070 : i32 to vector<16xi32>
        %add3A_1072 = arith.addi %iota3A_1069, %add3A_1071 : vector<16xi32>
        %gather3A_1073 = arith.constant 5 : i32
        %gather3A_1074 = arith.constant 0 : i32
        %gather3A_1075 = arith.constant 0 : i32
        %gather3A_1076 = tpu.memref_slice %arg6[%gather3A_1073, %gather3A_1074, %gather3A_1075] : memref<8x64x128xf32, #tpu.memory_space<vmem>> -> memref<1x64x128xf32, #tpu.memory_space<vmem>>
        %gather3A_1077 = tpu.memref_squeeze %gather3A_1076 : memref<1x64x128xf32, #tpu.memory_space<vmem>> -> memref<64x128xf32, #tpu.memory_space<vmem>>
        %gather3A_1078 = tpu.vector_load_idx %gather3A_1077[%add3A_1072, %broadcast_in_dim3A_1047] : memref<64x128xf32, #tpu.memory_space<vmem>>[vector<16xi32>, vector<16xi32>], vector<16xf32>,
        tpu.vector_store_idx %arg7[%add3A_1072, %broadcast_in_dim3A_1048], %gather3A_1078 : memref<64x512xf32, #tpu.memory_space<vmem>>[vector<16xi32>, vector<16xi32>], vector<16xf32>,
        %iota3A_1079 = tpu.iota {dimensions = array<i32: 0>} : vector<16xi32>
        %add3A_1080 = arith.constant 48 : i32
        %add3A_1081 = vector.broadcast %add3A_1080 : i32 to vector<16xi32>
        %add3A_1082 = arith.addi %iota3A_1079, %add3A_1081 : vector<16xi32>
        %gather3A_1083 = arith.constant 5 : i32
        %gather3A_1084 = arith.constant 0 : i32
        %gather3A_1085 = arith.constant 0 : i32
        %gather3A_1086 = tpu.memref_slice %arg6[%gather3A_1083, %gather3A_1084, %gather3A_1085] : memref<8x64x128xf32, #tpu.memory_space<vmem>> -> memref<1x64x128xf32, #tpu.memory_space<vmem>>
        %gather3A_1087 = tpu.memref_squeeze %gather3A_1086 : memref<1x64x128xf32, #tpu.memory_space<vmem>> -> memref<64x128xf32, #tpu.memory_space<vmem>>
        %gather3A_1088 = tpu.vector_load_idx %gather3A_1087[%add3A_1082, %broadcast_in_dim3A_1047] : memref<64x128xf32, #tpu.memory_space<vmem>>[vector<16xi32>, vector<16xi32>], vector<16xf32>,
        tpu.vector_store_idx %arg7[%add3A_1082, %broadcast_in_dim3A_1048], %gather3A_1088 : memref<64x512xf32, #tpu.memory_space<vmem>>[vector<16xi32>, vector<16xi32>], vector<16xf32>,
      } else {
      }
      %dma_start3A_672 = arith.constant 5 : i32
      %dma_start3A_673 = arith.constant 0 : i32
      %dma_start3A_674 = arith.constant 0 : i32
      %dma_start3A_675 = tpu.memref_slice %arg6[%dma_start3A_672, %dma_start3A_673, %dma_start3A_674] : memref<8x64x128xf32, #tpu.memory_space<vmem>> -> memref<1x64x128xf32, #tpu.memory_space<vmem>>
      %dma_start3A_676 = tpu.memref_squeeze %dma_start3A_675 : memref<1x64x128xf32, #tpu.memory_space<vmem>> -> memref<64x128xf32, #tpu.memory_space<vmem>>
      %dma_start3A_677 = arith.constant 0 : i32
      %dma_start3A_678 = tpu.memref_slice %arg3[%dma_start3A_677, %multiple_of3A_664] : memref<64x1000000xf32, #tpu.memory_space<hbm>> -> memref<64x128xf32, #tpu.memory_space<hbm>>
      %dma_start3A_679 = arith.constant 0 : i32
      %dma_start3A_680 = arith.constant 0 : i32
      %dma_start3A_681 = tpu.memref_slice %arg6[%dma_start3A_672, %dma_start3A_679, %dma_start3A_680] : memref<8x64x128xf32, #tpu.memory_space<vmem>> -> memref<1x64x128xf32, #tpu.memory_space<vmem>>
      %dma_start3A_682 = tpu.memref_squeeze %dma_start3A_681 : memref<1x64x128xf32, #tpu.memory_space<vmem>> -> memref<64x128xf32, #tpu.memory_space<vmem>>
      %dma_start3A_683 = arith.constant 0 : i32
      %dma_start3A_684 = tpu.memref_slice %arg3[%dma_start3A_683, %multiple_of3A_664] : memref<64x1000000xf32, #tpu.memory_space<hbm>> -> memref<64x128xf32, #tpu.memory_space<hbm>>
      tpu.enqueue_dma source(%dma_start3A_684 : memref<64x128xf32, #tpu.memory_space<hbm>>) target(%dma_start3A_682 : memref<64x128xf32, #tpu.memory_space<vmem>>) target_semaphore(%arg14 : memref<!tpu.dma_semaphore, #tpu.memory_space<semaphore_mem>>)
      %swap3A_685 = arith.constant 5 : i32
      %swap3A_686 = arith.index_cast %swap3A_685 : i32 to index
      %swap3A_687 = memref.load %arg8[%swap3A_686] : memref<8xi32, #tpu.memory_space<smem>>
      memref.store %and3A_666, %arg8[%swap3A_686] : memref<8xi32, #tpu.memory_space<smem>>
      %mul3A_688 = arith.constant 16 : i32
      %mul3A_689 = arith.muli %scan3A_490, %mul3A_688 : i32
      %add3A_690 = arith.constant 6 : i32
      %add3A_691 = arith.addi %mul3A_689, %add3A_690 : i32
      %slice3A_692 = vector.extract_strided_slice %get3A_494 {offsets = [6], sizes = [1], strides = [1]} : vector<16xi32> to vector<1xi32>
      %squeeze3A_693 = vector.extract %slice3A_692[0] : i32 from vector<1xi32>
      %shift_right_arithmetic3A_694 = arith.constant 7 : i32
      %shift_right_arithmetic3A_695 = arith.shrsi %squeeze3A_693, %shift_right_arithmetic3A_694 : i32
      %shift_left3A_696 = arith.constant 7 : i32
      %shift_left3A_697 = arith.shli %shift_right_arithmetic3A_695, %shift_left3A_696 : i32
      %multiple_of3A_698 = tpu.assume_multiple %shift_left3A_697, 128 : i32
      %and3A_699 = arith.constant 127 : i32
      %and3A_700 = arith.andi %squeeze3A_693, %and3A_699 : i32
      %ge3A_701 = arith.constant 8 : i32
      %ge3A_702 = arith.cmpi sge, %add3A_691, %ge3A_701 : i32
      %convert_element_type3A_703 = arith.extui %ge3A_702 : i1 to i32
      %cond3A_704 = arith.constant 0 : i32
      %cond3A_705 = arith.cmpi ne, %convert_element_type3A_703, %cond3A_704 : i32
      scf.if %cond3A_705 {
        %dma_wait3A_1028 = arith.constant 6 : i32
        %dma_wait3A_1029 = arith.constant 0 : i32
        %dma_wait3A_1030 = arith.constant 0 : i32
        %dma_wait3A_1031 = tpu.memref_slice %arg6[%dma_wait3A_1028, %dma_wait3A_1029, %dma_wait3A_1030] : memref<8x64x128xf32, #tpu.memory_space<vmem>> -> memref<1x64x128xf32, #tpu.memory_space<vmem>>
        %dma_wait3A_1032 = tpu.memref_squeeze %dma_wait3A_1031 : memref<1x64x128xf32, #tpu.memory_space<vmem>> -> memref<64x128xf32, #tpu.memory_space<vmem>>
        %dma_wait3A_1033 = arith.constant 0 : i32
        %dma_wait3A_1034 = arith.constant 0 : i32
        %dma_wait3A_1035 = tpu.memref_slice %arg3[%dma_wait3A_1033, %dma_wait3A_1034] : memref<64x1000000xf32, #tpu.memory_space<hbm>> -> memref<64x128xf32, #tpu.memory_space<hbm>>
        %dma_wait3A_1036 = arith.constant 0 : i32
        %dma_wait3A_1037 = arith.constant 0 : i32
        %dma_wait3A_1038 = tpu.memref_slice %arg6[%dma_wait3A_1028, %dma_wait3A_1036, %dma_wait3A_1037] : memref<8x64x128xf32, #tpu.memory_space<vmem>> -> memref<1x64x128xf32, #tpu.memory_space<vmem>>
        %dma_wait3A_1039 = tpu.memref_squeeze %dma_wait3A_1038 : memref<1x64x128xf32, #tpu.memory_space<vmem>> -> memref<64x128xf32, #tpu.memory_space<vmem>>
        %dma_wait3A_1040 = arith.constant 0 : i32
        %dma_wait3A_1041 = arith.constant 0 : i32
        %dma_wait3A_1042 = tpu.memref_slice %arg3[%dma_wait3A_1040, %dma_wait3A_1041] : memref<64x1000000xf32, #tpu.memory_space<hbm>> -> memref<64x128xf32, #tpu.memory_space<hbm>>
        tpu.wait_dma2 semaphore(%arg15 : memref<!tpu.dma_semaphore, #tpu.memory_space<semaphore_mem>>) src(%dma_wait3A_1042 : memref<64x128xf32, #tpu.memory_space<hbm>>) dst(%dma_wait3A_1039 : memref<64x128xf32, #tpu.memory_space<vmem>>)
        %get3A_1043 = arith.constant 6 : i32
        %get3A_1044 = arith.index_cast %get3A_1043 : i32 to index
        %get3A_1045 = memref.load %arg8[%get3A_1044] : memref<8xi32, #tpu.memory_space<smem>>
        %sub3A = arith.constant 8 : i32
        %sub3A_1046 = arith.subi %add3A_691, %sub3A : i32
        %broadcast_in_dim3A_1047 = vector.broadcast %get3A_1045 : i32 to vector<16xi32>
        %broadcast_in_dim3A_1048 = vector.broadcast %sub3A_1046 : i32 to vector<16xi32>
        %iota3A_1049 = tpu.iota {dimensions = array<i32: 0>} : vector<16xi32>
        %add3A_1050 = arith.constant 0 : i32
        %add3A_1051 = vector.broadcast %add3A_1050 : i32 to vector<16xi32>
        %add3A_1052 = arith.addi %iota3A_1049, %add3A_1051 : vector<16xi32>
        %gather3A_1053 = arith.constant 6 : i32
        %gather3A_1054 = arith.constant 0 : i32
        %gather3A_1055 = arith.constant 0 : i32
        %gather3A_1056 = tpu.memref_slice %arg6[%gather3A_1053, %gather3A_1054, %gather3A_1055] : memref<8x64x128xf32, #tpu.memory_space<vmem>> -> memref<1x64x128xf32, #tpu.memory_space<vmem>>
        %gather3A_1057 = tpu.memref_squeeze %gather3A_1056 : memref<1x64x128xf32, #tpu.memory_space<vmem>> -> memref<64x128xf32, #tpu.memory_space<vmem>>
        %gather3A_1058 = tpu.vector_load_idx %gather3A_1057[%add3A_1052, %broadcast_in_dim3A_1047] : memref<64x128xf32, #tpu.memory_space<vmem>>[vector<16xi32>, vector<16xi32>], vector<16xf32>,
        tpu.vector_store_idx %arg7[%add3A_1052, %broadcast_in_dim3A_1048], %gather3A_1058 : memref<64x512xf32, #tpu.memory_space<vmem>>[vector<16xi32>, vector<16xi32>], vector<16xf32>,
        %iota3A_1059 = tpu.iota {dimensions = array<i32: 0>} : vector<16xi32>
        %add3A_1060 = arith.constant 16 : i32
        %add3A_1061 = vector.broadcast %add3A_1060 : i32 to vector<16xi32>
        %add3A_1062 = arith.addi %iota3A_1059, %add3A_1061 : vector<16xi32>
        %gather3A_1063 = arith.constant 6 : i32
        %gather3A_1064 = arith.constant 0 : i32
        %gather3A_1065 = arith.constant 0 : i32
        %gather3A_1066 = tpu.memref_slice %arg6[%gather3A_1063, %gather3A_1064, %gather3A_1065] : memref<8x64x128xf32, #tpu.memory_space<vmem>> -> memref<1x64x128xf32, #tpu.memory_space<vmem>>
        %gather3A_1067 = tpu.memref_squeeze %gather3A_1066 : memref<1x64x128xf32, #tpu.memory_space<vmem>> -> memref<64x128xf32, #tpu.memory_space<vmem>>
        %gather3A_1068 = tpu.vector_load_idx %gather3A_1067[%add3A_1062, %broadcast_in_dim3A_1047] : memref<64x128xf32, #tpu.memory_space<vmem>>[vector<16xi32>, vector<16xi32>], vector<16xf32>,
        tpu.vector_store_idx %arg7[%add3A_1062, %broadcast_in_dim3A_1048], %gather3A_1068 : memref<64x512xf32, #tpu.memory_space<vmem>>[vector<16xi32>, vector<16xi32>], vector<16xf32>,
        %iota3A_1069 = tpu.iota {dimensions = array<i32: 0>} : vector<16xi32>
        %add3A_1070 = arith.constant 32 : i32
        %add3A_1071 = vector.broadcast %add3A_1070 : i32 to vector<16xi32>
        %add3A_1072 = arith.addi %iota3A_1069, %add3A_1071 : vector<16xi32>
        %gather3A_1073 = arith.constant 6 : i32
        %gather3A_1074 = arith.constant 0 : i32
        %gather3A_1075 = arith.constant 0 : i32
        %gather3A_1076 = tpu.memref_slice %arg6[%gather3A_1073, %gather3A_1074, %gather3A_1075] : memref<8x64x128xf32, #tpu.memory_space<vmem>> -> memref<1x64x128xf32, #tpu.memory_space<vmem>>
        %gather3A_1077 = tpu.memref_squeeze %gather3A_1076 : memref<1x64x128xf32, #tpu.memory_space<vmem>> -> memref<64x128xf32, #tpu.memory_space<vmem>>
        %gather3A_1078 = tpu.vector_load_idx %gather3A_1077[%add3A_1072, %broadcast_in_dim3A_1047] : memref<64x128xf32, #tpu.memory_space<vmem>>[vector<16xi32>, vector<16xi32>], vector<16xf32>,
        tpu.vector_store_idx %arg7[%add3A_1072, %broadcast_in_dim3A_1048], %gather3A_1078 : memref<64x512xf32, #tpu.memory_space<vmem>>[vector<16xi32>, vector<16xi32>], vector<16xf32>,
        %iota3A_1079 = tpu.iota {dimensions = array<i32: 0>} : vector<16xi32>
        %add3A_1080 = arith.constant 48 : i32
        %add3A_1081 = vector.broadcast %add3A_1080 : i32 to vector<16xi32>
        %add3A_1082 = arith.addi %iota3A_1079, %add3A_1081 : vector<16xi32>
        %gather3A_1083 = arith.constant 6 : i32
        %gather3A_1084 = arith.constant 0 : i32
        %gather3A_1085 = arith.constant 0 : i32
        %gather3A_1086 = tpu.memref_slice %arg6[%gather3A_1083, %gather3A_1084, %gather3A_1085] : memref<8x64x128xf32, #tpu.memory_space<vmem>> -> memref<1x64x128xf32, #tpu.memory_space<vmem>>
        %gather3A_1087 = tpu.memref_squeeze %gather3A_1086 : memref<1x64x128xf32, #tpu.memory_space<vmem>> -> memref<64x128xf32, #tpu.memory_space<vmem>>
        %gather3A_1088 = tpu.vector_load_idx %gather3A_1087[%add3A_1082, %broadcast_in_dim3A_1047] : memref<64x128xf32, #tpu.memory_space<vmem>>[vector<16xi32>, vector<16xi32>], vector<16xf32>,
        tpu.vector_store_idx %arg7[%add3A_1082, %broadcast_in_dim3A_1048], %gather3A_1088 : memref<64x512xf32, #tpu.memory_space<vmem>>[vector<16xi32>, vector<16xi32>], vector<16xf32>,
      } else {
      }
      %dma_start3A_706 = arith.constant 6 : i32
      %dma_start3A_707 = arith.constant 0 : i32
      %dma_start3A_708 = arith.constant 0 : i32
      %dma_start3A_709 = tpu.memref_slice %arg6[%dma_start3A_706, %dma_start3A_707, %dma_start3A_708] : memref<8x64x128xf32, #tpu.memory_space<vmem>> -> memref<1x64x128xf32, #tpu.memory_space<vmem>>
      %dma_start3A_710 = tpu.memref_squeeze %dma_start3A_709 : memref<1x64x128xf32, #tpu.memory_space<vmem>> -> memref<64x128xf32, #tpu.memory_space<vmem>>
      %dma_start3A_711 = arith.constant 0 : i32
      %dma_start3A_712 = tpu.memref_slice %arg3[%dma_start3A_711, %multiple_of3A_698] : memref<64x1000000xf32, #tpu.memory_space<hbm>> -> memref<64x128xf32, #tpu.memory_space<hbm>>
      %dma_start3A_713 = arith.constant 0 : i32
      %dma_start3A_714 = arith.constant 0 : i32
      %dma_start3A_715 = tpu.memref_slice %arg6[%dma_start3A_706, %dma_start3A_713, %dma_start3A_714] : memref<8x64x128xf32, #tpu.memory_space<vmem>> -> memref<1x64x128xf32, #tpu.memory_space<vmem>>
      %dma_start3A_716 = tpu.memref_squeeze %dma_start3A_715 : memref<1x64x128xf32, #tpu.memory_space<vmem>> -> memref<64x128xf32, #tpu.memory_space<vmem>>
      %dma_start3A_717 = arith.constant 0 : i32
      %dma_start3A_718 = tpu.memref_slice %arg3[%dma_start3A_717, %multiple_of3A_698] : memref<64x1000000xf32, #tpu.memory_space<hbm>> -> memref<64x128xf32, #tpu.memory_space<hbm>>
      tpu.enqueue_dma source(%dma_start3A_718 : memref<64x128xf32, #tpu.memory_space<hbm>>) target(%dma_start3A_716 : memref<64x128xf32, #tpu.memory_space<vmem>>) target_semaphore(%arg15 : memref<!tpu.dma_semaphore, #tpu.memory_space<semaphore_mem>>)
      %swap3A_719 = arith.constant 6 : i32
      %swap3A_720 = arith.index_cast %swap3A_719 : i32 to index
      %swap3A_721 = memref.load %arg8[%swap3A_720] : memref<8xi32, #tpu.memory_space<smem>>
      memref.store %and3A_700, %arg8[%swap3A_720] : memref<8xi32, #tpu.memory_space<smem>>
      %mul3A_722 = arith.constant 16 : i32
      %mul3A_723 = arith.muli %scan3A_490, %mul3A_722 : i32
      %add3A_724 = arith.constant 7 : i32
      %add3A_725 = arith.addi %mul3A_723, %add3A_724 : i32
      %slice3A_726 = vector.extract_strided_slice %get3A_494 {offsets = [7], sizes = [1], strides = [1]} : vector<16xi32> to vector<1xi32>
      %squeeze3A_727 = vector.extract %slice3A_726[0] : i32 from vector<1xi32>
      %shift_right_arithmetic3A_728 = arith.constant 7 : i32
      %shift_right_arithmetic3A_729 = arith.shrsi %squeeze3A_727, %shift_right_arithmetic3A_728 : i32
      %shift_left3A_730 = arith.constant 7 : i32
      %shift_left3A_731 = arith.shli %shift_right_arithmetic3A_729, %shift_left3A_730 : i32
      %multiple_of3A_732 = tpu.assume_multiple %shift_left3A_731, 128 : i32
      %and3A_733 = arith.constant 127 : i32
      %and3A_734 = arith.andi %squeeze3A_727, %and3A_733 : i32
      %ge3A_735 = arith.constant 8 : i32
      %ge3A_736 = arith.cmpi sge, %add3A_725, %ge3A_735 : i32
      %convert_element_type3A_737 = arith.extui %ge3A_736 : i1 to i32
      %cond3A_738 = arith.constant 0 : i32
      %cond3A_739 = arith.cmpi ne, %convert_element_type3A_737, %cond3A_738 : i32
      scf.if %cond3A_739 {
        %dma_wait3A_1028 = arith.constant 7 : i32
        %dma_wait3A_1029 = arith.constant 0 : i32
        %dma_wait3A_1030 = arith.constant 0 : i32
        %dma_wait3A_1031 = tpu.memref_slice %arg6[%dma_wait3A_1028, %dma_wait3A_1029, %dma_wait3A_1030] : memref<8x64x128xf32, #tpu.memory_space<vmem>> -> memref<1x64x128xf32, #tpu.memory_space<vmem>>
        %dma_wait3A_1032 = tpu.memref_squeeze %dma_wait3A_1031 : memref<1x64x128xf32, #tpu.memory_space<vmem>> -> memref<64x128xf32, #tpu.memory_space<vmem>>
        %dma_wait3A_1033 = arith.constant 0 : i32
        %dma_wait3A_1034 = arith.constant 0 : i32
        %dma_wait3A_1035 = tpu.memref_slice %arg3[%dma_wait3A_1033, %dma_wait3A_1034] : memref<64x1000000xf32, #tpu.memory_space<hbm>> -> memref<64x128xf32, #tpu.memory_space<hbm>>
        %dma_wait3A_1036 = arith.constant 0 : i32
        %dma_wait3A_1037 = arith.constant 0 : i32
        %dma_wait3A_1038 = tpu.memref_slice %arg6[%dma_wait3A_1028, %dma_wait3A_1036, %dma_wait3A_1037] : memref<8x64x128xf32, #tpu.memory_space<vmem>> -> memref<1x64x128xf32, #tpu.memory_space<vmem>>
        %dma_wait3A_1039 = tpu.memref_squeeze %dma_wait3A_1038 : memref<1x64x128xf32, #tpu.memory_space<vmem>> -> memref<64x128xf32, #tpu.memory_space<vmem>>
        %dma_wait3A_1040 = arith.constant 0 : i32
        %dma_wait3A_1041 = arith.constant 0 : i32
        %dma_wait3A_1042 = tpu.memref_slice %arg3[%dma_wait3A_1040, %dma_wait3A_1041] : memref<64x1000000xf32, #tpu.memory_space<hbm>> -> memref<64x128xf32, #tpu.memory_space<hbm>>
        tpu.wait_dma2 semaphore(%arg16 : memref<!tpu.dma_semaphore, #tpu.memory_space<semaphore_mem>>) src(%dma_wait3A_1042 : memref<64x128xf32, #tpu.memory_space<hbm>>) dst(%dma_wait3A_1039 : memref<64x128xf32, #tpu.memory_space<vmem>>)
        %get3A_1043 = arith.constant 7 : i32
        %get3A_1044 = arith.index_cast %get3A_1043 : i32 to index
        %get3A_1045 = memref.load %arg8[%get3A_1044] : memref<8xi32, #tpu.memory_space<smem>>
        %sub3A = arith.constant 8 : i32
        %sub3A_1046 = arith.subi %add3A_725, %sub3A : i32
        %broadcast_in_dim3A_1047 = vector.broadcast %get3A_1045 : i32 to vector<16xi32>
        %broadcast_in_dim3A_1048 = vector.broadcast %sub3A_1046 : i32 to vector<16xi32>
        %iota3A_1049 = tpu.iota {dimensions = array<i32: 0>} : vector<16xi32>
        %add3A_1050 = arith.constant 0 : i32
        %add3A_1051 = vector.broadcast %add3A_1050 : i32 to vector<16xi32>
        %add3A_1052 = arith.addi %iota3A_1049, %add3A_1051 : vector<16xi32>
        %gather3A_1053 = arith.constant 7 : i32
        %gather3A_1054 = arith.constant 0 : i32
        %gather3A_1055 = arith.constant 0 : i32
        %gather3A_1056 = tpu.memref_slice %arg6[%gather3A_1053, %gather3A_1054, %gather3A_1055] : memref<8x64x128xf32, #tpu.memory_space<vmem>> -> memref<1x64x128xf32, #tpu.memory_space<vmem>>
        %gather3A_1057 = tpu.memref_squeeze %gather3A_1056 : memref<1x64x128xf32, #tpu.memory_space<vmem>> -> memref<64x128xf32, #tpu.memory_space<vmem>>
        %gather3A_1058 = tpu.vector_load_idx %gather3A_1057[%add3A_1052, %broadcast_in_dim3A_1047] : memref<64x128xf32, #tpu.memory_space<vmem>>[vector<16xi32>, vector<16xi32>], vector<16xf32>,
        tpu.vector_store_idx %arg7[%add3A_1052, %broadcast_in_dim3A_1048], %gather3A_1058 : memref<64x512xf32, #tpu.memory_space<vmem>>[vector<16xi32>, vector<16xi32>], vector<16xf32>,
        %iota3A_1059 = tpu.iota {dimensions = array<i32: 0>} : vector<16xi32>
        %add3A_1060 = arith.constant 16 : i32
        %add3A_1061 = vector.broadcast %add3A_1060 : i32 to vector<16xi32>
        %add3A_1062 = arith.addi %iota3A_1059, %add3A_1061 : vector<16xi32>
        %gather3A_1063 = arith.constant 7 : i32
        %gather3A_1064 = arith.constant 0 : i32
        %gather3A_1065 = arith.constant 0 : i32
        %gather3A_1066 = tpu.memref_slice %arg6[%gather3A_1063, %gather3A_1064, %gather3A_1065] : memref<8x64x128xf32, #tpu.memory_space<vmem>> -> memref<1x64x128xf32, #tpu.memory_space<vmem>>
        %gather3A_1067 = tpu.memref_squeeze %gather3A_1066 : memref<1x64x128xf32, #tpu.memory_space<vmem>> -> memref<64x128xf32, #tpu.memory_space<vmem>>
        %gather3A_1068 = tpu.vector_load_idx %gather3A_1067[%add3A_1062, %broadcast_in_dim3A_1047] : memref<64x128xf32, #tpu.memory_space<vmem>>[vector<16xi32>, vector<16xi32>], vector<16xf32>,
        tpu.vector_store_idx %arg7[%add3A_1062, %broadcast_in_dim3A_1048], %gather3A_1068 : memref<64x512xf32, #tpu.memory_space<vmem>>[vector<16xi32>, vector<16xi32>], vector<16xf32>,
        %iota3A_1069 = tpu.iota {dimensions = array<i32: 0>} : vector<16xi32>
        %add3A_1070 = arith.constant 32 : i32
        %add3A_1071 = vector.broadcast %add3A_1070 : i32 to vector<16xi32>
        %add3A_1072 = arith.addi %iota3A_1069, %add3A_1071 : vector<16xi32>
        %gather3A_1073 = arith.constant 7 : i32
        %gather3A_1074 = arith.constant 0 : i32
        %gather3A_1075 = arith.constant 0 : i32
        %gather3A_1076 = tpu.memref_slice %arg6[%gather3A_1073, %gather3A_1074, %gather3A_1075] : memref<8x64x128xf32, #tpu.memory_space<vmem>> -> memref<1x64x128xf32, #tpu.memory_space<vmem>>
        %gather3A_1077 = tpu.memref_squeeze %gather3A_1076 : memref<1x64x128xf32, #tpu.memory_space<vmem>> -> memref<64x128xf32, #tpu.memory_space<vmem>>
        %gather3A_1078 = tpu.vector_load_idx %gather3A_1077[%add3A_1072, %broadcast_in_dim3A_1047] : memref<64x128xf32, #tpu.memory_space<vmem>>[vector<16xi32>, vector<16xi32>], vector<16xf32>,
        tpu.vector_store_idx %arg7[%add3A_1072, %broadcast_in_dim3A_1048], %gather3A_1078 : memref<64x512xf32, #tpu.memory_space<vmem>>[vector<16xi32>, vector<16xi32>], vector<16xf32>,
        %iota3A_1079 = tpu.iota {dimensions = array<i32: 0>} : vector<16xi32>
        %add3A_1080 = arith.constant 48 : i32
        %add3A_1081 = vector.broadcast %add3A_1080 : i32 to vector<16xi32>
        %add3A_1082 = arith.addi %iota3A_1079, %add3A_1081 : vector<16xi32>
        %gather3A_1083 = arith.constant 7 : i32
        %gather3A_1084 = arith.constant 0 : i32
        %gather3A_1085 = arith.constant 0 : i32
        %gather3A_1086 = tpu.memref_slice %arg6[%gather3A_1083, %gather3A_1084, %gather3A_1085] : memref<8x64x128xf32, #tpu.memory_space<vmem>> -> memref<1x64x128xf32, #tpu.memory_space<vmem>>
        %gather3A_1087 = tpu.memref_squeeze %gather3A_1086 : memref<1x64x128xf32, #tpu.memory_space<vmem>> -> memref<64x128xf32, #tpu.memory_space<vmem>>
        %gather3A_1088 = tpu.vector_load_idx %gather3A_1087[%add3A_1082, %broadcast_in_dim3A_1047] : memref<64x128xf32, #tpu.memory_space<vmem>>[vector<16xi32>, vector<16xi32>], vector<16xf32>,
        tpu.vector_store_idx %arg7[%add3A_1082, %broadcast_in_dim3A_1048], %gather3A_1088 : memref<64x512xf32, #tpu.memory_space<vmem>>[vector<16xi32>, vector<16xi32>], vector<16xf32>,
      } else {
      }
      %dma_start3A_740 = arith.constant 7 : i32
      %dma_start3A_741 = arith.constant 0 : i32
      %dma_start3A_742 = arith.constant 0 : i32
      %dma_start3A_743 = tpu.memref_slice %arg6[%dma_start3A_740, %dma_start3A_741, %dma_start3A_742] : memref<8x64x128xf32, #tpu.memory_space<vmem>> -> memref<1x64x128xf32, #tpu.memory_space<vmem>>
      %dma_start3A_744 = tpu.memref_squeeze %dma_start3A_743 : memref<1x64x128xf32, #tpu.memory_space<vmem>> -> memref<64x128xf32, #tpu.memory_space<vmem>>
      %dma_start3A_745 = arith.constant 0 : i32
      %dma_start3A_746 = tpu.memref_slice %arg3[%dma_start3A_745, %multiple_of3A_732] : memref<64x1000000xf32, #tpu.memory_space<hbm>> -> memref<64x128xf32, #tpu.memory_space<hbm>>
      %dma_start3A_747 = arith.constant 0 : i32
      %dma_start3A_748 = arith.constant 0 : i32
      %dma_start3A_749 = tpu.memref_slice %arg6[%dma_start3A_740, %dma_start3A_747, %dma_start3A_748] : memref<8x64x128xf32, #tpu.memory_space<vmem>> -> memref<1x64x128xf32, #tpu.memory_space<vmem>>
      %dma_start3A_750 = tpu.memref_squeeze %dma_start3A_749 : memref<1x64x128xf32, #tpu.memory_space<vmem>> -> memref<64x128xf32, #tpu.memory_space<vmem>>
      %dma_start3A_751 = arith.constant 0 : i32
      %dma_start3A_752 = tpu.memref_slice %arg3[%dma_start3A_751, %multiple_of3A_732] : memref<64x1000000xf32, #tpu.memory_space<hbm>> -> memref<64x128xf32, #tpu.memory_space<hbm>>
      tpu.enqueue_dma source(%dma_start3A_752 : memref<64x128xf32, #tpu.memory_space<hbm>>) target(%dma_start3A_750 : memref<64x128xf32, #tpu.memory_space<vmem>>) target_semaphore(%arg16 : memref<!tpu.dma_semaphore, #tpu.memory_space<semaphore_mem>>)
      %swap3A_753 = arith.constant 7 : i32
      %swap3A_754 = arith.index_cast %swap3A_753 : i32 to index
      %swap3A_755 = memref.load %arg8[%swap3A_754] : memref<8xi32, #tpu.memory_space<smem>>
      memref.store %and3A_734, %arg8[%swap3A_754] : memref<8xi32, #tpu.memory_space<smem>>
      %mul3A_756 = arith.constant 16 : i32
      %mul3A_757 = arith.muli %scan3A_490, %mul3A_756 : i32
      %add3A_758 = arith.constant 8 : i32
      %add3A_759 = arith.addi %mul3A_757, %add3A_758 : i32
      %slice3A_760 = vector.extract_strided_slice %get3A_494 {offsets = [8], sizes = [1], strides = [1]} : vector<16xi32> to vector<1xi32>
      %squeeze3A_761 = vector.extract %slice3A_760[0] : i32 from vector<1xi32>
      %shift_right_arithmetic3A_762 = arith.constant 7 : i32
      %shift_right_arithmetic3A_763 = arith.shrsi %squeeze3A_761, %shift_right_arithmetic3A_762 : i32
      %shift_left3A_764 = arith.constant 7 : i32
      %shift_left3A_765 = arith.shli %shift_right_arithmetic3A_763, %shift_left3A_764 : i32
      %multiple_of3A_766 = tpu.assume_multiple %shift_left3A_765, 128 : i32
      %and3A_767 = arith.constant 127 : i32
      %and3A_768 = arith.andi %squeeze3A_761, %and3A_767 : i32
      %ge3A_769 = arith.constant 8 : i32
      %ge3A_770 = arith.cmpi sge, %add3A_759, %ge3A_769 : i32
      %convert_element_type3A_771 = arith.extui %ge3A_770 : i1 to i32
      %cond3A_772 = arith.constant 0 : i32
      %cond3A_773 = arith.cmpi ne, %convert_element_type3A_771, %cond3A_772 : i32
      scf.if %cond3A_773 {
        %dma_wait3A_1028 = arith.constant 0 : i32
        %dma_wait3A_1029 = arith.constant 0 : i32
        %dma_wait3A_1030 = arith.constant 0 : i32
        %dma_wait3A_1031 = tpu.memref_slice %arg6[%dma_wait3A_1028, %dma_wait3A_1029, %dma_wait3A_1030] : memref<8x64x128xf32, #tpu.memory_space<vmem>> -> memref<1x64x128xf32, #tpu.memory_space<vmem>>
        %dma_wait3A_1032 = tpu.memref_squeeze %dma_wait3A_1031 : memref<1x64x128xf32, #tpu.memory_space<vmem>> -> memref<64x128xf32, #tpu.memory_space<vmem>>
        %dma_wait3A_1033 = arith.constant 0 : i32
        %dma_wait3A_1034 = arith.constant 0 : i32
        %dma_wait3A_1035 = tpu.memref_slice %arg3[%dma_wait3A_1033, %dma_wait3A_1034] : memref<64x1000000xf32, #tpu.memory_space<hbm>> -> memref<64x128xf32, #tpu.memory_space<hbm>>
        %dma_wait3A_1036 = arith.constant 0 : i32
        %dma_wait3A_1037 = arith.constant 0 : i32
        %dma_wait3A_1038 = tpu.memref_slice %arg6[%dma_wait3A_1028, %dma_wait3A_1036, %dma_wait3A_1037] : memref<8x64x128xf32, #tpu.memory_space<vmem>> -> memref<1x64x128xf32, #tpu.memory_space<vmem>>
        %dma_wait3A_1039 = tpu.memref_squeeze %dma_wait3A_1038 : memref<1x64x128xf32, #tpu.memory_space<vmem>> -> memref<64x128xf32, #tpu.memory_space<vmem>>
        %dma_wait3A_1040 = arith.constant 0 : i32
        %dma_wait3A_1041 = arith.constant 0 : i32
        %dma_wait3A_1042 = tpu.memref_slice %arg3[%dma_wait3A_1040, %dma_wait3A_1041] : memref<64x1000000xf32, #tpu.memory_space<hbm>> -> memref<64x128xf32, #tpu.memory_space<hbm>>
        tpu.wait_dma2 semaphore(%arg9 : memref<!tpu.dma_semaphore, #tpu.memory_space<semaphore_mem>>) src(%dma_wait3A_1042 : memref<64x128xf32, #tpu.memory_space<hbm>>) dst(%dma_wait3A_1039 : memref<64x128xf32, #tpu.memory_space<vmem>>)
        %get3A_1043 = arith.constant 0 : i32
        %get3A_1044 = arith.index_cast %get3A_1043 : i32 to index
        %get3A_1045 = memref.load %arg8[%get3A_1044] : memref<8xi32, #tpu.memory_space<smem>>
        %sub3A = arith.constant 8 : i32
        %sub3A_1046 = arith.subi %add3A_759, %sub3A : i32
        %broadcast_in_dim3A_1047 = vector.broadcast %get3A_1045 : i32 to vector<16xi32>
        %broadcast_in_dim3A_1048 = vector.broadcast %sub3A_1046 : i32 to vector<16xi32>
        %iota3A_1049 = tpu.iota {dimensions = array<i32: 0>} : vector<16xi32>
        %add3A_1050 = arith.constant 0 : i32
        %add3A_1051 = vector.broadcast %add3A_1050 : i32 to vector<16xi32>
        %add3A_1052 = arith.addi %iota3A_1049, %add3A_1051 : vector<16xi32>
        %gather3A_1053 = arith.constant 0 : i32
        %gather3A_1054 = arith.constant 0 : i32
        %gather3A_1055 = arith.constant 0 : i32
        %gather3A_1056 = tpu.memref_slice %arg6[%gather3A_1053, %gather3A_1054, %gather3A_1055] : memref<8x64x128xf32, #tpu.memory_space<vmem>> -> memref<1x64x128xf32, #tpu.memory_space<vmem>>
        %gather3A_1057 = tpu.memref_squeeze %gather3A_1056 : memref<1x64x128xf32, #tpu.memory_space<vmem>> -> memref<64x128xf32, #tpu.memory_space<vmem>>
        %gather3A_1058 = tpu.vector_load_idx %gather3A_1057[%add3A_1052, %broadcast_in_dim3A_1047] : memref<64x128xf32, #tpu.memory_space<vmem>>[vector<16xi32>, vector<16xi32>], vector<16xf32>,
        tpu.vector_store_idx %arg7[%add3A_1052, %broadcast_in_dim3A_1048], %gather3A_1058 : memref<64x512xf32, #tpu.memory_space<vmem>>[vector<16xi32>, vector<16xi32>], vector<16xf32>,
        %iota3A_1059 = tpu.iota {dimensions = array<i32: 0>} : vector<16xi32>
        %add3A_1060 = arith.constant 16 : i32
        %add3A_1061 = vector.broadcast %add3A_1060 : i32 to vector<16xi32>
        %add3A_1062 = arith.addi %iota3A_1059, %add3A_1061 : vector<16xi32>
        %gather3A_1063 = arith.constant 0 : i32
        %gather3A_1064 = arith.constant 0 : i32
        %gather3A_1065 = arith.constant 0 : i32
        %gather3A_1066 = tpu.memref_slice %arg6[%gather3A_1063, %gather3A_1064, %gather3A_1065] : memref<8x64x128xf32, #tpu.memory_space<vmem>> -> memref<1x64x128xf32, #tpu.memory_space<vmem>>
        %gather3A_1067 = tpu.memref_squeeze %gather3A_1066 : memref<1x64x128xf32, #tpu.memory_space<vmem>> -> memref<64x128xf32, #tpu.memory_space<vmem>>
        %gather3A_1068 = tpu.vector_load_idx %gather3A_1067[%add3A_1062, %broadcast_in_dim3A_1047] : memref<64x128xf32, #tpu.memory_space<vmem>>[vector<16xi32>, vector<16xi32>], vector<16xf32>,
        tpu.vector_store_idx %arg7[%add3A_1062, %broadcast_in_dim3A_1048], %gather3A_1068 : memref<64x512xf32, #tpu.memory_space<vmem>>[vector<16xi32>, vector<16xi32>], vector<16xf32>,
        %iota3A_1069 = tpu.iota {dimensions = array<i32: 0>} : vector<16xi32>
        %add3A_1070 = arith.constant 32 : i32
        %add3A_1071 = vector.broadcast %add3A_1070 : i32 to vector<16xi32>
        %add3A_1072 = arith.addi %iota3A_1069, %add3A_1071 : vector<16xi32>
        %gather3A_1073 = arith.constant 0 : i32
        %gather3A_1074 = arith.constant 0 : i32
        %gather3A_1075 = arith.constant 0 : i32
        %gather3A_1076 = tpu.memref_slice %arg6[%gather3A_1073, %gather3A_1074, %gather3A_1075] : memref<8x64x128xf32, #tpu.memory_space<vmem>> -> memref<1x64x128xf32, #tpu.memory_space<vmem>>
        %gather3A_1077 = tpu.memref_squeeze %gather3A_1076 : memref<1x64x128xf32, #tpu.memory_space<vmem>> -> memref<64x128xf32, #tpu.memory_space<vmem>>
        %gather3A_1078 = tpu.vector_load_idx %gather3A_1077[%add3A_1072, %broadcast_in_dim3A_1047] : memref<64x128xf32, #tpu.memory_space<vmem>>[vector<16xi32>, vector<16xi32>], vector<16xf32>,
        tpu.vector_store_idx %arg7[%add3A_1072, %broadcast_in_dim3A_1048], %gather3A_1078 : memref<64x512xf32, #tpu.memory_space<vmem>>[vector<16xi32>, vector<16xi32>], vector<16xf32>,
        %iota3A_1079 = tpu.iota {dimensions = array<i32: 0>} : vector<16xi32>
        %add3A_1080 = arith.constant 48 : i32
        %add3A_1081 = vector.broadcast %add3A_1080 : i32 to vector<16xi32>
        %add3A_1082 = arith.addi %iota3A_1079, %add3A_1081 : vector<16xi32>
        %gather3A_1083 = arith.constant 0 : i32
        %gather3A_1084 = arith.constant 0 : i32
        %gather3A_1085 = arith.constant 0 : i32
        %gather3A_1086 = tpu.memref_slice %arg6[%gather3A_1083, %gather3A_1084, %gather3A_1085] : memref<8x64x128xf32, #tpu.memory_space<vmem>> -> memref<1x64x128xf32, #tpu.memory_space<vmem>>
        %gather3A_1087 = tpu.memref_squeeze %gather3A_1086 : memref<1x64x128xf32, #tpu.memory_space<vmem>> -> memref<64x128xf32, #tpu.memory_space<vmem>>
        %gather3A_1088 = tpu.vector_load_idx %gather3A_1087[%add3A_1082, %broadcast_in_dim3A_1047] : memref<64x128xf32, #tpu.memory_space<vmem>>[vector<16xi32>, vector<16xi32>], vector<16xf32>,
        tpu.vector_store_idx %arg7[%add3A_1082, %broadcast_in_dim3A_1048], %gather3A_1088 : memref<64x512xf32, #tpu.memory_space<vmem>>[vector<16xi32>, vector<16xi32>], vector<16xf32>,
      } else {
      }
      %dma_start3A_774 = arith.constant 0 : i32
      %dma_start3A_775 = arith.constant 0 : i32
      %dma_start3A_776 = arith.constant 0 : i32
      %dma_start3A_777 = tpu.memref_slice %arg6[%dma_start3A_774, %dma_start3A_775, %dma_start3A_776] : memref<8x64x128xf32, #tpu.memory_space<vmem>> -> memref<1x64x128xf32, #tpu.memory_space<vmem>>
      %dma_start3A_778 = tpu.memref_squeeze %dma_start3A_777 : memref<1x64x128xf32, #tpu.memory_space<vmem>> -> memref<64x128xf32, #tpu.memory_space<vmem>>
      %dma_start3A_779 = arith.constant 0 : i32
      %dma_start3A_780 = tpu.memref_slice %arg3[%dma_start3A_779, %multiple_of3A_766] : memref<64x1000000xf32, #tpu.memory_space<hbm>> -> memref<64x128xf32, #tpu.memory_space<hbm>>
      %dma_start3A_781 = arith.constant 0 : i32
      %dma_start3A_782 = arith.constant 0 : i32
      %dma_start3A_783 = tpu.memref_slice %arg6[%dma_start3A_774, %dma_start3A_781, %dma_start3A_782] : memref<8x64x128xf32, #tpu.memory_space<vmem>> -> memref<1x64x128xf32, #tpu.memory_space<vmem>>
      %dma_start3A_784 = tpu.memref_squeeze %dma_start3A_783 : memref<1x64x128xf32, #tpu.memory_space<vmem>> -> memref<64x128xf32, #tpu.memory_space<vmem>>
      %dma_start3A_785 = arith.constant 0 : i32
      %dma_start3A_786 = tpu.memref_slice %arg3[%dma_start3A_785, %multiple_of3A_766] : memref<64x1000000xf32, #tpu.memory_space<hbm>> -> memref<64x128xf32, #tpu.memory_space<hbm>>
      tpu.enqueue_dma source(%dma_start3A_786 : memref<64x128xf32, #tpu.memory_space<hbm>>) target(%dma_start3A_784 : memref<64x128xf32, #tpu.memory_space<vmem>>) target_semaphore(%arg9 : memref<!tpu.dma_semaphore, #tpu.memory_space<semaphore_mem>>)
      %swap3A_787 = arith.constant 0 : i32
      %swap3A_788 = arith.index_cast %swap3A_787 : i32 to index
      %swap3A_789 = memref.load %arg8[%swap3A_788] : memref<8xi32, #tpu.memory_space<smem>>
      memref.store %and3A_768, %arg8[%swap3A_788] : memref<8xi32, #tpu.memory_space<smem>>
      %mul3A_790 = arith.constant 16 : i32
      %mul3A_791 = arith.muli %scan3A_490, %mul3A_790 : i32
      %add3A_792 = arith.constant 9 : i32
      %add3A_793 = arith.addi %mul3A_791, %add3A_792 : i32
      %slice3A_794 = vector.extract_strided_slice %get3A_494 {offsets = [9], sizes = [1], strides = [1]} : vector<16xi32> to vector<1xi32>
      %squeeze3A_795 = vector.extract %slice3A_794[0] : i32 from vector<1xi32>
      %shift_right_arithmetic3A_796 = arith.constant 7 : i32
      %shift_right_arithmetic3A_797 = arith.shrsi %squeeze3A_795, %shift_right_arithmetic3A_796 : i32
      %shift_left3A_798 = arith.constant 7 : i32
      %shift_left3A_799 = arith.shli %shift_right_arithmetic3A_797, %shift_left3A_798 : i32
      %multiple_of3A_800 = tpu.assume_multiple %shift_left3A_799, 128 : i32
      %and3A_801 = arith.constant 127 : i32
      %and3A_802 = arith.andi %squeeze3A_795, %and3A_801 : i32
      %ge3A_803 = arith.constant 8 : i32
      %ge3A_804 = arith.cmpi sge, %add3A_793, %ge3A_803 : i32
      %convert_element_type3A_805 = arith.extui %ge3A_804 : i1 to i32
      %cond3A_806 = arith.constant 0 : i32
      %cond3A_807 = arith.cmpi ne, %convert_element_type3A_805, %cond3A_806 : i32
      scf.if %cond3A_807 {
        %dma_wait3A_1028 = arith.constant 1 : i32
        %dma_wait3A_1029 = arith.constant 0 : i32
        %dma_wait3A_1030 = arith.constant 0 : i32
        %dma_wait3A_1031 = tpu.memref_slice %arg6[%dma_wait3A_1028, %dma_wait3A_1029, %dma_wait3A_1030] : memref<8x64x128xf32, #tpu.memory_space<vmem>> -> memref<1x64x128xf32, #tpu.memory_space<vmem>>
        %dma_wait3A_1032 = tpu.memref_squeeze %dma_wait3A_1031 : memref<1x64x128xf32, #tpu.memory_space<vmem>> -> memref<64x128xf32, #tpu.memory_space<vmem>>
        %dma_wait3A_1033 = arith.constant 0 : i32
        %dma_wait3A_1034 = arith.constant 0 : i32
        %dma_wait3A_1035 = tpu.memref_slice %arg3[%dma_wait3A_1033, %dma_wait3A_1034] : memref<64x1000000xf32, #tpu.memory_space<hbm>> -> memref<64x128xf32, #tpu.memory_space<hbm>>
        %dma_wait3A_1036 = arith.constant 0 : i32
        %dma_wait3A_1037 = arith.constant 0 : i32
        %dma_wait3A_1038 = tpu.memref_slice %arg6[%dma_wait3A_1028, %dma_wait3A_1036, %dma_wait3A_1037] : memref<8x64x128xf32, #tpu.memory_space<vmem>> -> memref<1x64x128xf32, #tpu.memory_space<vmem>>
        %dma_wait3A_1039 = tpu.memref_squeeze %dma_wait3A_1038 : memref<1x64x128xf32, #tpu.memory_space<vmem>> -> memref<64x128xf32, #tpu.memory_space<vmem>>
        %dma_wait3A_1040 = arith.constant 0 : i32
        %dma_wait3A_1041 = arith.constant 0 : i32
        %dma_wait3A_1042 = tpu.memref_slice %arg3[%dma_wait3A_1040, %dma_wait3A_1041] : memref<64x1000000xf32, #tpu.memory_space<hbm>> -> memref<64x128xf32, #tpu.memory_space<hbm>>
        tpu.wait_dma2 semaphore(%arg10 : memref<!tpu.dma_semaphore, #tpu.memory_space<semaphore_mem>>) src(%dma_wait3A_1042 : memref<64x128xf32, #tpu.memory_space<hbm>>) dst(%dma_wait3A_1039 : memref<64x128xf32, #tpu.memory_space<vmem>>)
        %get3A_1043 = arith.constant 1 : i32
        %get3A_1044 = arith.index_cast %get3A_1043 : i32 to index
        %get3A_1045 = memref.load %arg8[%get3A_1044] : memref<8xi32, #tpu.memory_space<smem>>
        %sub3A = arith.constant 8 : i32
        %sub3A_1046 = arith.subi %add3A_793, %sub3A : i32
        %broadcast_in_dim3A_1047 = vector.broadcast %get3A_1045 : i32 to vector<16xi32>
        %broadcast_in_dim3A_1048 = vector.broadcast %sub3A_1046 : i32 to vector<16xi32>
        %iota3A_1049 = tpu.iota {dimensions = array<i32: 0>} : vector<16xi32>
        %add3A_1050 = arith.constant 0 : i32
        %add3A_1051 = vector.broadcast %add3A_1050 : i32 to vector<16xi32>
        %add3A_1052 = arith.addi %iota3A_1049, %add3A_1051 : vector<16xi32>
        %gather3A_1053 = arith.constant 1 : i32
        %gather3A_1054 = arith.constant 0 : i32
        %gather3A_1055 = arith.constant 0 : i32
        %gather3A_1056 = tpu.memref_slice %arg6[%gather3A_1053, %gather3A_1054, %gather3A_1055] : memref<8x64x128xf32, #tpu.memory_space<vmem>> -> memref<1x64x128xf32, #tpu.memory_space<vmem>>
        %gather3A_1057 = tpu.memref_squeeze %gather3A_1056 : memref<1x64x128xf32, #tpu.memory_space<vmem>> -> memref<64x128xf32, #tpu.memory_space<vmem>>
        %gather3A_1058 = tpu.vector_load_idx %gather3A_1057[%add3A_1052, %broadcast_in_dim3A_1047] : memref<64x128xf32, #tpu.memory_space<vmem>>[vector<16xi32>, vector<16xi32>], vector<16xf32>,
        tpu.vector_store_idx %arg7[%add3A_1052, %broadcast_in_dim3A_1048], %gather3A_1058 : memref<64x512xf32, #tpu.memory_space<vmem>>[vector<16xi32>, vector<16xi32>], vector<16xf32>,
        %iota3A_1059 = tpu.iota {dimensions = array<i32: 0>} : vector<16xi32>
        %add3A_1060 = arith.constant 16 : i32
        %add3A_1061 = vector.broadcast %add3A_1060 : i32 to vector<16xi32>
        %add3A_1062 = arith.addi %iota3A_1059, %add3A_1061 : vector<16xi32>
        %gather3A_1063 = arith.constant 1 : i32
        %gather3A_1064 = arith.constant 0 : i32
        %gather3A_1065 = arith.constant 0 : i32
        %gather3A_1066 = tpu.memref_slice %arg6[%gather3A_1063, %gather3A_1064, %gather3A_1065] : memref<8x64x128xf32, #tpu.memory_space<vmem>> -> memref<1x64x128xf32, #tpu.memory_space<vmem>>
        %gather3A_1067 = tpu.memref_squeeze %gather3A_1066 : memref<1x64x128xf32, #tpu.memory_space<vmem>> -> memref<64x128xf32, #tpu.memory_space<vmem>>
        %gather3A_1068 = tpu.vector_load_idx %gather3A_1067[%add3A_1062, %broadcast_in_dim3A_1047] : memref<64x128xf32, #tpu.memory_space<vmem>>[vector<16xi32>, vector<16xi32>], vector<16xf32>,
        tpu.vector_store_idx %arg7[%add3A_1062, %broadcast_in_dim3A_1048], %gather3A_1068 : memref<64x512xf32, #tpu.memory_space<vmem>>[vector<16xi32>, vector<16xi32>], vector<16xf32>,
        %iota3A_1069 = tpu.iota {dimensions = array<i32: 0>} : vector<16xi32>
        %add3A_1070 = arith.constant 32 : i32
        %add3A_1071 = vector.broadcast %add3A_1070 : i32 to vector<16xi32>
        %add3A_1072 = arith.addi %iota3A_1069, %add3A_1071 : vector<16xi32>
        %gather3A_1073 = arith.constant 1 : i32
        %gather3A_1074 = arith.constant 0 : i32
        %gather3A_1075 = arith.constant 0 : i32
        %gather3A_1076 = tpu.memref_slice %arg6[%gather3A_1073, %gather3A_1074, %gather3A_1075] : memref<8x64x128xf32, #tpu.memory_space<vmem>> -> memref<1x64x128xf32, #tpu.memory_space<vmem>>
        %gather3A_1077 = tpu.memref_squeeze %gather3A_1076 : memref<1x64x128xf32, #tpu.memory_space<vmem>> -> memref<64x128xf32, #tpu.memory_space<vmem>>
        %gather3A_1078 = tpu.vector_load_idx %gather3A_1077[%add3A_1072, %broadcast_in_dim3A_1047] : memref<64x128xf32, #tpu.memory_space<vmem>>[vector<16xi32>, vector<16xi32>], vector<16xf32>,
        tpu.vector_store_idx %arg7[%add3A_1072, %broadcast_in_dim3A_1048], %gather3A_1078 : memref<64x512xf32, #tpu.memory_space<vmem>>[vector<16xi32>, vector<16xi32>], vector<16xf32>,
        %iota3A_1079 = tpu.iota {dimensions = array<i32: 0>} : vector<16xi32>
        %add3A_1080 = arith.constant 48 : i32
        %add3A_1081 = vector.broadcast %add3A_1080 : i32 to vector<16xi32>
        %add3A_1082 = arith.addi %iota3A_1079, %add3A_1081 : vector<16xi32>
        %gather3A_1083 = arith.constant 1 : i32
        %gather3A_1084 = arith.constant 0 : i32
        %gather3A_1085 = arith.constant 0 : i32
        %gather3A_1086 = tpu.memref_slice %arg6[%gather3A_1083, %gather3A_1084, %gather3A_1085] : memref<8x64x128xf32, #tpu.memory_space<vmem>> -> memref<1x64x128xf32, #tpu.memory_space<vmem>>
        %gather3A_1087 = tpu.memref_squeeze %gather3A_1086 : memref<1x64x128xf32, #tpu.memory_space<vmem>> -> memref<64x128xf32, #tpu.memory_space<vmem>>
        %gather3A_1088 = tpu.vector_load_idx %gather3A_1087[%add3A_1082, %broadcast_in_dim3A_1047] : memref<64x128xf32, #tpu.memory_space<vmem>>[vector<16xi32>, vector<16xi32>], vector<16xf32>,
        tpu.vector_store_idx %arg7[%add3A_1082, %broadcast_in_dim3A_1048], %gather3A_1088 : memref<64x512xf32, #tpu.memory_space<vmem>>[vector<16xi32>, vector<16xi32>], vector<16xf32>,
      } else {
      }
      %dma_start3A_808 = arith.constant 1 : i32
      %dma_start3A_809 = arith.constant 0 : i32
      %dma_start3A_810 = arith.constant 0 : i32
      %dma_start3A_811 = tpu.memref_slice %arg6[%dma_start3A_808, %dma_start3A_809, %dma_start3A_810] : memref<8x64x128xf32, #tpu.memory_space<vmem>> -> memref<1x64x128xf32, #tpu.memory_space<vmem>>
      %dma_start3A_812 = tpu.memref_squeeze %dma_start3A_811 : memref<1x64x128xf32, #tpu.memory_space<vmem>> -> memref<64x128xf32, #tpu.memory_space<vmem>>
      %dma_start3A_813 = arith.constant 0 : i32
      %dma_start3A_814 = tpu.memref_slice %arg3[%dma_start3A_813, %multiple_of3A_800] : memref<64x1000000xf32, #tpu.memory_space<hbm>> -> memref<64x128xf32, #tpu.memory_space<hbm>>
      %dma_start3A_815 = arith.constant 0 : i32
      %dma_start3A_816 = arith.constant 0 : i32
      %dma_start3A_817 = tpu.memref_slice %arg6[%dma_start3A_808, %dma_start3A_815, %dma_start3A_816] : memref<8x64x128xf32, #tpu.memory_space<vmem>> -> memref<1x64x128xf32, #tpu.memory_space<vmem>>
      %dma_start3A_818 = tpu.memref_squeeze %dma_start3A_817 : memref<1x64x128xf32, #tpu.memory_space<vmem>> -> memref<64x128xf32, #tpu.memory_space<vmem>>
      %dma_start3A_819 = arith.constant 0 : i32
      %dma_start3A_820 = tpu.memref_slice %arg3[%dma_start3A_819, %multiple_of3A_800] : memref<64x1000000xf32, #tpu.memory_space<hbm>> -> memref<64x128xf32, #tpu.memory_space<hbm>>
      tpu.enqueue_dma source(%dma_start3A_820 : memref<64x128xf32, #tpu.memory_space<hbm>>) target(%dma_start3A_818 : memref<64x128xf32, #tpu.memory_space<vmem>>) target_semaphore(%arg10 : memref<!tpu.dma_semaphore, #tpu.memory_space<semaphore_mem>>)
      %swap3A_821 = arith.constant 1 : i32
      %swap3A_822 = arith.index_cast %swap3A_821 : i32 to index
      %swap3A_823 = memref.load %arg8[%swap3A_822] : memref<8xi32, #tpu.memory_space<smem>>
      memref.store %and3A_802, %arg8[%swap3A_822] : memref<8xi32, #tpu.memory_space<smem>>
      %mul3A_824 = arith.constant 16 : i32
      %mul3A_825 = arith.muli %scan3A_490, %mul3A_824 : i32
      %add3A_826 = arith.constant 10 : i32
      %add3A_827 = arith.addi %mul3A_825, %add3A_826 : i32
      %slice3A_828 = vector.extract_strided_slice %get3A_494 {offsets = [10], sizes = [1], strides = [1]} : vector<16xi32> to vector<1xi32>
      %squeeze3A_829 = vector.extract %slice3A_828[0] : i32 from vector<1xi32>
      %shift_right_arithmetic3A_830 = arith.constant 7 : i32
      %shift_right_arithmetic3A_831 = arith.shrsi %squeeze3A_829, %shift_right_arithmetic3A_830 : i32
      %shift_left3A_832 = arith.constant 7 : i32
      %shift_left3A_833 = arith.shli %shift_right_arithmetic3A_831, %shift_left3A_832 : i32
      %multiple_of3A_834 = tpu.assume_multiple %shift_left3A_833, 128 : i32
      %and3A_835 = arith.constant 127 : i32
      %and3A_836 = arith.andi %squeeze3A_829, %and3A_835 : i32
      %ge3A_837 = arith.constant 8 : i32
      %ge3A_838 = arith.cmpi sge, %add3A_827, %ge3A_837 : i32
      %convert_element_type3A_839 = arith.extui %ge3A_838 : i1 to i32
      %cond3A_840 = arith.constant 0 : i32
      %cond3A_841 = arith.cmpi ne, %convert_element_type3A_839, %cond3A_840 : i32
      scf.if %cond3A_841 {
        %dma_wait3A_1028 = arith.constant 2 : i32
        %dma_wait3A_1029 = arith.constant 0 : i32
        %dma_wait3A_1030 = arith.constant 0 : i32
        %dma_wait3A_1031 = tpu.memref_slice %arg6[%dma_wait3A_1028, %dma_wait3A_1029, %dma_wait3A_1030] : memref<8x64x128xf32, #tpu.memory_space<vmem>> -> memref<1x64x128xf32, #tpu.memory_space<vmem>>
        %dma_wait3A_1032 = tpu.memref_squeeze %dma_wait3A_1031 : memref<1x64x128xf32, #tpu.memory_space<vmem>> -> memref<64x128xf32, #tpu.memory_space<vmem>>
        %dma_wait3A_1033 = arith.constant 0 : i32
        %dma_wait3A_1034 = arith.constant 0 : i32
        %dma_wait3A_1035 = tpu.memref_slice %arg3[%dma_wait3A_1033, %dma_wait3A_1034] : memref<64x1000000xf32, #tpu.memory_space<hbm>> -> memref<64x128xf32, #tpu.memory_space<hbm>>
        %dma_wait3A_1036 = arith.constant 0 : i32
        %dma_wait3A_1037 = arith.constant 0 : i32
        %dma_wait3A_1038 = tpu.memref_slice %arg6[%dma_wait3A_1028, %dma_wait3A_1036, %dma_wait3A_1037] : memref<8x64x128xf32, #tpu.memory_space<vmem>> -> memref<1x64x128xf32, #tpu.memory_space<vmem>>
        %dma_wait3A_1039 = tpu.memref_squeeze %dma_wait3A_1038 : memref<1x64x128xf32, #tpu.memory_space<vmem>> -> memref<64x128xf32, #tpu.memory_space<vmem>>
        %dma_wait3A_1040 = arith.constant 0 : i32
        %dma_wait3A_1041 = arith.constant 0 : i32
        %dma_wait3A_1042 = tpu.memref_slice %arg3[%dma_wait3A_1040, %dma_wait3A_1041] : memref<64x1000000xf32, #tpu.memory_space<hbm>> -> memref<64x128xf32, #tpu.memory_space<hbm>>
        tpu.wait_dma2 semaphore(%arg11 : memref<!tpu.dma_semaphore, #tpu.memory_space<semaphore_mem>>) src(%dma_wait3A_1042 : memref<64x128xf32, #tpu.memory_space<hbm>>) dst(%dma_wait3A_1039 : memref<64x128xf32, #tpu.memory_space<vmem>>)
        %get3A_1043 = arith.constant 2 : i32
        %get3A_1044 = arith.index_cast %get3A_1043 : i32 to index
        %get3A_1045 = memref.load %arg8[%get3A_1044] : memref<8xi32, #tpu.memory_space<smem>>
        %sub3A = arith.constant 8 : i32
        %sub3A_1046 = arith.subi %add3A_827, %sub3A : i32
        %broadcast_in_dim3A_1047 = vector.broadcast %get3A_1045 : i32 to vector<16xi32>
        %broadcast_in_dim3A_1048 = vector.broadcast %sub3A_1046 : i32 to vector<16xi32>
        %iota3A_1049 = tpu.iota {dimensions = array<i32: 0>} : vector<16xi32>
        %add3A_1050 = arith.constant 0 : i32
        %add3A_1051 = vector.broadcast %add3A_1050 : i32 to vector<16xi32>
        %add3A_1052 = arith.addi %iota3A_1049, %add3A_1051 : vector<16xi32>
        %gather3A_1053 = arith.constant 2 : i32
        %gather3A_1054 = arith.constant 0 : i32
        %gather3A_1055 = arith.constant 0 : i32
        %gather3A_1056 = tpu.memref_slice %arg6[%gather3A_1053, %gather3A_1054, %gather3A_1055] : memref<8x64x128xf32, #tpu.memory_space<vmem>> -> memref<1x64x128xf32, #tpu.memory_space<vmem>>
        %gather3A_1057 = tpu.memref_squeeze %gather3A_1056 : memref<1x64x128xf32, #tpu.memory_space<vmem>> -> memref<64x128xf32, #tpu.memory_space<vmem>>
        %gather3A_1058 = tpu.vector_load_idx %gather3A_1057[%add3A_1052, %broadcast_in_dim3A_1047] : memref<64x128xf32, #tpu.memory_space<vmem>>[vector<16xi32>, vector<16xi32>], vector<16xf32>,
        tpu.vector_store_idx %arg7[%add3A_1052, %broadcast_in_dim3A_1048], %gather3A_1058 : memref<64x512xf32, #tpu.memory_space<vmem>>[vector<16xi32>, vector<16xi32>], vector<16xf32>,
        %iota3A_1059 = tpu.iota {dimensions = array<i32: 0>} : vector<16xi32>
        %add3A_1060 = arith.constant 16 : i32
        %add3A_1061 = vector.broadcast %add3A_1060 : i32 to vector<16xi32>
        %add3A_1062 = arith.addi %iota3A_1059, %add3A_1061 : vector<16xi32>
        %gather3A_1063 = arith.constant 2 : i32
        %gather3A_1064 = arith.constant 0 : i32
        %gather3A_1065 = arith.constant 0 : i32
        %gather3A_1066 = tpu.memref_slice %arg6[%gather3A_1063, %gather3A_1064, %gather3A_1065] : memref<8x64x128xf32, #tpu.memory_space<vmem>> -> memref<1x64x128xf32, #tpu.memory_space<vmem>>
        %gather3A_1067 = tpu.memref_squeeze %gather3A_1066 : memref<1x64x128xf32, #tpu.memory_space<vmem>> -> memref<64x128xf32, #tpu.memory_space<vmem>>
        %gather3A_1068 = tpu.vector_load_idx %gather3A_1067[%add3A_1062, %broadcast_in_dim3A_1047] : memref<64x128xf32, #tpu.memory_space<vmem>>[vector<16xi32>, vector<16xi32>], vector<16xf32>,
        tpu.vector_store_idx %arg7[%add3A_1062, %broadcast_in_dim3A_1048], %gather3A_1068 : memref<64x512xf32, #tpu.memory_space<vmem>>[vector<16xi32>, vector<16xi32>], vector<16xf32>,
        %iota3A_1069 = tpu.iota {dimensions = array<i32: 0>} : vector<16xi32>
        %add3A_1070 = arith.constant 32 : i32
        %add3A_1071 = vector.broadcast %add3A_1070 : i32 to vector<16xi32>
        %add3A_1072 = arith.addi %iota3A_1069, %add3A_1071 : vector<16xi32>
        %gather3A_1073 = arith.constant 2 : i32
        %gather3A_1074 = arith.constant 0 : i32
        %gather3A_1075 = arith.constant 0 : i32
        %gather3A_1076 = tpu.memref_slice %arg6[%gather3A_1073, %gather3A_1074, %gather3A_1075] : memref<8x64x128xf32, #tpu.memory_space<vmem>> -> memref<1x64x128xf32, #tpu.memory_space<vmem>>
        %gather3A_1077 = tpu.memref_squeeze %gather3A_1076 : memref<1x64x128xf32, #tpu.memory_space<vmem>> -> memref<64x128xf32, #tpu.memory_space<vmem>>
        %gather3A_1078 = tpu.vector_load_idx %gather3A_1077[%add3A_1072, %broadcast_in_dim3A_1047] : memref<64x128xf32, #tpu.memory_space<vmem>>[vector<16xi32>, vector<16xi32>], vector<16xf32>,
        tpu.vector_store_idx %arg7[%add3A_1072, %broadcast_in_dim3A_1048], %gather3A_1078 : memref<64x512xf32, #tpu.memory_space<vmem>>[vector<16xi32>, vector<16xi32>], vector<16xf32>,
        %iota3A_1079 = tpu.iota {dimensions = array<i32: 0>} : vector<16xi32>
        %add3A_1080 = arith.constant 48 : i32
        %add3A_1081 = vector.broadcast %add3A_1080 : i32 to vector<16xi32>
        %add3A_1082 = arith.addi %iota3A_1079, %add3A_1081 : vector<16xi32>
        %gather3A_1083 = arith.constant 2 : i32
        %gather3A_1084 = arith.constant 0 : i32
        %gather3A_1085 = arith.constant 0 : i32
        %gather3A_1086 = tpu.memref_slice %arg6[%gather3A_1083, %gather3A_1084, %gather3A_1085] : memref<8x64x128xf32, #tpu.memory_space<vmem>> -> memref<1x64x128xf32, #tpu.memory_space<vmem>>
        %gather3A_1087 = tpu.memref_squeeze %gather3A_1086 : memref<1x64x128xf32, #tpu.memory_space<vmem>> -> memref<64x128xf32, #tpu.memory_space<vmem>>
        %gather3A_1088 = tpu.vector_load_idx %gather3A_1087[%add3A_1082, %broadcast_in_dim3A_1047] : memref<64x128xf32, #tpu.memory_space<vmem>>[vector<16xi32>, vector<16xi32>], vector<16xf32>,
        tpu.vector_store_idx %arg7[%add3A_1082, %broadcast_in_dim3A_1048], %gather3A_1088 : memref<64x512xf32, #tpu.memory_space<vmem>>[vector<16xi32>, vector<16xi32>], vector<16xf32>,
      } else {
      }
      %dma_start3A_842 = arith.constant 2 : i32
      %dma_start3A_843 = arith.constant 0 : i32
      %dma_start3A_844 = arith.constant 0 : i32
      %dma_start3A_845 = tpu.memref_slice %arg6[%dma_start3A_842, %dma_start3A_843, %dma_start3A_844] : memref<8x64x128xf32, #tpu.memory_space<vmem>> -> memref<1x64x128xf32, #tpu.memory_space<vmem>>
      %dma_start3A_846 = tpu.memref_squeeze %dma_start3A_845 : memref<1x64x128xf32, #tpu.memory_space<vmem>> -> memref<64x128xf32, #tpu.memory_space<vmem>>
      %dma_start3A_847 = arith.constant 0 : i32
      %dma_start3A_848 = tpu.memref_slice %arg3[%dma_start3A_847, %multiple_of3A_834] : memref<64x1000000xf32, #tpu.memory_space<hbm>> -> memref<64x128xf32, #tpu.memory_space<hbm>>
      %dma_start3A_849 = arith.constant 0 : i32
      %dma_start3A_850 = arith.constant 0 : i32
      %dma_start3A_851 = tpu.memref_slice %arg6[%dma_start3A_842, %dma_start3A_849, %dma_start3A_850] : memref<8x64x128xf32, #tpu.memory_space<vmem>> -> memref<1x64x128xf32, #tpu.memory_space<vmem>>
      %dma_start3A_852 = tpu.memref_squeeze %dma_start3A_851 : memref<1x64x128xf32, #tpu.memory_space<vmem>> -> memref<64x128xf32, #tpu.memory_space<vmem>>
      %dma_start3A_853 = arith.constant 0 : i32
      %dma_start3A_854 = tpu.memref_slice %arg3[%dma_start3A_853, %multiple_of3A_834] : memref<64x1000000xf32, #tpu.memory_space<hbm>> -> memref<64x128xf32, #tpu.memory_space<hbm>>
      tpu.enqueue_dma source(%dma_start3A_854 : memref<64x128xf32, #tpu.memory_space<hbm>>) target(%dma_start3A_852 : memref<64x128xf32, #tpu.memory_space<vmem>>) target_semaphore(%arg11 : memref<!tpu.dma_semaphore, #tpu.memory_space<semaphore_mem>>)
      %swap3A_855 = arith.constant 2 : i32
      %swap3A_856 = arith.index_cast %swap3A_855 : i32 to index
      %swap3A_857 = memref.load %arg8[%swap3A_856] : memref<8xi32, #tpu.memory_space<smem>>
      memref.store %and3A_836, %arg8[%swap3A_856] : memref<8xi32, #tpu.memory_space<smem>>
      %mul3A_858 = arith.constant 16 : i32
      %mul3A_859 = arith.muli %scan3A_490, %mul3A_858 : i32
      %add3A_860 = arith.constant 11 : i32
      %add3A_861 = arith.addi %mul3A_859, %add3A_860 : i32
      %slice3A_862 = vector.extract_strided_slice %get3A_494 {offsets = [11], sizes = [1], strides = [1]} : vector<16xi32> to vector<1xi32>
      %squeeze3A_863 = vector.extract %slice3A_862[0] : i32 from vector<1xi32>
      %shift_right_arithmetic3A_864 = arith.constant 7 : i32
      %shift_right_arithmetic3A_865 = arith.shrsi %squeeze3A_863, %shift_right_arithmetic3A_864 : i32
      %shift_left3A_866 = arith.constant 7 : i32
      %shift_left3A_867 = arith.shli %shift_right_arithmetic3A_865, %shift_left3A_866 : i32
      %multiple_of3A_868 = tpu.assume_multiple %shift_left3A_867, 128 : i32
      %and3A_869 = arith.constant 127 : i32
      %and3A_870 = arith.andi %squeeze3A_863, %and3A_869 : i32
      %ge3A_871 = arith.constant 8 : i32
      %ge3A_872 = arith.cmpi sge, %add3A_861, %ge3A_871 : i32
      %convert_element_type3A_873 = arith.extui %ge3A_872 : i1 to i32
      %cond3A_874 = arith.constant 0 : i32
      %cond3A_875 = arith.cmpi ne, %convert_element_type3A_873, %cond3A_874 : i32
      scf.if %cond3A_875 {
        %dma_wait3A_1028 = arith.constant 3 : i32
        %dma_wait3A_1029 = arith.constant 0 : i32
        %dma_wait3A_1030 = arith.constant 0 : i32
        %dma_wait3A_1031 = tpu.memref_slice %arg6[%dma_wait3A_1028, %dma_wait3A_1029, %dma_wait3A_1030] : memref<8x64x128xf32, #tpu.memory_space<vmem>> -> memref<1x64x128xf32, #tpu.memory_space<vmem>>
        %dma_wait3A_1032 = tpu.memref_squeeze %dma_wait3A_1031 : memref<1x64x128xf32, #tpu.memory_space<vmem>> -> memref<64x128xf32, #tpu.memory_space<vmem>>
        %dma_wait3A_1033 = arith.constant 0 : i32
        %dma_wait3A_1034 = arith.constant 0 : i32
        %dma_wait3A_1035 = tpu.memref_slice %arg3[%dma_wait3A_1033, %dma_wait3A_1034] : memref<64x1000000xf32, #tpu.memory_space<hbm>> -> memref<64x128xf32, #tpu.memory_space<hbm>>
        %dma_wait3A_1036 = arith.constant 0 : i32
        %dma_wait3A_1037 = arith.constant 0 : i32
        %dma_wait3A_1038 = tpu.memref_slice %arg6[%dma_wait3A_1028, %dma_wait3A_1036, %dma_wait3A_1037] : memref<8x64x128xf32, #tpu.memory_space<vmem>> -> memref<1x64x128xf32, #tpu.memory_space<vmem>>
        %dma_wait3A_1039 = tpu.memref_squeeze %dma_wait3A_1038 : memref<1x64x128xf32, #tpu.memory_space<vmem>> -> memref<64x128xf32, #tpu.memory_space<vmem>>
        %dma_wait3A_1040 = arith.constant 0 : i32
        %dma_wait3A_1041 = arith.constant 0 : i32
        %dma_wait3A_1042 = tpu.memref_slice %arg3[%dma_wait3A_1040, %dma_wait3A_1041] : memref<64x1000000xf32, #tpu.memory_space<hbm>> -> memref<64x128xf32, #tpu.memory_space<hbm>>
        tpu.wait_dma2 semaphore(%arg12 : memref<!tpu.dma_semaphore, #tpu.memory_space<semaphore_mem>>) src(%dma_wait3A_1042 : memref<64x128xf32, #tpu.memory_space<hbm>>) dst(%dma_wait3A_1039 : memref<64x128xf32, #tpu.memory_space<vmem>>)
        %get3A_1043 = arith.constant 3 : i32
        %get3A_1044 = arith.index_cast %get3A_1043 : i32 to index
        %get3A_1045 = memref.load %arg8[%get3A_1044] : memref<8xi32, #tpu.memory_space<smem>>
        %sub3A = arith.constant 8 : i32
        %sub3A_1046 = arith.subi %add3A_861, %sub3A : i32
        %broadcast_in_dim3A_1047 = vector.broadcast %get3A_1045 : i32 to vector<16xi32>
        %broadcast_in_dim3A_1048 = vector.broadcast %sub3A_1046 : i32 to vector<16xi32>
        %iota3A_1049 = tpu.iota {dimensions = array<i32: 0>} : vector<16xi32>
        %add3A_1050 = arith.constant 0 : i32
        %add3A_1051 = vector.broadcast %add3A_1050 : i32 to vector<16xi32>
        %add3A_1052 = arith.addi %iota3A_1049, %add3A_1051 : vector<16xi32>
        %gather3A_1053 = arith.constant 3 : i32
        %gather3A_1054 = arith.constant 0 : i32
        %gather3A_1055 = arith.constant 0 : i32
        %gather3A_1056 = tpu.memref_slice %arg6[%gather3A_1053, %gather3A_1054, %gather3A_1055] : memref<8x64x128xf32, #tpu.memory_space<vmem>> -> memref<1x64x128xf32, #tpu.memory_space<vmem>>
        %gather3A_1057 = tpu.memref_squeeze %gather3A_1056 : memref<1x64x128xf32, #tpu.memory_space<vmem>> -> memref<64x128xf32, #tpu.memory_space<vmem>>
        %gather3A_1058 = tpu.vector_load_idx %gather3A_1057[%add3A_1052, %broadcast_in_dim3A_1047] : memref<64x128xf32, #tpu.memory_space<vmem>>[vector<16xi32>, vector<16xi32>], vector<16xf32>,
        tpu.vector_store_idx %arg7[%add3A_1052, %broadcast_in_dim3A_1048], %gather3A_1058 : memref<64x512xf32, #tpu.memory_space<vmem>>[vector<16xi32>, vector<16xi32>], vector<16xf32>,
        %iota3A_1059 = tpu.iota {dimensions = array<i32: 0>} : vector<16xi32>
        %add3A_1060 = arith.constant 16 : i32
        %add3A_1061 = vector.broadcast %add3A_1060 : i32 to vector<16xi32>
        %add3A_1062 = arith.addi %iota3A_1059, %add3A_1061 : vector<16xi32>
        %gather3A_1063 = arith.constant 3 : i32
        %gather3A_1064 = arith.constant 0 : i32
        %gather3A_1065 = arith.constant 0 : i32
        %gather3A_1066 = tpu.memref_slice %arg6[%gather3A_1063, %gather3A_1064, %gather3A_1065] : memref<8x64x128xf32, #tpu.memory_space<vmem>> -> memref<1x64x128xf32, #tpu.memory_space<vmem>>
        %gather3A_1067 = tpu.memref_squeeze %gather3A_1066 : memref<1x64x128xf32, #tpu.memory_space<vmem>> -> memref<64x128xf32, #tpu.memory_space<vmem>>
        %gather3A_1068 = tpu.vector_load_idx %gather3A_1067[%add3A_1062, %broadcast_in_dim3A_1047] : memref<64x128xf32, #tpu.memory_space<vmem>>[vector<16xi32>, vector<16xi32>], vector<16xf32>,
        tpu.vector_store_idx %arg7[%add3A_1062, %broadcast_in_dim3A_1048], %gather3A_1068 : memref<64x512xf32, #tpu.memory_space<vmem>>[vector<16xi32>, vector<16xi32>], vector<16xf32>,
        %iota3A_1069 = tpu.iota {dimensions = array<i32: 0>} : vector<16xi32>
        %add3A_1070 = arith.constant 32 : i32
        %add3A_1071 = vector.broadcast %add3A_1070 : i32 to vector<16xi32>
        %add3A_1072 = arith.addi %iota3A_1069, %add3A_1071 : vector<16xi32>
        %gather3A_1073 = arith.constant 3 : i32
        %gather3A_1074 = arith.constant 0 : i32
        %gather3A_1075 = arith.constant 0 : i32
        %gather3A_1076 = tpu.memref_slice %arg6[%gather3A_1073, %gather3A_1074, %gather3A_1075] : memref<8x64x128xf32, #tpu.memory_space<vmem>> -> memref<1x64x128xf32, #tpu.memory_space<vmem>>
        %gather3A_1077 = tpu.memref_squeeze %gather3A_1076 : memref<1x64x128xf32, #tpu.memory_space<vmem>> -> memref<64x128xf32, #tpu.memory_space<vmem>>
        %gather3A_1078 = tpu.vector_load_idx %gather3A_1077[%add3A_1072, %broadcast_in_dim3A_1047] : memref<64x128xf32, #tpu.memory_space<vmem>>[vector<16xi32>, vector<16xi32>], vector<16xf32>,
        tpu.vector_store_idx %arg7[%add3A_1072, %broadcast_in_dim3A_1048], %gather3A_1078 : memref<64x512xf32, #tpu.memory_space<vmem>>[vector<16xi32>, vector<16xi32>], vector<16xf32>,
        %iota3A_1079 = tpu.iota {dimensions = array<i32: 0>} : vector<16xi32>
        %add3A_1080 = arith.constant 48 : i32
        %add3A_1081 = vector.broadcast %add3A_1080 : i32 to vector<16xi32>
        %add3A_1082 = arith.addi %iota3A_1079, %add3A_1081 : vector<16xi32>
        %gather3A_1083 = arith.constant 3 : i32
        %gather3A_1084 = arith.constant 0 : i32
        %gather3A_1085 = arith.constant 0 : i32
        %gather3A_1086 = tpu.memref_slice %arg6[%gather3A_1083, %gather3A_1084, %gather3A_1085] : memref<8x64x128xf32, #tpu.memory_space<vmem>> -> memref<1x64x128xf32, #tpu.memory_space<vmem>>
        %gather3A_1087 = tpu.memref_squeeze %gather3A_1086 : memref<1x64x128xf32, #tpu.memory_space<vmem>> -> memref<64x128xf32, #tpu.memory_space<vmem>>
        %gather3A_1088 = tpu.vector_load_idx %gather3A_1087[%add3A_1082, %broadcast_in_dim3A_1047] : memref<64x128xf32, #tpu.memory_space<vmem>>[vector<16xi32>, vector<16xi32>], vector<16xf32>,
        tpu.vector_store_idx %arg7[%add3A_1082, %broadcast_in_dim3A_1048], %gather3A_1088 : memref<64x512xf32, #tpu.memory_space<vmem>>[vector<16xi32>, vector<16xi32>], vector<16xf32>,
      } else {
      }
      %dma_start3A_876 = arith.constant 3 : i32
      %dma_start3A_877 = arith.constant 0 : i32
      %dma_start3A_878 = arith.constant 0 : i32
      %dma_start3A_879 = tpu.memref_slice %arg6[%dma_start3A_876, %dma_start3A_877, %dma_start3A_878] : memref<8x64x128xf32, #tpu.memory_space<vmem>> -> memref<1x64x128xf32, #tpu.memory_space<vmem>>
      %dma_start3A_880 = tpu.memref_squeeze %dma_start3A_879 : memref<1x64x128xf32, #tpu.memory_space<vmem>> -> memref<64x128xf32, #tpu.memory_space<vmem>>
      %dma_start3A_881 = arith.constant 0 : i32
      %dma_start3A_882 = tpu.memref_slice %arg3[%dma_start3A_881, %multiple_of3A_868] : memref<64x1000000xf32, #tpu.memory_space<hbm>> -> memref<64x128xf32, #tpu.memory_space<hbm>>
      %dma_start3A_883 = arith.constant 0 : i32
      %dma_start3A_884 = arith.constant 0 : i32
      %dma_start3A_885 = tpu.memref_slice %arg6[%dma_start3A_876, %dma_start3A_883, %dma_start3A_884] : memref<8x64x128xf32, #tpu.memory_space<vmem>> -> memref<1x64x128xf32, #tpu.memory_space<vmem>>
      %dma_start3A_886 = tpu.memref_squeeze %dma_start3A_885 : memref<1x64x128xf32, #tpu.memory_space<vmem>> -> memref<64x128xf32, #tpu.memory_space<vmem>>
      %dma_start3A_887 = arith.constant 0 : i32
      %dma_start3A_888 = tpu.memref_slice %arg3[%dma_start3A_887, %multiple_of3A_868] : memref<64x1000000xf32, #tpu.memory_space<hbm>> -> memref<64x128xf32, #tpu.memory_space<hbm>>
      tpu.enqueue_dma source(%dma_start3A_888 : memref<64x128xf32, #tpu.memory_space<hbm>>) target(%dma_start3A_886 : memref<64x128xf32, #tpu.memory_space<vmem>>) target_semaphore(%arg12 : memref<!tpu.dma_semaphore, #tpu.memory_space<semaphore_mem>>)
      %swap3A_889 = arith.constant 3 : i32
      %swap3A_890 = arith.index_cast %swap3A_889 : i32 to index
      %swap3A_891 = memref.load %arg8[%swap3A_890] : memref<8xi32, #tpu.memory_space<smem>>
      memref.store %and3A_870, %arg8[%swap3A_890] : memref<8xi32, #tpu.memory_space<smem>>
      %mul3A_892 = arith.constant 16 : i32
      %mul3A_893 = arith.muli %scan3A_490, %mul3A_892 : i32
      %add3A_894 = arith.constant 12 : i32
      %add3A_895 = arith.addi %mul3A_893, %add3A_894 : i32
      %slice3A_896 = vector.extract_strided_slice %get3A_494 {offsets = [12], sizes = [1], strides = [1]} : vector<16xi32> to vector<1xi32>
      %squeeze3A_897 = vector.extract %slice3A_896[0] : i32 from vector<1xi32>
      %shift_right_arithmetic3A_898 = arith.constant 7 : i32
      %shift_right_arithmetic3A_899 = arith.shrsi %squeeze3A_897, %shift_right_arithmetic3A_898 : i32
      %shift_left3A_900 = arith.constant 7 : i32
      %shift_left3A_901 = arith.shli %shift_right_arithmetic3A_899, %shift_left3A_900 : i32
      %multiple_of3A_902 = tpu.assume_multiple %shift_left3A_901, 128 : i32
      %and3A_903 = arith.constant 127 : i32
      %and3A_904 = arith.andi %squeeze3A_897, %and3A_903 : i32
      %ge3A_905 = arith.constant 8 : i32
      %ge3A_906 = arith.cmpi sge, %add3A_895, %ge3A_905 : i32
      %convert_element_type3A_907 = arith.extui %ge3A_906 : i1 to i32
      %cond3A_908 = arith.constant 0 : i32
      %cond3A_909 = arith.cmpi ne, %convert_element_type3A_907, %cond3A_908 : i32
      scf.if %cond3A_909 {
        %dma_wait3A_1028 = arith.constant 4 : i32
        %dma_wait3A_1029 = arith.constant 0 : i32
        %dma_wait3A_1030 = arith.constant 0 : i32
        %dma_wait3A_1031 = tpu.memref_slice %arg6[%dma_wait3A_1028, %dma_wait3A_1029, %dma_wait3A_1030] : memref<8x64x128xf32, #tpu.memory_space<vmem>> -> memref<1x64x128xf32, #tpu.memory_space<vmem>>
        %dma_wait3A_1032 = tpu.memref_squeeze %dma_wait3A_1031 : memref<1x64x128xf32, #tpu.memory_space<vmem>> -> memref<64x128xf32, #tpu.memory_space<vmem>>
        %dma_wait3A_1033 = arith.constant 0 : i32
        %dma_wait3A_1034 = arith.constant 0 : i32
        %dma_wait3A_1035 = tpu.memref_slice %arg3[%dma_wait3A_1033, %dma_wait3A_1034] : memref<64x1000000xf32, #tpu.memory_space<hbm>> -> memref<64x128xf32, #tpu.memory_space<hbm>>
        %dma_wait3A_1036 = arith.constant 0 : i32
        %dma_wait3A_1037 = arith.constant 0 : i32
        %dma_wait3A_1038 = tpu.memref_slice %arg6[%dma_wait3A_1028, %dma_wait3A_1036, %dma_wait3A_1037] : memref<8x64x128xf32, #tpu.memory_space<vmem>> -> memref<1x64x128xf32, #tpu.memory_space<vmem>>
        %dma_wait3A_1039 = tpu.memref_squeeze %dma_wait3A_1038 : memref<1x64x128xf32, #tpu.memory_space<vmem>> -> memref<64x128xf32, #tpu.memory_space<vmem>>
        %dma_wait3A_1040 = arith.constant 0 : i32
        %dma_wait3A_1041 = arith.constant 0 : i32
        %dma_wait3A_1042 = tpu.memref_slice %arg3[%dma_wait3A_1040, %dma_wait3A_1041] : memref<64x1000000xf32, #tpu.memory_space<hbm>> -> memref<64x128xf32, #tpu.memory_space<hbm>>
        tpu.wait_dma2 semaphore(%arg13 : memref<!tpu.dma_semaphore, #tpu.memory_space<semaphore_mem>>) src(%dma_wait3A_1042 : memref<64x128xf32, #tpu.memory_space<hbm>>) dst(%dma_wait3A_1039 : memref<64x128xf32, #tpu.memory_space<vmem>>)
        %get3A_1043 = arith.constant 4 : i32
        %get3A_1044 = arith.index_cast %get3A_1043 : i32 to index
        %get3A_1045 = memref.load %arg8[%get3A_1044] : memref<8xi32, #tpu.memory_space<smem>>
        %sub3A = arith.constant 8 : i32
        %sub3A_1046 = arith.subi %add3A_895, %sub3A : i32
        %broadcast_in_dim3A_1047 = vector.broadcast %get3A_1045 : i32 to vector<16xi32>
        %broadcast_in_dim3A_1048 = vector.broadcast %sub3A_1046 : i32 to vector<16xi32>
        %iota3A_1049 = tpu.iota {dimensions = array<i32: 0>} : vector<16xi32>
        %add3A_1050 = arith.constant 0 : i32
        %add3A_1051 = vector.broadcast %add3A_1050 : i32 to vector<16xi32>
        %add3A_1052 = arith.addi %iota3A_1049, %add3A_1051 : vector<16xi32>
        %gather3A_1053 = arith.constant 4 : i32
        %gather3A_1054 = arith.constant 0 : i32
        %gather3A_1055 = arith.constant 0 : i32
        %gather3A_1056 = tpu.memref_slice %arg6[%gather3A_1053, %gather3A_1054, %gather3A_1055] : memref<8x64x128xf32, #tpu.memory_space<vmem>> -> memref<1x64x128xf32, #tpu.memory_space<vmem>>
        %gather3A_1057 = tpu.memref_squeeze %gather3A_1056 : memref<1x64x128xf32, #tpu.memory_space<vmem>> -> memref<64x128xf32, #tpu.memory_space<vmem>>
        %gather3A_1058 = tpu.vector_load_idx %gather3A_1057[%add3A_1052, %broadcast_in_dim3A_1047] : memref<64x128xf32, #tpu.memory_space<vmem>>[vector<16xi32>, vector<16xi32>], vector<16xf32>,
        tpu.vector_store_idx %arg7[%add3A_1052, %broadcast_in_dim3A_1048], %gather3A_1058 : memref<64x512xf32, #tpu.memory_space<vmem>>[vector<16xi32>, vector<16xi32>], vector<16xf32>,
        %iota3A_1059 = tpu.iota {dimensions = array<i32: 0>} : vector<16xi32>
        %add3A_1060 = arith.constant 16 : i32
        %add3A_1061 = vector.broadcast %add3A_1060 : i32 to vector<16xi32>
        %add3A_1062 = arith.addi %iota3A_1059, %add3A_1061 : vector<16xi32>
        %gather3A_1063 = arith.constant 4 : i32
        %gather3A_1064 = arith.constant 0 : i32
        %gather3A_1065 = arith.constant 0 : i32
        %gather3A_1066 = tpu.memref_slice %arg6[%gather3A_1063, %gather3A_1064, %gather3A_1065] : memref<8x64x128xf32, #tpu.memory_space<vmem>> -> memref<1x64x128xf32, #tpu.memory_space<vmem>>
        %gather3A_1067 = tpu.memref_squeeze %gather3A_1066 : memref<1x64x128xf32, #tpu.memory_space<vmem>> -> memref<64x128xf32, #tpu.memory_space<vmem>>
        %gather3A_1068 = tpu.vector_load_idx %gather3A_1067[%add3A_1062, %broadcast_in_dim3A_1047] : memref<64x128xf32, #tpu.memory_space<vmem>>[vector<16xi32>, vector<16xi32>], vector<16xf32>,
        tpu.vector_store_idx %arg7[%add3A_1062, %broadcast_in_dim3A_1048], %gather3A_1068 : memref<64x512xf32, #tpu.memory_space<vmem>>[vector<16xi32>, vector<16xi32>], vector<16xf32>,
        %iota3A_1069 = tpu.iota {dimensions = array<i32: 0>} : vector<16xi32>
        %add3A_1070 = arith.constant 32 : i32
        %add3A_1071 = vector.broadcast %add3A_1070 : i32 to vector<16xi32>
        %add3A_1072 = arith.addi %iota3A_1069, %add3A_1071 : vector<16xi32>
        %gather3A_1073 = arith.constant 4 : i32
        %gather3A_1074 = arith.constant 0 : i32
        %gather3A_1075 = arith.constant 0 : i32
        %gather3A_1076 = tpu.memref_slice %arg6[%gather3A_1073, %gather3A_1074, %gather3A_1075] : memref<8x64x128xf32, #tpu.memory_space<vmem>> -> memref<1x64x128xf32, #tpu.memory_space<vmem>>
        %gather3A_1077 = tpu.memref_squeeze %gather3A_1076 : memref<1x64x128xf32, #tpu.memory_space<vmem>> -> memref<64x128xf32, #tpu.memory_space<vmem>>
        %gather3A_1078 = tpu.vector_load_idx %gather3A_1077[%add3A_1072, %broadcast_in_dim3A_1047] : memref<64x128xf32, #tpu.memory_space<vmem>>[vector<16xi32>, vector<16xi32>], vector<16xf32>,
        tpu.vector_store_idx %arg7[%add3A_1072, %broadcast_in_dim3A_1048], %gather3A_1078 : memref<64x512xf32, #tpu.memory_space<vmem>>[vector<16xi32>, vector<16xi32>], vector<16xf32>,
        %iota3A_1079 = tpu.iota {dimensions = array<i32: 0>} : vector<16xi32>
        %add3A_1080 = arith.constant 48 : i32
        %add3A_1081 = vector.broadcast %add3A_1080 : i32 to vector<16xi32>
        %add3A_1082 = arith.addi %iota3A_1079, %add3A_1081 : vector<16xi32>
        %gather3A_1083 = arith.constant 4 : i32
        %gather3A_1084 = arith.constant 0 : i32
        %gather3A_1085 = arith.constant 0 : i32
        %gather3A_1086 = tpu.memref_slice %arg6[%gather3A_1083, %gather3A_1084, %gather3A_1085] : memref<8x64x128xf32, #tpu.memory_space<vmem>> -> memref<1x64x128xf32, #tpu.memory_space<vmem>>
        %gather3A_1087 = tpu.memref_squeeze %gather3A_1086 : memref<1x64x128xf32, #tpu.memory_space<vmem>> -> memref<64x128xf32, #tpu.memory_space<vmem>>
        %gather3A_1088 = tpu.vector_load_idx %gather3A_1087[%add3A_1082, %broadcast_in_dim3A_1047] : memref<64x128xf32, #tpu.memory_space<vmem>>[vector<16xi32>, vector<16xi32>], vector<16xf32>,
        tpu.vector_store_idx %arg7[%add3A_1082, %broadcast_in_dim3A_1048], %gather3A_1088 : memref<64x512xf32, #tpu.memory_space<vmem>>[vector<16xi32>, vector<16xi32>], vector<16xf32>,
      } else {
      }
      %dma_start3A_910 = arith.constant 4 : i32
      %dma_start3A_911 = arith.constant 0 : i32
      %dma_start3A_912 = arith.constant 0 : i32
      %dma_start3A_913 = tpu.memref_slice %arg6[%dma_start3A_910, %dma_start3A_911, %dma_start3A_912] : memref<8x64x128xf32, #tpu.memory_space<vmem>> -> memref<1x64x128xf32, #tpu.memory_space<vmem>>
      %dma_start3A_914 = tpu.memref_squeeze %dma_start3A_913 : memref<1x64x128xf32, #tpu.memory_space<vmem>> -> memref<64x128xf32, #tpu.memory_space<vmem>>
      %dma_start3A_915 = arith.constant 0 : i32
      %dma_start3A_916 = tpu.memref_slice %arg3[%dma_start3A_915, %multiple_of3A_902] : memref<64x1000000xf32, #tpu.memory_space<hbm>> -> memref<64x128xf32, #tpu.memory_space<hbm>>
      %dma_start3A_917 = arith.constant 0 : i32
      %dma_start3A_918 = arith.constant 0 : i32
      %dma_start3A_919 = tpu.memref_slice %arg6[%dma_start3A_910, %dma_start3A_917, %dma_start3A_918] : memref<8x64x128xf32, #tpu.memory_space<vmem>> -> memref<1x64x128xf32, #tpu.memory_space<vmem>>
      %dma_start3A_920 = tpu.memref_squeeze %dma_start3A_919 : memref<1x64x128xf32, #tpu.memory_space<vmem>> -> memref<64x128xf32, #tpu.memory_space<vmem>>
      %dma_start3A_921 = arith.constant 0 : i32
      %dma_start3A_922 = tpu.memref_slice %arg3[%dma_start3A_921, %multiple_of3A_902] : memref<64x1000000xf32, #tpu.memory_space<hbm>> -> memref<64x128xf32, #tpu.memory_space<hbm>>
      tpu.enqueue_dma source(%dma_start3A_922 : memref<64x128xf32, #tpu.memory_space<hbm>>) target(%dma_start3A_920 : memref<64x128xf32, #tpu.memory_space<vmem>>) target_semaphore(%arg13 : memref<!tpu.dma_semaphore, #tpu.memory_space<semaphore_mem>>)
      %swap3A_923 = arith.constant 4 : i32
      %swap3A_924 = arith.index_cast %swap3A_923 : i32 to index
      %swap3A_925 = memref.load %arg8[%swap3A_924] : memref<8xi32, #tpu.memory_space<smem>>
      memref.store %and3A_904, %arg8[%swap3A_924] : memref<8xi32, #tpu.memory_space<smem>>
      %mul3A_926 = arith.constant 16 : i32
      %mul3A_927 = arith.muli %scan3A_490, %mul3A_926 : i32
      %add3A_928 = arith.constant 13 : i32
      %add3A_929 = arith.addi %mul3A_927, %add3A_928 : i32
      %slice3A_930 = vector.extract_strided_slice %get3A_494 {offsets = [13], sizes = [1], strides = [1]} : vector<16xi32> to vector<1xi32>
      %squeeze3A_931 = vector.extract %slice3A_930[0] : i32 from vector<1xi32>
      %shift_right_arithmetic3A_932 = arith.constant 7 : i32
      %shift_right_arithmetic3A_933 = arith.shrsi %squeeze3A_931, %shift_right_arithmetic3A_932 : i32
      %shift_left3A_934 = arith.constant 7 : i32
      %shift_left3A_935 = arith.shli %shift_right_arithmetic3A_933, %shift_left3A_934 : i32
      %multiple_of3A_936 = tpu.assume_multiple %shift_left3A_935, 128 : i32
      %and3A_937 = arith.constant 127 : i32
      %and3A_938 = arith.andi %squeeze3A_931, %and3A_937 : i32
      %ge3A_939 = arith.constant 8 : i32
      %ge3A_940 = arith.cmpi sge, %add3A_929, %ge3A_939 : i32
      %convert_element_type3A_941 = arith.extui %ge3A_940 : i1 to i32
      %cond3A_942 = arith.constant 0 : i32
      %cond3A_943 = arith.cmpi ne, %convert_element_type3A_941, %cond3A_942 : i32
      scf.if %cond3A_943 {
        %dma_wait3A_1028 = arith.constant 5 : i32
        %dma_wait3A_1029 = arith.constant 0 : i32
        %dma_wait3A_1030 = arith.constant 0 : i32
        %dma_wait3A_1031 = tpu.memref_slice %arg6[%dma_wait3A_1028, %dma_wait3A_1029, %dma_wait3A_1030] : memref<8x64x128xf32, #tpu.memory_space<vmem>> -> memref<1x64x128xf32, #tpu.memory_space<vmem>>
        %dma_wait3A_1032 = tpu.memref_squeeze %dma_wait3A_1031 : memref<1x64x128xf32, #tpu.memory_space<vmem>> -> memref<64x128xf32, #tpu.memory_space<vmem>>
        %dma_wait3A_1033 = arith.constant 0 : i32
        %dma_wait3A_1034 = arith.constant 0 : i32
        %dma_wait3A_1035 = tpu.memref_slice %arg3[%dma_wait3A_1033, %dma_wait3A_1034] : memref<64x1000000xf32, #tpu.memory_space<hbm>> -> memref<64x128xf32, #tpu.memory_space<hbm>>
        %dma_wait3A_1036 = arith.constant 0 : i32
        %dma_wait3A_1037 = arith.constant 0 : i32
        %dma_wait3A_1038 = tpu.memref_slice %arg6[%dma_wait3A_1028, %dma_wait3A_1036, %dma_wait3A_1037] : memref<8x64x128xf32, #tpu.memory_space<vmem>> -> memref<1x64x128xf32, #tpu.memory_space<vmem>>
        %dma_wait3A_1039 = tpu.memref_squeeze %dma_wait3A_1038 : memref<1x64x128xf32, #tpu.memory_space<vmem>> -> memref<64x128xf32, #tpu.memory_space<vmem>>
        %dma_wait3A_1040 = arith.constant 0 : i32
        %dma_wait3A_1041 = arith.constant 0 : i32
        %dma_wait3A_1042 = tpu.memref_slice %arg3[%dma_wait3A_1040, %dma_wait3A_1041] : memref<64x1000000xf32, #tpu.memory_space<hbm>> -> memref<64x128xf32, #tpu.memory_space<hbm>>
        tpu.wait_dma2 semaphore(%arg14 : memref<!tpu.dma_semaphore, #tpu.memory_space<semaphore_mem>>) src(%dma_wait3A_1042 : memref<64x128xf32, #tpu.memory_space<hbm>>) dst(%dma_wait3A_1039 : memref<64x128xf32, #tpu.memory_space<vmem>>)
        %get3A_1043 = arith.constant 5 : i32
        %get3A_1044 = arith.index_cast %get3A_1043 : i32 to index
        %get3A_1045 = memref.load %arg8[%get3A_1044] : memref<8xi32, #tpu.memory_space<smem>>
        %sub3A = arith.constant 8 : i32
        %sub3A_1046 = arith.subi %add3A_929, %sub3A : i32
        %broadcast_in_dim3A_1047 = vector.broadcast %get3A_1045 : i32 to vector<16xi32>
        %broadcast_in_dim3A_1048 = vector.broadcast %sub3A_1046 : i32 to vector<16xi32>
        %iota3A_1049 = tpu.iota {dimensions = array<i32: 0>} : vector<16xi32>
        %add3A_1050 = arith.constant 0 : i32
        %add3A_1051 = vector.broadcast %add3A_1050 : i32 to vector<16xi32>
        %add3A_1052 = arith.addi %iota3A_1049, %add3A_1051 : vector<16xi32>
        %gather3A_1053 = arith.constant 5 : i32
        %gather3A_1054 = arith.constant 0 : i32
        %gather3A_1055 = arith.constant 0 : i32
        %gather3A_1056 = tpu.memref_slice %arg6[%gather3A_1053, %gather3A_1054, %gather3A_1055] : memref<8x64x128xf32, #tpu.memory_space<vmem>> -> memref<1x64x128xf32, #tpu.memory_space<vmem>>
        %gather3A_1057 = tpu.memref_squeeze %gather3A_1056 : memref<1x64x128xf32, #tpu.memory_space<vmem>> -> memref<64x128xf32, #tpu.memory_space<vmem>>
        %gather3A_1058 = tpu.vector_load_idx %gather3A_1057[%add3A_1052, %broadcast_in_dim3A_1047] : memref<64x128xf32, #tpu.memory_space<vmem>>[vector<16xi32>, vector<16xi32>], vector<16xf32>,
        tpu.vector_store_idx %arg7[%add3A_1052, %broadcast_in_dim3A_1048], %gather3A_1058 : memref<64x512xf32, #tpu.memory_space<vmem>>[vector<16xi32>, vector<16xi32>], vector<16xf32>,
        %iota3A_1059 = tpu.iota {dimensions = array<i32: 0>} : vector<16xi32>
        %add3A_1060 = arith.constant 16 : i32
        %add3A_1061 = vector.broadcast %add3A_1060 : i32 to vector<16xi32>
        %add3A_1062 = arith.addi %iota3A_1059, %add3A_1061 : vector<16xi32>
        %gather3A_1063 = arith.constant 5 : i32
        %gather3A_1064 = arith.constant 0 : i32
        %gather3A_1065 = arith.constant 0 : i32
        %gather3A_1066 = tpu.memref_slice %arg6[%gather3A_1063, %gather3A_1064, %gather3A_1065] : memref<8x64x128xf32, #tpu.memory_space<vmem>> -> memref<1x64x128xf32, #tpu.memory_space<vmem>>
        %gather3A_1067 = tpu.memref_squeeze %gather3A_1066 : memref<1x64x128xf32, #tpu.memory_space<vmem>> -> memref<64x128xf32, #tpu.memory_space<vmem>>
        %gather3A_1068 = tpu.vector_load_idx %gather3A_1067[%add3A_1062, %broadcast_in_dim3A_1047] : memref<64x128xf32, #tpu.memory_space<vmem>>[vector<16xi32>, vector<16xi32>], vector<16xf32>,
        tpu.vector_store_idx %arg7[%add3A_1062, %broadcast_in_dim3A_1048], %gather3A_1068 : memref<64x512xf32, #tpu.memory_space<vmem>>[vector<16xi32>, vector<16xi32>], vector<16xf32>,
        %iota3A_1069 = tpu.iota {dimensions = array<i32: 0>} : vector<16xi32>
        %add3A_1070 = arith.constant 32 : i32
        %add3A_1071 = vector.broadcast %add3A_1070 : i32 to vector<16xi32>
        %add3A_1072 = arith.addi %iota3A_1069, %add3A_1071 : vector<16xi32>
        %gather3A_1073 = arith.constant 5 : i32
        %gather3A_1074 = arith.constant 0 : i32
        %gather3A_1075 = arith.constant 0 : i32
        %gather3A_1076 = tpu.memref_slice %arg6[%gather3A_1073, %gather3A_1074, %gather3A_1075] : memref<8x64x128xf32, #tpu.memory_space<vmem>> -> memref<1x64x128xf32, #tpu.memory_space<vmem>>
        %gather3A_1077 = tpu.memref_squeeze %gather3A_1076 : memref<1x64x128xf32, #tpu.memory_space<vmem>> -> memref<64x128xf32, #tpu.memory_space<vmem>>
        %gather3A_1078 = tpu.vector_load_idx %gather3A_1077[%add3A_1072, %broadcast_in_dim3A_1047] : memref<64x128xf32, #tpu.memory_space<vmem>>[vector<16xi32>, vector<16xi32>], vector<16xf32>,
        tpu.vector_store_idx %arg7[%add3A_1072, %broadcast_in_dim3A_1048], %gather3A_1078 : memref<64x512xf32, #tpu.memory_space<vmem>>[vector<16xi32>, vector<16xi32>], vector<16xf32>,
        %iota3A_1079 = tpu.iota {dimensions = array<i32: 0>} : vector<16xi32>
        %add3A_1080 = arith.constant 48 : i32
        %add3A_1081 = vector.broadcast %add3A_1080 : i32 to vector<16xi32>
        %add3A_1082 = arith.addi %iota3A_1079, %add3A_1081 : vector<16xi32>
        %gather3A_1083 = arith.constant 5 : i32
        %gather3A_1084 = arith.constant 0 : i32
        %gather3A_1085 = arith.constant 0 : i32
        %gather3A_1086 = tpu.memref_slice %arg6[%gather3A_1083, %gather3A_1084, %gather3A_1085] : memref<8x64x128xf32, #tpu.memory_space<vmem>> -> memref<1x64x128xf32, #tpu.memory_space<vmem>>
        %gather3A_1087 = tpu.memref_squeeze %gather3A_1086 : memref<1x64x128xf32, #tpu.memory_space<vmem>> -> memref<64x128xf32, #tpu.memory_space<vmem>>
        %gather3A_1088 = tpu.vector_load_idx %gather3A_1087[%add3A_1082, %broadcast_in_dim3A_1047] : memref<64x128xf32, #tpu.memory_space<vmem>>[vector<16xi32>, vector<16xi32>], vector<16xf32>,
        tpu.vector_store_idx %arg7[%add3A_1082, %broadcast_in_dim3A_1048], %gather3A_1088 : memref<64x512xf32, #tpu.memory_space<vmem>>[vector<16xi32>, vector<16xi32>], vector<16xf32>,
      } else {
      }
      %dma_start3A_944 = arith.constant 5 : i32
      %dma_start3A_945 = arith.constant 0 : i32
      %dma_start3A_946 = arith.constant 0 : i32
      %dma_start3A_947 = tpu.memref_slice %arg6[%dma_start3A_944, %dma_start3A_945, %dma_start3A_946] : memref<8x64x128xf32, #tpu.memory_space<vmem>> -> memref<1x64x128xf32, #tpu.memory_space<vmem>>
      %dma_start3A_948 = tpu.memref_squeeze %dma_start3A_947 : memref<1x64x128xf32, #tpu.memory_space<vmem>> -> memref<64x128xf32, #tpu.memory_space<vmem>>
      %dma_start3A_949 = arith.constant 0 : i32
      %dma_start3A_950 = tpu.memref_slice %arg3[%dma_start3A_949, %multiple_of3A_936] : memref<64x1000000xf32, #tpu.memory_space<hbm>> -> memref<64x128xf32, #tpu.memory_space<hbm>>
      %dma_start3A_951 = arith.constant 0 : i32
      %dma_start3A_952 = arith.constant 0 : i32
      %dma_start3A_953 = tpu.memref_slice %arg6[%dma_start3A_944, %dma_start3A_951, %dma_start3A_952] : memref<8x64x128xf32, #tpu.memory_space<vmem>> -> memref<1x64x128xf32, #tpu.memory_space<vmem>>
      %dma_start3A_954 = tpu.memref_squeeze %dma_start3A_953 : memref<1x64x128xf32, #tpu.memory_space<vmem>> -> memref<64x128xf32, #tpu.memory_space<vmem>>
      %dma_start3A_955 = arith.constant 0 : i32
      %dma_start3A_956 = tpu.memref_slice %arg3[%dma_start3A_955, %multiple_of3A_936] : memref<64x1000000xf32, #tpu.memory_space<hbm>> -> memref<64x128xf32, #tpu.memory_space<hbm>>
      tpu.enqueue_dma source(%dma_start3A_956 : memref<64x128xf32, #tpu.memory_space<hbm>>) target(%dma_start3A_954 : memref<64x128xf32, #tpu.memory_space<vmem>>) target_semaphore(%arg14 : memref<!tpu.dma_semaphore, #tpu.memory_space<semaphore_mem>>)
      %swap3A_957 = arith.constant 5 : i32
      %swap3A_958 = arith.index_cast %swap3A_957 : i32 to index
      %swap3A_959 = memref.load %arg8[%swap3A_958] : memref<8xi32, #tpu.memory_space<smem>>
      memref.store %and3A_938, %arg8[%swap3A_958] : memref<8xi32, #tpu.memory_space<smem>>
      %mul3A_960 = arith.constant 16 : i32
      %mul3A_961 = arith.muli %scan3A_490, %mul3A_960 : i32
      %add3A_962 = arith.constant 14 : i32
      %add3A_963 = arith.addi %mul3A_961, %add3A_962 : i32
      %slice3A_964 = vector.extract_strided_slice %get3A_494 {offsets = [14], sizes = [1], strides = [1]} : vector<16xi32> to vector<1xi32>
      %squeeze3A_965 = vector.extract %slice3A_964[0] : i32 from vector<1xi32>
      %shift_right_arithmetic3A_966 = arith.constant 7 : i32
      %shift_right_arithmetic3A_967 = arith.shrsi %squeeze3A_965, %shift_right_arithmetic3A_966 : i32
      %shift_left3A_968 = arith.constant 7 : i32
      %shift_left3A_969 = arith.shli %shift_right_arithmetic3A_967, %shift_left3A_968 : i32
      %multiple_of3A_970 = tpu.assume_multiple %shift_left3A_969, 128 : i32
      %and3A_971 = arith.constant 127 : i32
      %and3A_972 = arith.andi %squeeze3A_965, %and3A_971 : i32
      %ge3A_973 = arith.constant 8 : i32
      %ge3A_974 = arith.cmpi sge, %add3A_963, %ge3A_973 : i32
      %convert_element_type3A_975 = arith.extui %ge3A_974 : i1 to i32
      %cond3A_976 = arith.constant 0 : i32
      %cond3A_977 = arith.cmpi ne, %convert_element_type3A_975, %cond3A_976 : i32
      scf.if %cond3A_977 {
        %dma_wait3A_1028 = arith.constant 6 : i32
        %dma_wait3A_1029 = arith.constant 0 : i32
        %dma_wait3A_1030 = arith.constant 0 : i32
        %dma_wait3A_1031 = tpu.memref_slice %arg6[%dma_wait3A_1028, %dma_wait3A_1029, %dma_wait3A_1030] : memref<8x64x128xf32, #tpu.memory_space<vmem>> -> memref<1x64x128xf32, #tpu.memory_space<vmem>>
        %dma_wait3A_1032 = tpu.memref_squeeze %dma_wait3A_1031 : memref<1x64x128xf32, #tpu.memory_space<vmem>> -> memref<64x128xf32, #tpu.memory_space<vmem>>
        %dma_wait3A_1033 = arith.constant 0 : i32
        %dma_wait3A_1034 = arith.constant 0 : i32
        %dma_wait3A_1035 = tpu.memref_slice %arg3[%dma_wait3A_1033, %dma_wait3A_1034] : memref<64x1000000xf32, #tpu.memory_space<hbm>> -> memref<64x128xf32, #tpu.memory_space<hbm>>
        %dma_wait3A_1036 = arith.constant 0 : i32
        %dma_wait3A_1037 = arith.constant 0 : i32
        %dma_wait3A_1038 = tpu.memref_slice %arg6[%dma_wait3A_1028, %dma_wait3A_1036, %dma_wait3A_1037] : memref<8x64x128xf32, #tpu.memory_space<vmem>> -> memref<1x64x128xf32, #tpu.memory_space<vmem>>
        %dma_wait3A_1039 = tpu.memref_squeeze %dma_wait3A_1038 : memref<1x64x128xf32, #tpu.memory_space<vmem>> -> memref<64x128xf32, #tpu.memory_space<vmem>>
        %dma_wait3A_1040 = arith.constant 0 : i32
        %dma_wait3A_1041 = arith.constant 0 : i32
        %dma_wait3A_1042 = tpu.memref_slice %arg3[%dma_wait3A_1040, %dma_wait3A_1041] : memref<64x1000000xf32, #tpu.memory_space<hbm>> -> memref<64x128xf32, #tpu.memory_space<hbm>>
        tpu.wait_dma2 semaphore(%arg15 : memref<!tpu.dma_semaphore, #tpu.memory_space<semaphore_mem>>) src(%dma_wait3A_1042 : memref<64x128xf32, #tpu.memory_space<hbm>>) dst(%dma_wait3A_1039 : memref<64x128xf32, #tpu.memory_space<vmem>>)
        %get3A_1043 = arith.constant 6 : i32
        %get3A_1044 = arith.index_cast %get3A_1043 : i32 to index
        %get3A_1045 = memref.load %arg8[%get3A_1044] : memref<8xi32, #tpu.memory_space<smem>>
        %sub3A = arith.constant 8 : i32
        %sub3A_1046 = arith.subi %add3A_963, %sub3A : i32
        %broadcast_in_dim3A_1047 = vector.broadcast %get3A_1045 : i32 to vector<16xi32>
        %broadcast_in_dim3A_1048 = vector.broadcast %sub3A_1046 : i32 to vector<16xi32>
        %iota3A_1049 = tpu.iota {dimensions = array<i32: 0>} : vector<16xi32>
        %add3A_1050 = arith.constant 0 : i32
        %add3A_1051 = vector.broadcast %add3A_1050 : i32 to vector<16xi32>
        %add3A_1052 = arith.addi %iota3A_1049, %add3A_1051 : vector<16xi32>
        %gather3A_1053 = arith.constant 6 : i32
        %gather3A_1054 = arith.constant 0 : i32
        %gather3A_1055 = arith.constant 0 : i32
        %gather3A_1056 = tpu.memref_slice %arg6[%gather3A_1053, %gather3A_1054, %gather3A_1055] : memref<8x64x128xf32, #tpu.memory_space<vmem>> -> memref<1x64x128xf32, #tpu.memory_space<vmem>>
        %gather3A_1057 = tpu.memref_squeeze %gather3A_1056 : memref<1x64x128xf32, #tpu.memory_space<vmem>> -> memref<64x128xf32, #tpu.memory_space<vmem>>
        %gather3A_1058 = tpu.vector_load_idx %gather3A_1057[%add3A_1052, %broadcast_in_dim3A_1047] : memref<64x128xf32, #tpu.memory_space<vmem>>[vector<16xi32>, vector<16xi32>], vector<16xf32>,
        tpu.vector_store_idx %arg7[%add3A_1052, %broadcast_in_dim3A_1048], %gather3A_1058 : memref<64x512xf32, #tpu.memory_space<vmem>>[vector<16xi32>, vector<16xi32>], vector<16xf32>,
        %iota3A_1059 = tpu.iota {dimensions = array<i32: 0>} : vector<16xi32>
        %add3A_1060 = arith.constant 16 : i32
        %add3A_1061 = vector.broadcast %add3A_1060 : i32 to vector<16xi32>
        %add3A_1062 = arith.addi %iota3A_1059, %add3A_1061 : vector<16xi32>
        %gather3A_1063 = arith.constant 6 : i32
        %gather3A_1064 = arith.constant 0 : i32
        %gather3A_1065 = arith.constant 0 : i32
        %gather3A_1066 = tpu.memref_slice %arg6[%gather3A_1063, %gather3A_1064, %gather3A_1065] : memref<8x64x128xf32, #tpu.memory_space<vmem>> -> memref<1x64x128xf32, #tpu.memory_space<vmem>>
        %gather3A_1067 = tpu.memref_squeeze %gather3A_1066 : memref<1x64x128xf32, #tpu.memory_space<vmem>> -> memref<64x128xf32, #tpu.memory_space<vmem>>
        %gather3A_1068 = tpu.vector_load_idx %gather3A_1067[%add3A_1062, %broadcast_in_dim3A_1047] : memref<64x128xf32, #tpu.memory_space<vmem>>[vector<16xi32>, vector<16xi32>], vector<16xf32>,
        tpu.vector_store_idx %arg7[%add3A_1062, %broadcast_in_dim3A_1048], %gather3A_1068 : memref<64x512xf32, #tpu.memory_space<vmem>>[vector<16xi32>, vector<16xi32>], vector<16xf32>,
        %iota3A_1069 = tpu.iota {dimensions = array<i32: 0>} : vector<16xi32>
        %add3A_1070 = arith.constant 32 : i32
        %add3A_1071 = vector.broadcast %add3A_1070 : i32 to vector<16xi32>
        %add3A_1072 = arith.addi %iota3A_1069, %add3A_1071 : vector<16xi32>
        %gather3A_1073 = arith.constant 6 : i32
        %gather3A_1074 = arith.constant 0 : i32
        %gather3A_1075 = arith.constant 0 : i32
        %gather3A_1076 = tpu.memref_slice %arg6[%gather3A_1073, %gather3A_1074, %gather3A_1075] : memref<8x64x128xf32, #tpu.memory_space<vmem>> -> memref<1x64x128xf32, #tpu.memory_space<vmem>>
        %gather3A_1077 = tpu.memref_squeeze %gather3A_1076 : memref<1x64x128xf32, #tpu.memory_space<vmem>> -> memref<64x128xf32, #tpu.memory_space<vmem>>
        %gather3A_1078 = tpu.vector_load_idx %gather3A_1077[%add3A_1072, %broadcast_in_dim3A_1047] : memref<64x128xf32, #tpu.memory_space<vmem>>[vector<16xi32>, vector<16xi32>], vector<16xf32>,
        tpu.vector_store_idx %arg7[%add3A_1072, %broadcast_in_dim3A_1048], %gather3A_1078 : memref<64x512xf32, #tpu.memory_space<vmem>>[vector<16xi32>, vector<16xi32>], vector<16xf32>,
        %iota3A_1079 = tpu.iota {dimensions = array<i32: 0>} : vector<16xi32>
        %add3A_1080 = arith.constant 48 : i32
        %add3A_1081 = vector.broadcast %add3A_1080 : i32 to vector<16xi32>
        %add3A_1082 = arith.addi %iota3A_1079, %add3A_1081 : vector<16xi32>
        %gather3A_1083 = arith.constant 6 : i32
        %gather3A_1084 = arith.constant 0 : i32
        %gather3A_1085 = arith.constant 0 : i32
        %gather3A_1086 = tpu.memref_slice %arg6[%gather3A_1083, %gather3A_1084, %gather3A_1085] : memref<8x64x128xf32, #tpu.memory_space<vmem>> -> memref<1x64x128xf32, #tpu.memory_space<vmem>>
        %gather3A_1087 = tpu.memref_squeeze %gather3A_1086 : memref<1x64x128xf32, #tpu.memory_space<vmem>> -> memref<64x128xf32, #tpu.memory_space<vmem>>
        %gather3A_1088 = tpu.vector_load_idx %gather3A_1087[%add3A_1082, %broadcast_in_dim3A_1047] : memref<64x128xf32, #tpu.memory_space<vmem>>[vector<16xi32>, vector<16xi32>], vector<16xf32>,
        tpu.vector_store_idx %arg7[%add3A_1082, %broadcast_in_dim3A_1048], %gather3A_1088 : memref<64x512xf32, #tpu.memory_space<vmem>>[vector<16xi32>, vector<16xi32>], vector<16xf32>,
      } else {
      }
      %dma_start3A_978 = arith.constant 6 : i32
      %dma_start3A_979 = arith.constant 0 : i32
      %dma_start3A_980 = arith.constant 0 : i32
      %dma_start3A_981 = tpu.memref_slice %arg6[%dma_start3A_978, %dma_start3A_979, %dma_start3A_980] : memref<8x64x128xf32, #tpu.memory_space<vmem>> -> memref<1x64x128xf32, #tpu.memory_space<vmem>>
      %dma_start3A_982 = tpu.memref_squeeze %dma_start3A_981 : memref<1x64x128xf32, #tpu.memory_space<vmem>> -> memref<64x128xf32, #tpu.memory_space<vmem>>
      %dma_start3A_983 = arith.constant 0 : i32
      %dma_start3A_984 = tpu.memref_slice %arg3[%dma_start3A_983, %multiple_of3A_970] : memref<64x1000000xf32, #tpu.memory_space<hbm>> -> memref<64x128xf32, #tpu.memory_space<hbm>>
      %dma_start3A_985 = arith.constant 0 : i32
      %dma_start3A_986 = arith.constant 0 : i32
      %dma_start3A_987 = tpu.memref_slice %arg6[%dma_start3A_978, %dma_start3A_985, %dma_start3A_986] : memref<8x64x128xf32, #tpu.memory_space<vmem>> -> memref<1x64x128xf32, #tpu.memory_space<vmem>>
      %dma_start3A_988 = tpu.memref_squeeze %dma_start3A_987 : memref<1x64x128xf32, #tpu.memory_space<vmem>> -> memref<64x128xf32, #tpu.memory_space<vmem>>
      %dma_start3A_989 = arith.constant 0 : i32
      %dma_start3A_990 = tpu.memref_slice %arg3[%dma_start3A_989, %multiple_of3A_970] : memref<64x1000000xf32, #tpu.memory_space<hbm>> -> memref<64x128xf32, #tpu.memory_space<hbm>>
      tpu.enqueue_dma source(%dma_start3A_990 : memref<64x128xf32, #tpu.memory_space<hbm>>) target(%dma_start3A_988 : memref<64x128xf32, #tpu.memory_space<vmem>>) target_semaphore(%arg15 : memref<!tpu.dma_semaphore, #tpu.memory_space<semaphore_mem>>)
      %swap3A_991 = arith.constant 6 : i32
      %swap3A_992 = arith.index_cast %swap3A_991 : i32 to index
      %swap3A_993 = memref.load %arg8[%swap3A_992] : memref<8xi32, #tpu.memory_space<smem>>
      memref.store %and3A_972, %arg8[%swap3A_992] : memref<8xi32, #tpu.memory_space<smem>>
      %mul3A_994 = arith.constant 16 : i32
      %mul3A_995 = arith.muli %scan3A_490, %mul3A_994 : i32
      %add3A_996 = arith.constant 15 : i32
      %add3A_997 = arith.addi %mul3A_995, %add3A_996 : i32
      %slice3A_998 = vector.extract_strided_slice %get3A_494 {offsets = [15], sizes = [1], strides = [1]} : vector<16xi32> to vector<1xi32>
      %squeeze3A_999 = vector.extract %slice3A_998[0] : i32 from vector<1xi32>
      %shift_right_arithmetic3A_1000 = arith.constant 7 : i32
      %shift_right_arithmetic3A_1001 = arith.shrsi %squeeze3A_999, %shift_right_arithmetic3A_1000 : i32
      %shift_left3A_1002 = arith.constant 7 : i32
      %shift_left3A_1003 = arith.shli %shift_right_arithmetic3A_1001, %shift_left3A_1002 : i32
      %multiple_of3A_1004 = tpu.assume_multiple %shift_left3A_1003, 128 : i32
      %and3A_1005 = arith.constant 127 : i32
      %and3A_1006 = arith.andi %squeeze3A_999, %and3A_1005 : i32
      %ge3A_1007 = arith.constant 8 : i32
      %ge3A_1008 = arith.cmpi sge, %add3A_997, %ge3A_1007 : i32
      %convert_element_type3A_1009 = arith.extui %ge3A_1008 : i1 to i32
      %cond3A_1010 = arith.constant 0 : i32
      %cond3A_1011 = arith.cmpi ne, %convert_element_type3A_1009, %cond3A_1010 : i32
      scf.if %cond3A_1011 {
        %dma_wait3A_1028 = arith.constant 7 : i32
        %dma_wait3A_1029 = arith.constant 0 : i32
        %dma_wait3A_1030 = arith.constant 0 : i32
        %dma_wait3A_1031 = tpu.memref_slice %arg6[%dma_wait3A_1028, %dma_wait3A_1029, %dma_wait3A_1030] : memref<8x64x128xf32, #tpu.memory_space<vmem>> -> memref<1x64x128xf32, #tpu.memory_space<vmem>>
        %dma_wait3A_1032 = tpu.memref_squeeze %dma_wait3A_1031 : memref<1x64x128xf32, #tpu.memory_space<vmem>> -> memref<64x128xf32, #tpu.memory_space<vmem>>
        %dma_wait3A_1033 = arith.constant 0 : i32
        %dma_wait3A_1034 = arith.constant 0 : i32
        %dma_wait3A_1035 = tpu.memref_slice %arg3[%dma_wait3A_1033, %dma_wait3A_1034] : memref<64x1000000xf32, #tpu.memory_space<hbm>> -> memref<64x128xf32, #tpu.memory_space<hbm>>
        %dma_wait3A_1036 = arith.constant 0 : i32
        %dma_wait3A_1037 = arith.constant 0 : i32
        %dma_wait3A_1038 = tpu.memref_slice %arg6[%dma_wait3A_1028, %dma_wait3A_1036, %dma_wait3A_1037] : memref<8x64x128xf32, #tpu.memory_space<vmem>> -> memref<1x64x128xf32, #tpu.memory_space<vmem>>
        %dma_wait3A_1039 = tpu.memref_squeeze %dma_wait3A_1038 : memref<1x64x128xf32, #tpu.memory_space<vmem>> -> memref<64x128xf32, #tpu.memory_space<vmem>>
        %dma_wait3A_1040 = arith.constant 0 : i32
        %dma_wait3A_1041 = arith.constant 0 : i32
        %dma_wait3A_1042 = tpu.memref_slice %arg3[%dma_wait3A_1040, %dma_wait3A_1041] : memref<64x1000000xf32, #tpu.memory_space<hbm>> -> memref<64x128xf32, #tpu.memory_space<hbm>>
        tpu.wait_dma2 semaphore(%arg16 : memref<!tpu.dma_semaphore, #tpu.memory_space<semaphore_mem>>) src(%dma_wait3A_1042 : memref<64x128xf32, #tpu.memory_space<hbm>>) dst(%dma_wait3A_1039 : memref<64x128xf32, #tpu.memory_space<vmem>>)
        %get3A_1043 = arith.constant 7 : i32
        %get3A_1044 = arith.index_cast %get3A_1043 : i32 to index
        %get3A_1045 = memref.load %arg8[%get3A_1044] : memref<8xi32, #tpu.memory_space<smem>>
        %sub3A = arith.constant 8 : i32
        %sub3A_1046 = arith.subi %add3A_997, %sub3A : i32
        %broadcast_in_dim3A_1047 = vector.broadcast %get3A_1045 : i32 to vector<16xi32>
        %broadcast_in_dim3A_1048 = vector.broadcast %sub3A_1046 : i32 to vector<16xi32>
        %iota3A_1049 = tpu.iota {dimensions = array<i32: 0>} : vector<16xi32>
        %add3A_1050 = arith.constant 0 : i32
        %add3A_1051 = vector.broadcast %add3A_1050 : i32 to vector<16xi32>
        %add3A_1052 = arith.addi %iota3A_1049, %add3A_1051 : vector<16xi32>
        %gather3A_1053 = arith.constant 7 : i32
        %gather3A_1054 = arith.constant 0 : i32
        %gather3A_1055 = arith.constant 0 : i32
        %gather3A_1056 = tpu.memref_slice %arg6[%gather3A_1053, %gather3A_1054, %gather3A_1055] : memref<8x64x128xf32, #tpu.memory_space<vmem>> -> memref<1x64x128xf32, #tpu.memory_space<vmem>>
        %gather3A_1057 = tpu.memref_squeeze %gather3A_1056 : memref<1x64x128xf32, #tpu.memory_space<vmem>> -> memref<64x128xf32, #tpu.memory_space<vmem>>
        %gather3A_1058 = tpu.vector_load_idx %gather3A_1057[%add3A_1052, %broadcast_in_dim3A_1047] : memref<64x128xf32, #tpu.memory_space<vmem>>[vector<16xi32>, vector<16xi32>], vector<16xf32>,
        tpu.vector_store_idx %arg7[%add3A_1052, %broadcast_in_dim3A_1048], %gather3A_1058 : memref<64x512xf32, #tpu.memory_space<vmem>>[vector<16xi32>, vector<16xi32>], vector<16xf32>,
        %iota3A_1059 = tpu.iota {dimensions = array<i32: 0>} : vector<16xi32>
        %add3A_1060 = arith.constant 16 : i32
        %add3A_1061 = vector.broadcast %add3A_1060 : i32 to vector<16xi32>
        %add3A_1062 = arith.addi %iota3A_1059, %add3A_1061 : vector<16xi32>
        %gather3A_1063 = arith.constant 7 : i32
        %gather3A_1064 = arith.constant 0 : i32
        %gather3A_1065 = arith.constant 0 : i32
        %gather3A_1066 = tpu.memref_slice %arg6[%gather3A_1063, %gather3A_1064, %gather3A_1065] : memref<8x64x128xf32, #tpu.memory_space<vmem>> -> memref<1x64x128xf32, #tpu.memory_space<vmem>>
        %gather3A_1067 = tpu.memref_squeeze %gather3A_1066 : memref<1x64x128xf32, #tpu.memory_space<vmem>> -> memref<64x128xf32, #tpu.memory_space<vmem>>
        %gather3A_1068 = tpu.vector_load_idx %gather3A_1067[%add3A_1062, %broadcast_in_dim3A_1047] : memref<64x128xf32, #tpu.memory_space<vmem>>[vector<16xi32>, vector<16xi32>], vector<16xf32>,
        tpu.vector_store_idx %arg7[%add3A_1062, %broadcast_in_dim3A_1048], %gather3A_1068 : memref<64x512xf32, #tpu.memory_space<vmem>>[vector<16xi32>, vector<16xi32>], vector<16xf32>,
        %iota3A_1069 = tpu.iota {dimensions = array<i32: 0>} : vector<16xi32>
        %add3A_1070 = arith.constant 32 : i32
        %add3A_1071 = vector.broadcast %add3A_1070 : i32 to vector<16xi32>
        %add3A_1072 = arith.addi %iota3A_1069, %add3A_1071 : vector<16xi32>
        %gather3A_1073 = arith.constant 7 : i32
        %gather3A_1074 = arith.constant 0 : i32
        %gather3A_1075 = arith.constant 0 : i32
        %gather3A_1076 = tpu.memref_slice %arg6[%gather3A_1073, %gather3A_1074, %gather3A_1075] : memref<8x64x128xf32, #tpu.memory_space<vmem>> -> memref<1x64x128xf32, #tpu.memory_space<vmem>>
        %gather3A_1077 = tpu.memref_squeeze %gather3A_1076 : memref<1x64x128xf32, #tpu.memory_space<vmem>> -> memref<64x128xf32, #tpu.memory_space<vmem>>
        %gather3A_1078 = tpu.vector_load_idx %gather3A_1077[%add3A_1072, %broadcast_in_dim3A_1047] : memref<64x128xf32, #tpu.memory_space<vmem>>[vector<16xi32>, vector<16xi32>], vector<16xf32>,
        tpu.vector_store_idx %arg7[%add3A_1072, %broadcast_in_dim3A_1048], %gather3A_1078 : memref<64x512xf32, #tpu.memory_space<vmem>>[vector<16xi32>, vector<16xi32>], vector<16xf32>,
        %iota3A_1079 = tpu.iota {dimensions = array<i32: 0>} : vector<16xi32>
        %add3A_1080 = arith.constant 48 : i32
        %add3A_1081 = vector.broadcast %add3A_1080 : i32 to vector<16xi32>
        %add3A_1082 = arith.addi %iota3A_1079, %add3A_1081 : vector<16xi32>
        %gather3A_1083 = arith.constant 7 : i32
        %gather3A_1084 = arith.constant 0 : i32
        %gather3A_1085 = arith.constant 0 : i32
        %gather3A_1086 = tpu.memref_slice %arg6[%gather3A_1083, %gather3A_1084, %gather3A_1085] : memref<8x64x128xf32, #tpu.memory_space<vmem>> -> memref<1x64x128xf32, #tpu.memory_space<vmem>>
        %gather3A_1087 = tpu.memref_squeeze %gather3A_1086 : memref<1x64x128xf32, #tpu.memory_space<vmem>> -> memref<64x128xf32, #tpu.memory_space<vmem>>
        %gather3A_1088 = tpu.vector_load_idx %gather3A_1087[%add3A_1082, %broadcast_in_dim3A_1047] : memref<64x128xf32, #tpu.memory_space<vmem>>[vector<16xi32>, vector<16xi32>], vector<16xf32>,
        tpu.vector_store_idx %arg7[%add3A_1082, %broadcast_in_dim3A_1048], %gather3A_1088 : memref<64x512xf32, #tpu.memory_space<vmem>>[vector<16xi32>, vector<16xi32>], vector<16xf32>,
      } else {
      }
      %dma_start3A_1012 = arith.constant 7 : i32
      %dma_start3A_1013 = arith.constant 0 : i32
      %dma_start3A_1014 = arith.constant 0 : i32
      %dma_start3A_1015 = tpu.memref_slice %arg6[%dma_start3A_1012, %dma_start3A_1013, %dma_start3A_1014] : memref<8x64x128xf32, #tpu.memory_space<vmem>> -> memref<1x64x128xf32, #tpu.memory_space<vmem>>
      %dma_start3A_1016 = tpu.memref_squeeze %dma_start3A_1015 : memref<1x64x128xf32, #tpu.memory_space<vmem>> -> memref<64x128xf32, #tpu.memory_space<vmem>>
      %dma_start3A_1017 = arith.constant 0 : i32
      %dma_start3A_1018 = tpu.memref_slice %arg3[%dma_start3A_1017, %multiple_of3A_1004] : memref<64x1000000xf32, #tpu.memory_space<hbm>> -> memref<64x128xf32, #tpu.memory_space<hbm>>
      %dma_start3A_1019 = arith.constant 0 : i32
      %dma_start3A_1020 = arith.constant 0 : i32
      %dma_start3A_1021 = tpu.memref_slice %arg6[%dma_start3A_1012, %dma_start3A_1019, %dma_start3A_1020] : memref<8x64x128xf32, #tpu.memory_space<vmem>> -> memref<1x64x128xf32, #tpu.memory_space<vmem>>
      %dma_start3A_1022 = tpu.memref_squeeze %dma_start3A_1021 : memref<1x64x128xf32, #tpu.memory_space<vmem>> -> memref<64x128xf32, #tpu.memory_space<vmem>>
      %dma_start3A_1023 = arith.constant 0 : i32
      %dma_start3A_1024 = tpu.memref_slice %arg3[%dma_start3A_1023, %multiple_of3A_1004] : memref<64x1000000xf32, #tpu.memory_space<hbm>> -> memref<64x128xf32, #tpu.memory_space<hbm>>
      tpu.enqueue_dma source(%dma_start3A_1024 : memref<64x128xf32, #tpu.memory_space<hbm>>) target(%dma_start3A_1022 : memref<64x128xf32, #tpu.memory_space<vmem>>) target_semaphore(%arg16 : memref<!tpu.dma_semaphore, #tpu.memory_space<semaphore_mem>>)
      %swap3A_1025 = arith.constant 7 : i32
      %swap3A_1026 = arith.index_cast %swap3A_1025 : i32 to index
      %swap3A_1027 = memref.load %arg8[%swap3A_1026] : memref<8xi32, #tpu.memory_space<smem>>
      memref.store %and3A_1006, %arg8[%swap3A_1026] : memref<8xi32, #tpu.memory_space<smem>>
    }
    %scan3A_6 = arith.constant 32 : i32
    %dma_wait3A = arith.constant 0 : i32
    %dma_wait3A_7 = arith.constant 0 : i32
    %dma_wait3A_8 = arith.constant 0 : i32
    %dma_wait3A_9 = tpu.memref_slice %arg6[%dma_wait3A, %dma_wait3A_7, %dma_wait3A_8] : memref<8x64x128xf32, #tpu.memory_space<vmem>> -> memref<1x64x128xf32, #tpu.memory_space<vmem>>
    %dma_wait3A_10 = tpu.memref_squeeze %dma_wait3A_9 : memref<1x64x128xf32, #tpu.memory_space<vmem>> -> memref<64x128xf32, #tpu.memory_space<vmem>>
    %dma_wait3A_11 = arith.constant 0 : i32
    %dma_wait3A_12 = arith.constant 0 : i32
    %dma_wait3A_13 = tpu.memref_slice %arg3[%dma_wait3A_11, %dma_wait3A_12] : memref<64x1000000xf32, #tpu.memory_space<hbm>> -> memref<64x128xf32, #tpu.memory_space<hbm>>
    %dma_wait3A_14 = arith.constant 0 : i32
    %dma_wait3A_15 = arith.constant 0 : i32
    %dma_wait3A_16 = tpu.memref_slice %arg6[%dma_wait3A, %dma_wait3A_14, %dma_wait3A_15] : memref<8x64x128xf32, #tpu.memory_space<vmem>> -> memref<1x64x128xf32, #tpu.memory_space<vmem>>
    %dma_wait3A_17 = tpu.memref_squeeze %dma_wait3A_16 : memref<1x64x128xf32, #tpu.memory_space<vmem>> -> memref<64x128xf32, #tpu.memory_space<vmem>>
    %dma_wait3A_18 = arith.constant 0 : i32
    %dma_wait3A_19 = arith.constant 0 : i32
    %dma_wait3A_20 = tpu.memref_slice %arg3[%dma_wait3A_18, %dma_wait3A_19] : memref<64x1000000xf32, #tpu.memory_space<hbm>> -> memref<64x128xf32, #tpu.memory_space<hbm>>
    tpu.wait_dma2 semaphore(%arg9 : memref<!tpu.dma_semaphore, #tpu.memory_space<semaphore_mem>>) src(%dma_wait3A_20 : memref<64x128xf32, #tpu.memory_space<hbm>>) dst(%dma_wait3A_17 : memref<64x128xf32, #tpu.memory_space<vmem>>)
    %get3A = arith.constant 0 : i32
    %get3A_21 = arith.index_cast %get3A : i32 to index
    %get3A_22 = memref.load %arg8[%get3A_21] : memref<8xi32, #tpu.memory_space<smem>>
    %broadcast_in_dim3A = vector.broadcast %get3A_22 : i32 to vector<16xi32>
    %broadcast_in_dim3A_23 = arith.constant 504 : i32
    %broadcast_in_dim3A_24 = vector.broadcast %broadcast_in_dim3A_23 : i32 to vector<16xi32>
    %iota3A = tpu.iota {dimensions = array<i32: 0>} : vector<16xi32>
    %add3A_25 = arith.constant 0 : i32
    %add3A_26 = vector.broadcast %add3A_25 : i32 to vector<16xi32>
    %add3A_27 = arith.addi %iota3A, %add3A_26 : vector<16xi32>
    %gather3A = arith.constant 0 : i32
    %gather3A_28 = arith.constant 0 : i32
    %gather3A_29 = arith.constant 0 : i32
    %gather3A_30 = tpu.memref_slice %arg6[%gather3A, %gather3A_28, %gather3A_29] : memref<8x64x128xf32, #tpu.memory_space<vmem>> -> memref<1x64x128xf32, #tpu.memory_space<vmem>>
    %gather3A_31 = tpu.memref_squeeze %gather3A_30 : memref<1x64x128xf32, #tpu.memory_space<vmem>> -> memref<64x128xf32, #tpu.memory_space<vmem>>
    %gather3A_32 = tpu.vector_load_idx %gather3A_31[%add3A_27, %broadcast_in_dim3A] : memref<64x128xf32, #tpu.memory_space<vmem>>[vector<16xi32>, vector<16xi32>], vector<16xf32>,
    tpu.vector_store_idx %arg7[%add3A_27, %broadcast_in_dim3A_24], %gather3A_32 : memref<64x512xf32, #tpu.memory_space<vmem>>[vector<16xi32>, vector<16xi32>], vector<16xf32>,
    %iota3A_33 = tpu.iota {dimensions = array<i32: 0>} : vector<16xi32>
    %add3A_34 = arith.constant 16 : i32
    %add3A_35 = vector.broadcast %add3A_34 : i32 to vector<16xi32>
    %add3A_36 = arith.addi %iota3A_33, %add3A_35 : vector<16xi32>
    %gather3A_37 = arith.constant 0 : i32
    %gather3A_38 = arith.constant 0 : i32
    %gather3A_39 = arith.constant 0 : i32
    %gather3A_40 = tpu.memref_slice %arg6[%gather3A_37, %gather3A_38, %gather3A_39] : memref<8x64x128xf32, #tpu.memory_space<vmem>> -> memref<1x64x128xf32, #tpu.memory_space<vmem>>
    %gather3A_41 = tpu.memref_squeeze %gather3A_40 : memref<1x64x128xf32, #tpu.memory_space<vmem>> -> memref<64x128xf32, #tpu.memory_space<vmem>>
    %gather3A_42 = tpu.vector_load_idx %gather3A_41[%add3A_36, %broadcast_in_dim3A] : memref<64x128xf32, #tpu.memory_space<vmem>>[vector<16xi32>, vector<16xi32>], vector<16xf32>,
    tpu.vector_store_idx %arg7[%add3A_36, %broadcast_in_dim3A_24], %gather3A_42 : memref<64x512xf32, #tpu.memory_space<vmem>>[vector<16xi32>, vector<16xi32>], vector<16xf32>,
    %iota3A_43 = tpu.iota {dimensions = array<i32: 0>} : vector<16xi32>
    %add3A_44 = arith.constant 32 : i32
    %add3A_45 = vector.broadcast %add3A_44 : i32 to vector<16xi32>
    %add3A_46 = arith.addi %iota3A_43, %add3A_45 : vector<16xi32>
    %gather3A_47 = arith.constant 0 : i32
    %gather3A_48 = arith.constant 0 : i32
    %gather3A_49 = arith.constant 0 : i32
    %gather3A_50 = tpu.memref_slice %arg6[%gather3A_47, %gather3A_48, %gather3A_49] : memref<8x64x128xf32, #tpu.memory_space<vmem>> -> memref<1x64x128xf32, #tpu.memory_space<vmem>>
    %gather3A_51 = tpu.memref_squeeze %gather3A_50 : memref<1x64x128xf32, #tpu.memory_space<vmem>> -> memref<64x128xf32, #tpu.memory_space<vmem>>
    %gather3A_52 = tpu.vector_load_idx %gather3A_51[%add3A_46, %broadcast_in_dim3A] : memref<64x128xf32, #tpu.memory_space<vmem>>[vector<16xi32>, vector<16xi32>], vector<16xf32>,
    tpu.vector_store_idx %arg7[%add3A_46, %broadcast_in_dim3A_24], %gather3A_52 : memref<64x512xf32, #tpu.memory_space<vmem>>[vector<16xi32>, vector<16xi32>], vector<16xf32>,
    %iota3A_53 = tpu.iota {dimensions = array<i32: 0>} : vector<16xi32>
    %add3A_54 = arith.constant 48 : i32
    %add3A_55 = vector.broadcast %add3A_54 : i32 to vector<16xi32>
    %add3A_56 = arith.addi %iota3A_53, %add3A_55 : vector<16xi32>
    %gather3A_57 = arith.constant 0 : i32
    %gather3A_58 = arith.constant 0 : i32
    %gather3A_59 = arith.constant 0 : i32
    %gather3A_60 = tpu.memref_slice %arg6[%gather3A_57, %gather3A_58, %gather3A_59] : memref<8x64x128xf32, #tpu.memory_space<vmem>> -> memref<1x64x128xf32, #tpu.memory_space<vmem>>
    %gather3A_61 = tpu.memref_squeeze %gather3A_60 : memref<1x64x128xf32, #tpu.memory_space<vmem>> -> memref<64x128xf32, #tpu.memory_space<vmem>>
    %gather3A_62 = tpu.vector_load_idx %gather3A_61[%add3A_56, %broadcast_in_dim3A] : memref<64x128xf32, #tpu.memory_space<vmem>>[vector<16xi32>, vector<16xi32>], vector<16xf32>,
    tpu.vector_store_idx %arg7[%add3A_56, %broadcast_in_dim3A_24], %gather3A_62 : memref<64x512xf32, #tpu.memory_space<vmem>>[vector<16xi32>, vector<16xi32>], vector<16xf32>,
    %dma_wait3A_63 = arith.constant 1 : i32
    %dma_wait3A_64 = arith.constant 0 : i32
    %dma_wait3A_65 = arith.constant 0 : i32
    %dma_wait3A_66 = tpu.memref_slice %arg6[%dma_wait3A_63, %dma_wait3A_64, %dma_wait3A_65] : memref<8x64x128xf32, #tpu.memory_space<vmem>> -> memref<1x64x128xf32, #tpu.memory_space<vmem>>
    %dma_wait3A_67 = tpu.memref_squeeze %dma_wait3A_66 : memref<1x64x128xf32, #tpu.memory_space<vmem>> -> memref<64x128xf32, #tpu.memory_space<vmem>>
    %dma_wait3A_68 = arith.constant 0 : i32
    %dma_wait3A_69 = arith.constant 0 : i32
    %dma_wait3A_70 = tpu.memref_slice %arg3[%dma_wait3A_68, %dma_wait3A_69] : memref<64x1000000xf32, #tpu.memory_space<hbm>> -> memref<64x128xf32, #tpu.memory_space<hbm>>
    %dma_wait3A_71 = arith.constant 0 : i32
    %dma_wait3A_72 = arith.constant 0 : i32
    %dma_wait3A_73 = tpu.memref_slice %arg6[%dma_wait3A_63, %dma_wait3A_71, %dma_wait3A_72] : memref<8x64x128xf32, #tpu.memory_space<vmem>> -> memref<1x64x128xf32, #tpu.memory_space<vmem>>
    %dma_wait3A_74 = tpu.memref_squeeze %dma_wait3A_73 : memref<1x64x128xf32, #tpu.memory_space<vmem>> -> memref<64x128xf32, #tpu.memory_space<vmem>>
    %dma_wait3A_75 = arith.constant 0 : i32
    %dma_wait3A_76 = arith.constant 0 : i32
    %dma_wait3A_77 = tpu.memref_slice %arg3[%dma_wait3A_75, %dma_wait3A_76] : memref<64x1000000xf32, #tpu.memory_space<hbm>> -> memref<64x128xf32, #tpu.memory_space<hbm>>
    tpu.wait_dma2 semaphore(%arg10 : memref<!tpu.dma_semaphore, #tpu.memory_space<semaphore_mem>>) src(%dma_wait3A_77 : memref<64x128xf32, #tpu.memory_space<hbm>>) dst(%dma_wait3A_74 : memref<64x128xf32, #tpu.memory_space<vmem>>)
    %get3A_78 = arith.constant 1 : i32
    %get3A_79 = arith.index_cast %get3A_78 : i32 to index
    %get3A_80 = memref.load %arg8[%get3A_79] : memref<8xi32, #tpu.memory_space<smem>>
    %broadcast_in_dim3A_81 = vector.broadcast %get3A_80 : i32 to vector<16xi32>
    %broadcast_in_dim3A_82 = arith.constant 505 : i32
    %broadcast_in_dim3A_83 = vector.broadcast %broadcast_in_dim3A_82 : i32 to vector<16xi32>
    %iota3A_84 = tpu.iota {dimensions = array<i32: 0>} : vector<16xi32>
    %add3A_85 = arith.constant 0 : i32
    %add3A_86 = vector.broadcast %add3A_85 : i32 to vector<16xi32>
    %add3A_87 = arith.addi %iota3A_84, %add3A_86 : vector<16xi32>
    %gather3A_88 = arith.constant 1 : i32
    %gather3A_89 = arith.constant 0 : i32
    %gather3A_90 = arith.constant 0 : i32
    %gather3A_91 = tpu.memref_slice %arg6[%gather3A_88, %gather3A_89, %gather3A_90] : memref<8x64x128xf32, #tpu.memory_space<vmem>> -> memref<1x64x128xf32, #tpu.memory_space<vmem>>
    %gather3A_92 = tpu.memref_squeeze %gather3A_91 : memref<1x64x128xf32, #tpu.memory_space<vmem>> -> memref<64x128xf32, #tpu.memory_space<vmem>>
    %gather3A_93 = tpu.vector_load_idx %gather3A_92[%add3A_87, %broadcast_in_dim3A_81] : memref<64x128xf32, #tpu.memory_space<vmem>>[vector<16xi32>, vector<16xi32>], vector<16xf32>,
    tpu.vector_store_idx %arg7[%add3A_87, %broadcast_in_dim3A_83], %gather3A_93 : memref<64x512xf32, #tpu.memory_space<vmem>>[vector<16xi32>, vector<16xi32>], vector<16xf32>,
    %iota3A_94 = tpu.iota {dimensions = array<i32: 0>} : vector<16xi32>
    %add3A_95 = arith.constant 16 : i32
    %add3A_96 = vector.broadcast %add3A_95 : i32 to vector<16xi32>
    %add3A_97 = arith.addi %iota3A_94, %add3A_96 : vector<16xi32>
    %gather3A_98 = arith.constant 1 : i32
    %gather3A_99 = arith.constant 0 : i32
    %gather3A_100 = arith.constant 0 : i32
    %gather3A_101 = tpu.memref_slice %arg6[%gather3A_98, %gather3A_99, %gather3A_100] : memref<8x64x128xf32, #tpu.memory_space<vmem>> -> memref<1x64x128xf32, #tpu.memory_space<vmem>>
    %gather3A_102 = tpu.memref_squeeze %gather3A_101 : memref<1x64x128xf32, #tpu.memory_space<vmem>> -> memref<64x128xf32, #tpu.memory_space<vmem>>
    %gather3A_103 = tpu.vector_load_idx %gather3A_102[%add3A_97, %broadcast_in_dim3A_81] : memref<64x128xf32, #tpu.memory_space<vmem>>[vector<16xi32>, vector<16xi32>], vector<16xf32>,
    tpu.vector_store_idx %arg7[%add3A_97, %broadcast_in_dim3A_83], %gather3A_103 : memref<64x512xf32, #tpu.memory_space<vmem>>[vector<16xi32>, vector<16xi32>], vector<16xf32>,
    %iota3A_104 = tpu.iota {dimensions = array<i32: 0>} : vector<16xi32>
    %add3A_105 = arith.constant 32 : i32
    %add3A_106 = vector.broadcast %add3A_105 : i32 to vector<16xi32>
    %add3A_107 = arith.addi %iota3A_104, %add3A_106 : vector<16xi32>
    %gather3A_108 = arith.constant 1 : i32
    %gather3A_109 = arith.constant 0 : i32
    %gather3A_110 = arith.constant 0 : i32
    %gather3A_111 = tpu.memref_slice %arg6[%gather3A_108, %gather3A_109, %gather3A_110] : memref<8x64x128xf32, #tpu.memory_space<vmem>> -> memref<1x64x128xf32, #tpu.memory_space<vmem>>
    %gather3A_112 = tpu.memref_squeeze %gather3A_111 : memref<1x64x128xf32, #tpu.memory_space<vmem>> -> memref<64x128xf32, #tpu.memory_space<vmem>>
    %gather3A_113 = tpu.vector_load_idx %gather3A_112[%add3A_107, %broadcast_in_dim3A_81] : memref<64x128xf32, #tpu.memory_space<vmem>>[vector<16xi32>, vector<16xi32>], vector<16xf32>,
    tpu.vector_store_idx %arg7[%add3A_107, %broadcast_in_dim3A_83], %gather3A_113 : memref<64x512xf32, #tpu.memory_space<vmem>>[vector<16xi32>, vector<16xi32>], vector<16xf32>,
    %iota3A_114 = tpu.iota {dimensions = array<i32: 0>} : vector<16xi32>
    %add3A_115 = arith.constant 48 : i32
    %add3A_116 = vector.broadcast %add3A_115 : i32 to vector<16xi32>
    %add3A_117 = arith.addi %iota3A_114, %add3A_116 : vector<16xi32>
    %gather3A_118 = arith.constant 1 : i32
    %gather3A_119 = arith.constant 0 : i32
    %gather3A_120 = arith.constant 0 : i32
    %gather3A_121 = tpu.memref_slice %arg6[%gather3A_118, %gather3A_119, %gather3A_120] : memref<8x64x128xf32, #tpu.memory_space<vmem>> -> memref<1x64x128xf32, #tpu.memory_space<vmem>>
    %gather3A_122 = tpu.memref_squeeze %gather3A_121 : memref<1x64x128xf32, #tpu.memory_space<vmem>> -> memref<64x128xf32, #tpu.memory_space<vmem>>
    %gather3A_123 = tpu.vector_load_idx %gather3A_122[%add3A_117, %broadcast_in_dim3A_81] : memref<64x128xf32, #tpu.memory_space<vmem>>[vector<16xi32>, vector<16xi32>], vector<16xf32>,
    tpu.vector_store_idx %arg7[%add3A_117, %broadcast_in_dim3A_83], %gather3A_123 : memref<64x512xf32, #tpu.memory_space<vmem>>[vector<16xi32>, vector<16xi32>], vector<16xf32>,
    %dma_wait3A_124 = arith.constant 2 : i32
    %dma_wait3A_125 = arith.constant 0 : i32
    %dma_wait3A_126 = arith.constant 0 : i32
    %dma_wait3A_127 = tpu.memref_slice %arg6[%dma_wait3A_124, %dma_wait3A_125, %dma_wait3A_126] : memref<8x64x128xf32, #tpu.memory_space<vmem>> -> memref<1x64x128xf32, #tpu.memory_space<vmem>>
    %dma_wait3A_128 = tpu.memref_squeeze %dma_wait3A_127 : memref<1x64x128xf32, #tpu.memory_space<vmem>> -> memref<64x128xf32, #tpu.memory_space<vmem>>
    %dma_wait3A_129 = arith.constant 0 : i32
    %dma_wait3A_130 = arith.constant 0 : i32
    %dma_wait3A_131 = tpu.memref_slice %arg3[%dma_wait3A_129, %dma_wait3A_130] : memref<64x1000000xf32, #tpu.memory_space<hbm>> -> memref<64x128xf32, #tpu.memory_space<hbm>>
    %dma_wait3A_132 = arith.constant 0 : i32
    %dma_wait3A_133 = arith.constant 0 : i32
    %dma_wait3A_134 = tpu.memref_slice %arg6[%dma_wait3A_124, %dma_wait3A_132, %dma_wait3A_133] : memref<8x64x128xf32, #tpu.memory_space<vmem>> -> memref<1x64x128xf32, #tpu.memory_space<vmem>>
    %dma_wait3A_135 = tpu.memref_squeeze %dma_wait3A_134 : memref<1x64x128xf32, #tpu.memory_space<vmem>> -> memref<64x128xf32, #tpu.memory_space<vmem>>
    %dma_wait3A_136 = arith.constant 0 : i32
    %dma_wait3A_137 = arith.constant 0 : i32
    %dma_wait3A_138 = tpu.memref_slice %arg3[%dma_wait3A_136, %dma_wait3A_137] : memref<64x1000000xf32, #tpu.memory_space<hbm>> -> memref<64x128xf32, #tpu.memory_space<hbm>>
    tpu.wait_dma2 semaphore(%arg11 : memref<!tpu.dma_semaphore, #tpu.memory_space<semaphore_mem>>) src(%dma_wait3A_138 : memref<64x128xf32, #tpu.memory_space<hbm>>) dst(%dma_wait3A_135 : memref<64x128xf32, #tpu.memory_space<vmem>>)
    %get3A_139 = arith.constant 2 : i32
    %get3A_140 = arith.index_cast %get3A_139 : i32 to index
    %get3A_141 = memref.load %arg8[%get3A_140] : memref<8xi32, #tpu.memory_space<smem>>
    %broadcast_in_dim3A_142 = vector.broadcast %get3A_141 : i32 to vector<16xi32>
    %broadcast_in_dim3A_143 = arith.constant 506 : i32
    %broadcast_in_dim3A_144 = vector.broadcast %broadcast_in_dim3A_143 : i32 to vector<16xi32>
    %iota3A_145 = tpu.iota {dimensions = array<i32: 0>} : vector<16xi32>
    %add3A_146 = arith.constant 0 : i32
    %add3A_147 = vector.broadcast %add3A_146 : i32 to vector<16xi32>
    %add3A_148 = arith.addi %iota3A_145, %add3A_147 : vector<16xi32>
    %gather3A_149 = arith.constant 2 : i32
    %gather3A_150 = arith.constant 0 : i32
    %gather3A_151 = arith.constant 0 : i32
    %gather3A_152 = tpu.memref_slice %arg6[%gather3A_149, %gather3A_150, %gather3A_151] : memref<8x64x128xf32, #tpu.memory_space<vmem>> -> memref<1x64x128xf32, #tpu.memory_space<vmem>>
    %gather3A_153 = tpu.memref_squeeze %gather3A_152 : memref<1x64x128xf32, #tpu.memory_space<vmem>> -> memref<64x128xf32, #tpu.memory_space<vmem>>
    %gather3A_154 = tpu.vector_load_idx %gather3A_153[%add3A_148, %broadcast_in_dim3A_142] : memref<64x128xf32, #tpu.memory_space<vmem>>[vector<16xi32>, vector<16xi32>], vector<16xf32>,
    tpu.vector_store_idx %arg7[%add3A_148, %broadcast_in_dim3A_144], %gather3A_154 : memref<64x512xf32, #tpu.memory_space<vmem>>[vector<16xi32>, vector<16xi32>], vector<16xf32>,
    %iota3A_155 = tpu.iota {dimensions = array<i32: 0>} : vector<16xi32>
    %add3A_156 = arith.constant 16 : i32
    %add3A_157 = vector.broadcast %add3A_156 : i32 to vector<16xi32>
    %add3A_158 = arith.addi %iota3A_155, %add3A_157 : vector<16xi32>
    %gather3A_159 = arith.constant 2 : i32
    %gather3A_160 = arith.constant 0 : i32
    %gather3A_161 = arith.constant 0 : i32
    %gather3A_162 = tpu.memref_slice %arg6[%gather3A_159, %gather3A_160, %gather3A_161] : memref<8x64x128xf32, #tpu.memory_space<vmem>> -> memref<1x64x128xf32, #tpu.memory_space<vmem>>
    %gather3A_163 = tpu.memref_squeeze %gather3A_162 : memref<1x64x128xf32, #tpu.memory_space<vmem>> -> memref<64x128xf32, #tpu.memory_space<vmem>>
    %gather3A_164 = tpu.vector_load_idx %gather3A_163[%add3A_158, %broadcast_in_dim3A_142] : memref<64x128xf32, #tpu.memory_space<vmem>>[vector<16xi32>, vector<16xi32>], vector<16xf32>,
    tpu.vector_store_idx %arg7[%add3A_158, %broadcast_in_dim3A_144], %gather3A_164 : memref<64x512xf32, #tpu.memory_space<vmem>>[vector<16xi32>, vector<16xi32>], vector<16xf32>,
    %iota3A_165 = tpu.iota {dimensions = array<i32: 0>} : vector<16xi32>
    %add3A_166 = arith.constant 32 : i32
    %add3A_167 = vector.broadcast %add3A_166 : i32 to vector<16xi32>
    %add3A_168 = arith.addi %iota3A_165, %add3A_167 : vector<16xi32>
    %gather3A_169 = arith.constant 2 : i32
    %gather3A_170 = arith.constant 0 : i32
    %gather3A_171 = arith.constant 0 : i32
    %gather3A_172 = tpu.memref_slice %arg6[%gather3A_169, %gather3A_170, %gather3A_171] : memref<8x64x128xf32, #tpu.memory_space<vmem>> -> memref<1x64x128xf32, #tpu.memory_space<vmem>>
    %gather3A_173 = tpu.memref_squeeze %gather3A_172 : memref<1x64x128xf32, #tpu.memory_space<vmem>> -> memref<64x128xf32, #tpu.memory_space<vmem>>
    %gather3A_174 = tpu.vector_load_idx %gather3A_173[%add3A_168, %broadcast_in_dim3A_142] : memref<64x128xf32, #tpu.memory_space<vmem>>[vector<16xi32>, vector<16xi32>], vector<16xf32>,
    tpu.vector_store_idx %arg7[%add3A_168, %broadcast_in_dim3A_144], %gather3A_174 : memref<64x512xf32, #tpu.memory_space<vmem>>[vector<16xi32>, vector<16xi32>], vector<16xf32>,
    %iota3A_175 = tpu.iota {dimensions = array<i32: 0>} : vector<16xi32>
    %add3A_176 = arith.constant 48 : i32
    %add3A_177 = vector.broadcast %add3A_176 : i32 to vector<16xi32>
    %add3A_178 = arith.addi %iota3A_175, %add3A_177 : vector<16xi32>
    %gather3A_179 = arith.constant 2 : i32
    %gather3A_180 = arith.constant 0 : i32
    %gather3A_181 = arith.constant 0 : i32
    %gather3A_182 = tpu.memref_slice %arg6[%gather3A_179, %gather3A_180, %gather3A_181] : memref<8x64x128xf32, #tpu.memory_space<vmem>> -> memref<1x64x128xf32, #tpu.memory_space<vmem>>
    %gather3A_183 = tpu.memref_squeeze %gather3A_182 : memref<1x64x128xf32, #tpu.memory_space<vmem>> -> memref<64x128xf32, #tpu.memory_space<vmem>>
    %gather3A_184 = tpu.vector_load_idx %gather3A_183[%add3A_178, %broadcast_in_dim3A_142] : memref<64x128xf32, #tpu.memory_space<vmem>>[vector<16xi32>, vector<16xi32>], vector<16xf32>,
    tpu.vector_store_idx %arg7[%add3A_178, %broadcast_in_dim3A_144], %gather3A_184 : memref<64x512xf32, #tpu.memory_space<vmem>>[vector<16xi32>, vector<16xi32>], vector<16xf32>,
    %dma_wait3A_185 = arith.constant 3 : i32
    %dma_wait3A_186 = arith.constant 0 : i32
    %dma_wait3A_187 = arith.constant 0 : i32
    %dma_wait3A_188 = tpu.memref_slice %arg6[%dma_wait3A_185, %dma_wait3A_186, %dma_wait3A_187] : memref<8x64x128xf32, #tpu.memory_space<vmem>> -> memref<1x64x128xf32, #tpu.memory_space<vmem>>
    %dma_wait3A_189 = tpu.memref_squeeze %dma_wait3A_188 : memref<1x64x128xf32, #tpu.memory_space<vmem>> -> memref<64x128xf32, #tpu.memory_space<vmem>>
    %dma_wait3A_190 = arith.constant 0 : i32
    %dma_wait3A_191 = arith.constant 0 : i32
    %dma_wait3A_192 = tpu.memref_slice %arg3[%dma_wait3A_190, %dma_wait3A_191] : memref<64x1000000xf32, #tpu.memory_space<hbm>> -> memref<64x128xf32, #tpu.memory_space<hbm>>
    %dma_wait3A_193 = arith.constant 0 : i32
    %dma_wait3A_194 = arith.constant 0 : i32
    %dma_wait3A_195 = tpu.memref_slice %arg6[%dma_wait3A_185, %dma_wait3A_193, %dma_wait3A_194] : memref<8x64x128xf32, #tpu.memory_space<vmem>> -> memref<1x64x128xf32, #tpu.memory_space<vmem>>
    %dma_wait3A_196 = tpu.memref_squeeze %dma_wait3A_195 : memref<1x64x128xf32, #tpu.memory_space<vmem>> -> memref<64x128xf32, #tpu.memory_space<vmem>>
    %dma_wait3A_197 = arith.constant 0 : i32
    %dma_wait3A_198 = arith.constant 0 : i32
    %dma_wait3A_199 = tpu.memref_slice %arg3[%dma_wait3A_197, %dma_wait3A_198] : memref<64x1000000xf32, #tpu.memory_space<hbm>> -> memref<64x128xf32, #tpu.memory_space<hbm>>
    tpu.wait_dma2 semaphore(%arg12 : memref<!tpu.dma_semaphore, #tpu.memory_space<semaphore_mem>>) src(%dma_wait3A_199 : memref<64x128xf32, #tpu.memory_space<hbm>>) dst(%dma_wait3A_196 : memref<64x128xf32, #tpu.memory_space<vmem>>)
    %get3A_200 = arith.constant 3 : i32
    %get3A_201 = arith.index_cast %get3A_200 : i32 to index
    %get3A_202 = memref.load %arg8[%get3A_201] : memref<8xi32, #tpu.memory_space<smem>>
    %broadcast_in_dim3A_203 = vector.broadcast %get3A_202 : i32 to vector<16xi32>
    %broadcast_in_dim3A_204 = arith.constant 507 : i32
    %broadcast_in_dim3A_205 = vector.broadcast %broadcast_in_dim3A_204 : i32 to vector<16xi32>
    %iota3A_206 = tpu.iota {dimensions = array<i32: 0>} : vector<16xi32>
    %add3A_207 = arith.constant 0 : i32
    %add3A_208 = vector.broadcast %add3A_207 : i32 to vector<16xi32>
    %add3A_209 = arith.addi %iota3A_206, %add3A_208 : vector<16xi32>
    %gather3A_210 = arith.constant 3 : i32
    %gather3A_211 = arith.constant 0 : i32
    %gather3A_212 = arith.constant 0 : i32
    %gather3A_213 = tpu.memref_slice %arg6[%gather3A_210, %gather3A_211, %gather3A_212] : memref<8x64x128xf32, #tpu.memory_space<vmem>> -> memref<1x64x128xf32, #tpu.memory_space<vmem>>
    %gather3A_214 = tpu.memref_squeeze %gather3A_213 : memref<1x64x128xf32, #tpu.memory_space<vmem>> -> memref<64x128xf32, #tpu.memory_space<vmem>>
    %gather3A_215 = tpu.vector_load_idx %gather3A_214[%add3A_209, %broadcast_in_dim3A_203] : memref<64x128xf32, #tpu.memory_space<vmem>>[vector<16xi32>, vector<16xi32>], vector<16xf32>,
    tpu.vector_store_idx %arg7[%add3A_209, %broadcast_in_dim3A_205], %gather3A_215 : memref<64x512xf32, #tpu.memory_space<vmem>>[vector<16xi32>, vector<16xi32>], vector<16xf32>,
    %iota3A_216 = tpu.iota {dimensions = array<i32: 0>} : vector<16xi32>
    %add3A_217 = arith.constant 16 : i32
    %add3A_218 = vector.broadcast %add3A_217 : i32 to vector<16xi32>
    %add3A_219 = arith.addi %iota3A_216, %add3A_218 : vector<16xi32>
    %gather3A_220 = arith.constant 3 : i32
    %gather3A_221 = arith.constant 0 : i32
    %gather3A_222 = arith.constant 0 : i32
    %gather3A_223 = tpu.memref_slice %arg6[%gather3A_220, %gather3A_221, %gather3A_222] : memref<8x64x128xf32, #tpu.memory_space<vmem>> -> memref<1x64x128xf32, #tpu.memory_space<vmem>>
    %gather3A_224 = tpu.memref_squeeze %gather3A_223 : memref<1x64x128xf32, #tpu.memory_space<vmem>> -> memref<64x128xf32, #tpu.memory_space<vmem>>
    %gather3A_225 = tpu.vector_load_idx %gather3A_224[%add3A_219, %broadcast_in_dim3A_203] : memref<64x128xf32, #tpu.memory_space<vmem>>[vector<16xi32>, vector<16xi32>], vector<16xf32>,
    tpu.vector_store_idx %arg7[%add3A_219, %broadcast_in_dim3A_205], %gather3A_225 : memref<64x512xf32, #tpu.memory_space<vmem>>[vector<16xi32>, vector<16xi32>], vector<16xf32>,
    %iota3A_226 = tpu.iota {dimensions = array<i32: 0>} : vector<16xi32>
    %add3A_227 = arith.constant 32 : i32
    %add3A_228 = vector.broadcast %add3A_227 : i32 to vector<16xi32>
    %add3A_229 = arith.addi %iota3A_226, %add3A_228 : vector<16xi32>
    %gather3A_230 = arith.constant 3 : i32
    %gather3A_231 = arith.constant 0 : i32
    %gather3A_232 = arith.constant 0 : i32
    %gather3A_233 = tpu.memref_slice %arg6[%gather3A_230, %gather3A_231, %gather3A_232] : memref<8x64x128xf32, #tpu.memory_space<vmem>> -> memref<1x64x128xf32, #tpu.memory_space<vmem>>
    %gather3A_234 = tpu.memref_squeeze %gather3A_233 : memref<1x64x128xf32, #tpu.memory_space<vmem>> -> memref<64x128xf32, #tpu.memory_space<vmem>>
    %gather3A_235 = tpu.vector_load_idx %gather3A_234[%add3A_229, %broadcast_in_dim3A_203] : memref<64x128xf32, #tpu.memory_space<vmem>>[vector<16xi32>, vector<16xi32>], vector<16xf32>,
    tpu.vector_store_idx %arg7[%add3A_229, %broadcast_in_dim3A_205], %gather3A_235 : memref<64x512xf32, #tpu.memory_space<vmem>>[vector<16xi32>, vector<16xi32>], vector<16xf32>,
    %iota3A_236 = tpu.iota {dimensions = array<i32: 0>} : vector<16xi32>
    %add3A_237 = arith.constant 48 : i32
    %add3A_238 = vector.broadcast %add3A_237 : i32 to vector<16xi32>
    %add3A_239 = arith.addi %iota3A_236, %add3A_238 : vector<16xi32>
    %gather3A_240 = arith.constant 3 : i32
    %gather3A_241 = arith.constant 0 : i32
    %gather3A_242 = arith.constant 0 : i32
    %gather3A_243 = tpu.memref_slice %arg6[%gather3A_240, %gather3A_241, %gather3A_242] : memref<8x64x128xf32, #tpu.memory_space<vmem>> -> memref<1x64x128xf32, #tpu.memory_space<vmem>>
    %gather3A_244 = tpu.memref_squeeze %gather3A_243 : memref<1x64x128xf32, #tpu.memory_space<vmem>> -> memref<64x128xf32, #tpu.memory_space<vmem>>
    %gather3A_245 = tpu.vector_load_idx %gather3A_244[%add3A_239, %broadcast_in_dim3A_203] : memref<64x128xf32, #tpu.memory_space<vmem>>[vector<16xi32>, vector<16xi32>], vector<16xf32>,
    tpu.vector_store_idx %arg7[%add3A_239, %broadcast_in_dim3A_205], %gather3A_245 : memref<64x512xf32, #tpu.memory_space<vmem>>[vector<16xi32>, vector<16xi32>], vector<16xf32>,
    %dma_wait3A_246 = arith.constant 4 : i32
    %dma_wait3A_247 = arith.constant 0 : i32
    %dma_wait3A_248 = arith.constant 0 : i32
    %dma_wait3A_249 = tpu.memref_slice %arg6[%dma_wait3A_246, %dma_wait3A_247, %dma_wait3A_248] : memref<8x64x128xf32, #tpu.memory_space<vmem>> -> memref<1x64x128xf32, #tpu.memory_space<vmem>>
    %dma_wait3A_250 = tpu.memref_squeeze %dma_wait3A_249 : memref<1x64x128xf32, #tpu.memory_space<vmem>> -> memref<64x128xf32, #tpu.memory_space<vmem>>
    %dma_wait3A_251 = arith.constant 0 : i32
    %dma_wait3A_252 = arith.constant 0 : i32
    %dma_wait3A_253 = tpu.memref_slice %arg3[%dma_wait3A_251, %dma_wait3A_252] : memref<64x1000000xf32, #tpu.memory_space<hbm>> -> memref<64x128xf32, #tpu.memory_space<hbm>>
    %dma_wait3A_254 = arith.constant 0 : i32
    %dma_wait3A_255 = arith.constant 0 : i32
    %dma_wait3A_256 = tpu.memref_slice %arg6[%dma_wait3A_246, %dma_wait3A_254, %dma_wait3A_255] : memref<8x64x128xf32, #tpu.memory_space<vmem>> -> memref<1x64x128xf32, #tpu.memory_space<vmem>>
    %dma_wait3A_257 = tpu.memref_squeeze %dma_wait3A_256 : memref<1x64x128xf32, #tpu.memory_space<vmem>> -> memref<64x128xf32, #tpu.memory_space<vmem>>
    %dma_wait3A_258 = arith.constant 0 : i32
    %dma_wait3A_259 = arith.constant 0 : i32
    %dma_wait3A_260 = tpu.memref_slice %arg3[%dma_wait3A_258, %dma_wait3A_259] : memref<64x1000000xf32, #tpu.memory_space<hbm>> -> memref<64x128xf32, #tpu.memory_space<hbm>>
    tpu.wait_dma2 semaphore(%arg13 : memref<!tpu.dma_semaphore, #tpu.memory_space<semaphore_mem>>) src(%dma_wait3A_260 : memref<64x128xf32, #tpu.memory_space<hbm>>) dst(%dma_wait3A_257 : memref<64x128xf32, #tpu.memory_space<vmem>>)
    %get3A_261 = arith.constant 4 : i32
    %get3A_262 = arith.index_cast %get3A_261 : i32 to index
    %get3A_263 = memref.load %arg8[%get3A_262] : memref<8xi32, #tpu.memory_space<smem>>
    %broadcast_in_dim3A_264 = vector.broadcast %get3A_263 : i32 to vector<16xi32>
    %broadcast_in_dim3A_265 = arith.constant 508 : i32
    %broadcast_in_dim3A_266 = vector.broadcast %broadcast_in_dim3A_265 : i32 to vector<16xi32>
    %iota3A_267 = tpu.iota {dimensions = array<i32: 0>} : vector<16xi32>
    %add3A_268 = arith.constant 0 : i32
    %add3A_269 = vector.broadcast %add3A_268 : i32 to vector<16xi32>
    %add3A_270 = arith.addi %iota3A_267, %add3A_269 : vector<16xi32>
    %gather3A_271 = arith.constant 4 : i32
    %gather3A_272 = arith.constant 0 : i32
    %gather3A_273 = arith.constant 0 : i32
    %gather3A_274 = tpu.memref_slice %arg6[%gather3A_271, %gather3A_272, %gather3A_273] : memref<8x64x128xf32, #tpu.memory_space<vmem>> -> memref<1x64x128xf32, #tpu.memory_space<vmem>>
    %gather3A_275 = tpu.memref_squeeze %gather3A_274 : memref<1x64x128xf32, #tpu.memory_space<vmem>> -> memref<64x128xf32, #tpu.memory_space<vmem>>
    %gather3A_276 = tpu.vector_load_idx %gather3A_275[%add3A_270, %broadcast_in_dim3A_264] : memref<64x128xf32, #tpu.memory_space<vmem>>[vector<16xi32>, vector<16xi32>], vector<16xf32>,
    tpu.vector_store_idx %arg7[%add3A_270, %broadcast_in_dim3A_266], %gather3A_276 : memref<64x512xf32, #tpu.memory_space<vmem>>[vector<16xi32>, vector<16xi32>], vector<16xf32>,
    %iota3A_277 = tpu.iota {dimensions = array<i32: 0>} : vector<16xi32>
    %add3A_278 = arith.constant 16 : i32
    %add3A_279 = vector.broadcast %add3A_278 : i32 to vector<16xi32>
    %add3A_280 = arith.addi %iota3A_277, %add3A_279 : vector<16xi32>
    %gather3A_281 = arith.constant 4 : i32
    %gather3A_282 = arith.constant 0 : i32
    %gather3A_283 = arith.constant 0 : i32
    %gather3A_284 = tpu.memref_slice %arg6[%gather3A_281, %gather3A_282, %gather3A_283] : memref<8x64x128xf32, #tpu.memory_space<vmem>> -> memref<1x64x128xf32, #tpu.memory_space<vmem>>
    %gather3A_285 = tpu.memref_squeeze %gather3A_284 : memref<1x64x128xf32, #tpu.memory_space<vmem>> -> memref<64x128xf32, #tpu.memory_space<vmem>>
    %gather3A_286 = tpu.vector_load_idx %gather3A_285[%add3A_280, %broadcast_in_dim3A_264] : memref<64x128xf32, #tpu.memory_space<vmem>>[vector<16xi32>, vector<16xi32>], vector<16xf32>,
    tpu.vector_store_idx %arg7[%add3A_280, %broadcast_in_dim3A_266], %gather3A_286 : memref<64x512xf32, #tpu.memory_space<vmem>>[vector<16xi32>, vector<16xi32>], vector<16xf32>,
    %iota3A_287 = tpu.iota {dimensions = array<i32: 0>} : vector<16xi32>
    %add3A_288 = arith.constant 32 : i32
    %add3A_289 = vector.broadcast %add3A_288 : i32 to vector<16xi32>
    %add3A_290 = arith.addi %iota3A_287, %add3A_289 : vector<16xi32>
    %gather3A_291 = arith.constant 4 : i32
    %gather3A_292 = arith.constant 0 : i32
    %gather3A_293 = arith.constant 0 : i32
    %gather3A_294 = tpu.memref_slice %arg6[%gather3A_291, %gather3A_292, %gather3A_293] : memref<8x64x128xf32, #tpu.memory_space<vmem>> -> memref<1x64x128xf32, #tpu.memory_space<vmem>>
    %gather3A_295 = tpu.memref_squeeze %gather3A_294 : memref<1x64x128xf32, #tpu.memory_space<vmem>> -> memref<64x128xf32, #tpu.memory_space<vmem>>
    %gather3A_296 = tpu.vector_load_idx %gather3A_295[%add3A_290, %broadcast_in_dim3A_264] : memref<64x128xf32, #tpu.memory_space<vmem>>[vector<16xi32>, vector<16xi32>], vector<16xf32>,
    tpu.vector_store_idx %arg7[%add3A_290, %broadcast_in_dim3A_266], %gather3A_296 : memref<64x512xf32, #tpu.memory_space<vmem>>[vector<16xi32>, vector<16xi32>], vector<16xf32>,
    %iota3A_297 = tpu.iota {dimensions = array<i32: 0>} : vector<16xi32>
    %add3A_298 = arith.constant 48 : i32
    %add3A_299 = vector.broadcast %add3A_298 : i32 to vector<16xi32>
    %add3A_300 = arith.addi %iota3A_297, %add3A_299 : vector<16xi32>
    %gather3A_301 = arith.constant 4 : i32
    %gather3A_302 = arith.constant 0 : i32
    %gather3A_303 = arith.constant 0 : i32
    %gather3A_304 = tpu.memref_slice %arg6[%gather3A_301, %gather3A_302, %gather3A_303] : memref<8x64x128xf32, #tpu.memory_space<vmem>> -> memref<1x64x128xf32, #tpu.memory_space<vmem>>
    %gather3A_305 = tpu.memref_squeeze %gather3A_304 : memref<1x64x128xf32, #tpu.memory_space<vmem>> -> memref<64x128xf32, #tpu.memory_space<vmem>>
    %gather3A_306 = tpu.vector_load_idx %gather3A_305[%add3A_300, %broadcast_in_dim3A_264] : memref<64x128xf32, #tpu.memory_space<vmem>>[vector<16xi32>, vector<16xi32>], vector<16xf32>,
    tpu.vector_store_idx %arg7[%add3A_300, %broadcast_in_dim3A_266], %gather3A_306 : memref<64x512xf32, #tpu.memory_space<vmem>>[vector<16xi32>, vector<16xi32>], vector<16xf32>,
    %dma_wait3A_307 = arith.constant 5 : i32
    %dma_wait3A_308 = arith.constant 0 : i32
    %dma_wait3A_309 = arith.constant 0 : i32
    %dma_wait3A_310 = tpu.memref_slice %arg6[%dma_wait3A_307, %dma_wait3A_308, %dma_wait3A_309] : memref<8x64x128xf32, #tpu.memory_space<vmem>> -> memref<1x64x128xf32, #tpu.memory_space<vmem>>
    %dma_wait3A_311 = tpu.memref_squeeze %dma_wait3A_310 : memref<1x64x128xf32, #tpu.memory_space<vmem>> -> memref<64x128xf32, #tpu.memory_space<vmem>>
    %dma_wait3A_312 = arith.constant 0 : i32
    %dma_wait3A_313 = arith.constant 0 : i32
    %dma_wait3A_314 = tpu.memref_slice %arg3[%dma_wait3A_312, %dma_wait3A_313] : memref<64x1000000xf32, #tpu.memory_space<hbm>> -> memref<64x128xf32, #tpu.memory_space<hbm>>
    %dma_wait3A_315 = arith.constant 0 : i32
    %dma_wait3A_316 = arith.constant 0 : i32
    %dma_wait3A_317 = tpu.memref_slice %arg6[%dma_wait3A_307, %dma_wait3A_315, %dma_wait3A_316] : memref<8x64x128xf32, #tpu.memory_space<vmem>> -> memref<1x64x128xf32, #tpu.memory_space<vmem>>
    %dma_wait3A_318 = tpu.memref_squeeze %dma_wait3A_317 : memref<1x64x128xf32, #tpu.memory_space<vmem>> -> memref<64x128xf32, #tpu.memory_space<vmem>>
    %dma_wait3A_319 = arith.constant 0 : i32
    %dma_wait3A_320 = arith.constant 0 : i32
    %dma_wait3A_321 = tpu.memref_slice %arg3[%dma_wait3A_319, %dma_wait3A_320] : memref<64x1000000xf32, #tpu.memory_space<hbm>> -> memref<64x128xf32, #tpu.memory_space<hbm>>
    tpu.wait_dma2 semaphore(%arg14 : memref<!tpu.dma_semaphore, #tpu.memory_space<semaphore_mem>>) src(%dma_wait3A_321 : memref<64x128xf32, #tpu.memory_space<hbm>>) dst(%dma_wait3A_318 : memref<64x128xf32, #tpu.memory_space<vmem>>)
    %get3A_322 = arith.constant 5 : i32
    %get3A_323 = arith.index_cast %get3A_322 : i32 to index
    %get3A_324 = memref.load %arg8[%get3A_323] : memref<8xi32, #tpu.memory_space<smem>>
    %broadcast_in_dim3A_325 = vector.broadcast %get3A_324 : i32 to vector<16xi32>
    %broadcast_in_dim3A_326 = arith.constant 509 : i32
    %broadcast_in_dim3A_327 = vector.broadcast %broadcast_in_dim3A_326 : i32 to vector<16xi32>
    %iota3A_328 = tpu.iota {dimensions = array<i32: 0>} : vector<16xi32>
    %add3A_329 = arith.constant 0 : i32
    %add3A_330 = vector.broadcast %add3A_329 : i32 to vector<16xi32>
    %add3A_331 = arith.addi %iota3A_328, %add3A_330 : vector<16xi32>
    %gather3A_332 = arith.constant 5 : i32
    %gather3A_333 = arith.constant 0 : i32
    %gather3A_334 = arith.constant 0 : i32
    %gather3A_335 = tpu.memref_slice %arg6[%gather3A_332, %gather3A_333, %gather3A_334] : memref<8x64x128xf32, #tpu.memory_space<vmem>> -> memref<1x64x128xf32, #tpu.memory_space<vmem>>
    %gather3A_336 = tpu.memref_squeeze %gather3A_335 : memref<1x64x128xf32, #tpu.memory_space<vmem>> -> memref<64x128xf32, #tpu.memory_space<vmem>>
    %gather3A_337 = tpu.vector_load_idx %gather3A_336[%add3A_331, %broadcast_in_dim3A_325] : memref<64x128xf32, #tpu.memory_space<vmem>>[vector<16xi32>, vector<16xi32>], vector<16xf32>,
    tpu.vector_store_idx %arg7[%add3A_331, %broadcast_in_dim3A_327], %gather3A_337 : memref<64x512xf32, #tpu.memory_space<vmem>>[vector<16xi32>, vector<16xi32>], vector<16xf32>,
    %iota3A_338 = tpu.iota {dimensions = array<i32: 0>} : vector<16xi32>
    %add3A_339 = arith.constant 16 : i32
    %add3A_340 = vector.broadcast %add3A_339 : i32 to vector<16xi32>
    %add3A_341 = arith.addi %iota3A_338, %add3A_340 : vector<16xi32>
    %gather3A_342 = arith.constant 5 : i32
    %gather3A_343 = arith.constant 0 : i32
    %gather3A_344 = arith.constant 0 : i32
    %gather3A_345 = tpu.memref_slice %arg6[%gather3A_342, %gather3A_343, %gather3A_344] : memref<8x64x128xf32, #tpu.memory_space<vmem>> -> memref<1x64x128xf32, #tpu.memory_space<vmem>>
    %gather3A_346 = tpu.memref_squeeze %gather3A_345 : memref<1x64x128xf32, #tpu.memory_space<vmem>> -> memref<64x128xf32, #tpu.memory_space<vmem>>
    %gather3A_347 = tpu.vector_load_idx %gather3A_346[%add3A_341, %broadcast_in_dim3A_325] : memref<64x128xf32, #tpu.memory_space<vmem>>[vector<16xi32>, vector<16xi32>], vector<16xf32>,
    tpu.vector_store_idx %arg7[%add3A_341, %broadcast_in_dim3A_327], %gather3A_347 : memref<64x512xf32, #tpu.memory_space<vmem>>[vector<16xi32>, vector<16xi32>], vector<16xf32>,
    %iota3A_348 = tpu.iota {dimensions = array<i32: 0>} : vector<16xi32>
    %add3A_349 = arith.constant 32 : i32
    %add3A_350 = vector.broadcast %add3A_349 : i32 to vector<16xi32>
    %add3A_351 = arith.addi %iota3A_348, %add3A_350 : vector<16xi32>
    %gather3A_352 = arith.constant 5 : i32
    %gather3A_353 = arith.constant 0 : i32
    %gather3A_354 = arith.constant 0 : i32
    %gather3A_355 = tpu.memref_slice %arg6[%gather3A_352, %gather3A_353, %gather3A_354] : memref<8x64x128xf32, #tpu.memory_space<vmem>> -> memref<1x64x128xf32, #tpu.memory_space<vmem>>
    %gather3A_356 = tpu.memref_squeeze %gather3A_355 : memref<1x64x128xf32, #tpu.memory_space<vmem>> -> memref<64x128xf32, #tpu.memory_space<vmem>>
    %gather3A_357 = tpu.vector_load_idx %gather3A_356[%add3A_351, %broadcast_in_dim3A_325] : memref<64x128xf32, #tpu.memory_space<vmem>>[vector<16xi32>, vector<16xi32>], vector<16xf32>,
    tpu.vector_store_idx %arg7[%add3A_351, %broadcast_in_dim3A_327], %gather3A_357 : memref<64x512xf32, #tpu.memory_space<vmem>>[vector<16xi32>, vector<16xi32>], vector<16xf32>,
    %iota3A_358 = tpu.iota {dimensions = array<i32: 0>} : vector<16xi32>
    %add3A_359 = arith.constant 48 : i32
    %add3A_360 = vector.broadcast %add3A_359 : i32 to vector<16xi32>
    %add3A_361 = arith.addi %iota3A_358, %add3A_360 : vector<16xi32>
    %gather3A_362 = arith.constant 5 : i32
    %gather3A_363 = arith.constant 0 : i32
    %gather3A_364 = arith.constant 0 : i32
    %gather3A_365 = tpu.memref_slice %arg6[%gather3A_362, %gather3A_363, %gather3A_364] : memref<8x64x128xf32, #tpu.memory_space<vmem>> -> memref<1x64x128xf32, #tpu.memory_space<vmem>>
    %gather3A_366 = tpu.memref_squeeze %gather3A_365 : memref<1x64x128xf32, #tpu.memory_space<vmem>> -> memref<64x128xf32, #tpu.memory_space<vmem>>
    %gather3A_367 = tpu.vector_load_idx %gather3A_366[%add3A_361, %broadcast_in_dim3A_325] : memref<64x128xf32, #tpu.memory_space<vmem>>[vector<16xi32>, vector<16xi32>], vector<16xf32>,
    tpu.vector_store_idx %arg7[%add3A_361, %broadcast_in_dim3A_327], %gather3A_367 : memref<64x512xf32, #tpu.memory_space<vmem>>[vector<16xi32>, vector<16xi32>], vector<16xf32>,
    %dma_wait3A_368 = arith.constant 6 : i32
    %dma_wait3A_369 = arith.constant 0 : i32
    %dma_wait3A_370 = arith.constant 0 : i32
    %dma_wait3A_371 = tpu.memref_slice %arg6[%dma_wait3A_368, %dma_wait3A_369, %dma_wait3A_370] : memref<8x64x128xf32, #tpu.memory_space<vmem>> -> memref<1x64x128xf32, #tpu.memory_space<vmem>>
    %dma_wait3A_372 = tpu.memref_squeeze %dma_wait3A_371 : memref<1x64x128xf32, #tpu.memory_space<vmem>> -> memref<64x128xf32, #tpu.memory_space<vmem>>
    %dma_wait3A_373 = arith.constant 0 : i32
    %dma_wait3A_374 = arith.constant 0 : i32
    %dma_wait3A_375 = tpu.memref_slice %arg3[%dma_wait3A_373, %dma_wait3A_374] : memref<64x1000000xf32, #tpu.memory_space<hbm>> -> memref<64x128xf32, #tpu.memory_space<hbm>>
    %dma_wait3A_376 = arith.constant 0 : i32
    %dma_wait3A_377 = arith.constant 0 : i32
    %dma_wait3A_378 = tpu.memref_slice %arg6[%dma_wait3A_368, %dma_wait3A_376, %dma_wait3A_377] : memref<8x64x128xf32, #tpu.memory_space<vmem>> -> memref<1x64x128xf32, #tpu.memory_space<vmem>>
    %dma_wait3A_379 = tpu.memref_squeeze %dma_wait3A_378 : memref<1x64x128xf32, #tpu.memory_space<vmem>> -> memref<64x128xf32, #tpu.memory_space<vmem>>
    %dma_wait3A_380 = arith.constant 0 : i32
    %dma_wait3A_381 = arith.constant 0 : i32
    %dma_wait3A_382 = tpu.memref_slice %arg3[%dma_wait3A_380, %dma_wait3A_381] : memref<64x1000000xf32, #tpu.memory_space<hbm>> -> memref<64x128xf32, #tpu.memory_space<hbm>>
    tpu.wait_dma2 semaphore(%arg15 : memref<!tpu.dma_semaphore, #tpu.memory_space<semaphore_mem>>) src(%dma_wait3A_382 : memref<64x128xf32, #tpu.memory_space<hbm>>) dst(%dma_wait3A_379 : memref<64x128xf32, #tpu.memory_space<vmem>>)
    %get3A_383 = arith.constant 6 : i32
    %get3A_384 = arith.index_cast %get3A_383 : i32 to index
    %get3A_385 = memref.load %arg8[%get3A_384] : memref<8xi32, #tpu.memory_space<smem>>
    %broadcast_in_dim3A_386 = vector.broadcast %get3A_385 : i32 to vector<16xi32>
    %broadcast_in_dim3A_387 = arith.constant 510 : i32
    %broadcast_in_dim3A_388 = vector.broadcast %broadcast_in_dim3A_387 : i32 to vector<16xi32>
    %iota3A_389 = tpu.iota {dimensions = array<i32: 0>} : vector<16xi32>
    %add3A_390 = arith.constant 0 : i32
    %add3A_391 = vector.broadcast %add3A_390 : i32 to vector<16xi32>
    %add3A_392 = arith.addi %iota3A_389, %add3A_391 : vector<16xi32>
    %gather3A_393 = arith.constant 6 : i32
    %gather3A_394 = arith.constant 0 : i32
    %gather3A_395 = arith.constant 0 : i32
    %gather3A_396 = tpu.memref_slice %arg6[%gather3A_393, %gather3A_394, %gather3A_395] : memref<8x64x128xf32, #tpu.memory_space<vmem>> -> memref<1x64x128xf32, #tpu.memory_space<vmem>>
    %gather3A_397 = tpu.memref_squeeze %gather3A_396 : memref<1x64x128xf32, #tpu.memory_space<vmem>> -> memref<64x128xf32, #tpu.memory_space<vmem>>
    %gather3A_398 = tpu.vector_load_idx %gather3A_397[%add3A_392, %broadcast_in_dim3A_386] : memref<64x128xf32, #tpu.memory_space<vmem>>[vector<16xi32>, vector<16xi32>], vector<16xf32>,
    tpu.vector_store_idx %arg7[%add3A_392, %broadcast_in_dim3A_388], %gather3A_398 : memref<64x512xf32, #tpu.memory_space<vmem>>[vector<16xi32>, vector<16xi32>], vector<16xf32>,
    %iota3A_399 = tpu.iota {dimensions = array<i32: 0>} : vector<16xi32>
    %add3A_400 = arith.constant 16 : i32
    %add3A_401 = vector.broadcast %add3A_400 : i32 to vector<16xi32>
    %add3A_402 = arith.addi %iota3A_399, %add3A_401 : vector<16xi32>
    %gather3A_403 = arith.constant 6 : i32
    %gather3A_404 = arith.constant 0 : i32
    %gather3A_405 = arith.constant 0 : i32
    %gather3A_406 = tpu.memref_slice %arg6[%gather3A_403, %gather3A_404, %gather3A_405] : memref<8x64x128xf32, #tpu.memory_space<vmem>> -> memref<1x64x128xf32, #tpu.memory_space<vmem>>
    %gather3A_407 = tpu.memref_squeeze %gather3A_406 : memref<1x64x128xf32, #tpu.memory_space<vmem>> -> memref<64x128xf32, #tpu.memory_space<vmem>>
    %gather3A_408 = tpu.vector_load_idx %gather3A_407[%add3A_402, %broadcast_in_dim3A_386] : memref<64x128xf32, #tpu.memory_space<vmem>>[vector<16xi32>, vector<16xi32>], vector<16xf32>,
    tpu.vector_store_idx %arg7[%add3A_402, %broadcast_in_dim3A_388], %gather3A_408 : memref<64x512xf32, #tpu.memory_space<vmem>>[vector<16xi32>, vector<16xi32>], vector<16xf32>,
    %iota3A_409 = tpu.iota {dimensions = array<i32: 0>} : vector<16xi32>
    %add3A_410 = arith.constant 32 : i32
    %add3A_411 = vector.broadcast %add3A_410 : i32 to vector<16xi32>
    %add3A_412 = arith.addi %iota3A_409, %add3A_411 : vector<16xi32>
    %gather3A_413 = arith.constant 6 : i32
    %gather3A_414 = arith.constant 0 : i32
    %gather3A_415 = arith.constant 0 : i32
    %gather3A_416 = tpu.memref_slice %arg6[%gather3A_413, %gather3A_414, %gather3A_415] : memref<8x64x128xf32, #tpu.memory_space<vmem>> -> memref<1x64x128xf32, #tpu.memory_space<vmem>>
    %gather3A_417 = tpu.memref_squeeze %gather3A_416 : memref<1x64x128xf32, #tpu.memory_space<vmem>> -> memref<64x128xf32, #tpu.memory_space<vmem>>
    %gather3A_418 = tpu.vector_load_idx %gather3A_417[%add3A_412, %broadcast_in_dim3A_386] : memref<64x128xf32, #tpu.memory_space<vmem>>[vector<16xi32>, vector<16xi32>], vector<16xf32>,
    tpu.vector_store_idx %arg7[%add3A_412, %broadcast_in_dim3A_388], %gather3A_418 : memref<64x512xf32, #tpu.memory_space<vmem>>[vector<16xi32>, vector<16xi32>], vector<16xf32>,
    %iota3A_419 = tpu.iota {dimensions = array<i32: 0>} : vector<16xi32>
    %add3A_420 = arith.constant 48 : i32
    %add3A_421 = vector.broadcast %add3A_420 : i32 to vector<16xi32>
    %add3A_422 = arith.addi %iota3A_419, %add3A_421 : vector<16xi32>
    %gather3A_423 = arith.constant 6 : i32
    %gather3A_424 = arith.constant 0 : i32
    %gather3A_425 = arith.constant 0 : i32
    %gather3A_426 = tpu.memref_slice %arg6[%gather3A_423, %gather3A_424, %gather3A_425] : memref<8x64x128xf32, #tpu.memory_space<vmem>> -> memref<1x64x128xf32, #tpu.memory_space<vmem>>
    %gather3A_427 = tpu.memref_squeeze %gather3A_426 : memref<1x64x128xf32, #tpu.memory_space<vmem>> -> memref<64x128xf32, #tpu.memory_space<vmem>>
    %gather3A_428 = tpu.vector_load_idx %gather3A_427[%add3A_422, %broadcast_in_dim3A_386] : memref<64x128xf32, #tpu.memory_space<vmem>>[vector<16xi32>, vector<16xi32>], vector<16xf32>,
    tpu.vector_store_idx %arg7[%add3A_422, %broadcast_in_dim3A_388], %gather3A_428 : memref<64x512xf32, #tpu.memory_space<vmem>>[vector<16xi32>, vector<16xi32>], vector<16xf32>,
    %dma_wait3A_429 = arith.constant 7 : i32
    %dma_wait3A_430 = arith.constant 0 : i32
    %dma_wait3A_431 = arith.constant 0 : i32
    %dma_wait3A_432 = tpu.memref_slice %arg6[%dma_wait3A_429, %dma_wait3A_430, %dma_wait3A_431] : memref<8x64x128xf32, #tpu.memory_space<vmem>> -> memref<1x64x128xf32, #tpu.memory_space<vmem>>
    %dma_wait3A_433 = tpu.memref_squeeze %dma_wait3A_432 : memref<1x64x128xf32, #tpu.memory_space<vmem>> -> memref<64x128xf32, #tpu.memory_space<vmem>>
    %dma_wait3A_434 = arith.constant 0 : i32
    %dma_wait3A_435 = arith.constant 0 : i32
    %dma_wait3A_436 = tpu.memref_slice %arg3[%dma_wait3A_434, %dma_wait3A_435] : memref<64x1000000xf32, #tpu.memory_space<hbm>> -> memref<64x128xf32, #tpu.memory_space<hbm>>
    %dma_wait3A_437 = arith.constant 0 : i32
    %dma_wait3A_438 = arith.constant 0 : i32
    %dma_wait3A_439 = tpu.memref_slice %arg6[%dma_wait3A_429, %dma_wait3A_437, %dma_wait3A_438] : memref<8x64x128xf32, #tpu.memory_space<vmem>> -> memref<1x64x128xf32, #tpu.memory_space<vmem>>
    %dma_wait3A_440 = tpu.memref_squeeze %dma_wait3A_439 : memref<1x64x128xf32, #tpu.memory_space<vmem>> -> memref<64x128xf32, #tpu.memory_space<vmem>>
    %dma_wait3A_441 = arith.constant 0 : i32
    %dma_wait3A_442 = arith.constant 0 : i32
    %dma_wait3A_443 = tpu.memref_slice %arg3[%dma_wait3A_441, %dma_wait3A_442] : memref<64x1000000xf32, #tpu.memory_space<hbm>> -> memref<64x128xf32, #tpu.memory_space<hbm>>
    tpu.wait_dma2 semaphore(%arg16 : memref<!tpu.dma_semaphore, #tpu.memory_space<semaphore_mem>>) src(%dma_wait3A_443 : memref<64x128xf32, #tpu.memory_space<hbm>>) dst(%dma_wait3A_440 : memref<64x128xf32, #tpu.memory_space<vmem>>)
    %get3A_444 = arith.constant 7 : i32
    %get3A_445 = arith.index_cast %get3A_444 : i32 to index
    %get3A_446 = memref.load %arg8[%get3A_445] : memref<8xi32, #tpu.memory_space<smem>>
    %broadcast_in_dim3A_447 = vector.broadcast %get3A_446 : i32 to vector<16xi32>
    %broadcast_in_dim3A_448 = arith.constant 511 : i32
    %broadcast_in_dim3A_449 = vector.broadcast %broadcast_in_dim3A_448 : i32 to vector<16xi32>
    %iota3A_450 = tpu.iota {dimensions = array<i32: 0>} : vector<16xi32>
    %add3A_451 = arith.constant 0 : i32
    %add3A_452 = vector.broadcast %add3A_451 : i32 to vector<16xi32>
    %add3A_453 = arith.addi %iota3A_450, %add3A_452 : vector<16xi32>
    %gather3A_454 = arith.constant 7 : i32
    %gather3A_455 = arith.constant 0 : i32
    %gather3A_456 = arith.constant 0 : i32
    %gather3A_457 = tpu.memref_slice %arg6[%gather3A_454, %gather3A_455, %gather3A_456] : memref<8x64x128xf32, #tpu.memory_space<vmem>> -> memref<1x64x128xf32, #tpu.memory_space<vmem>>
    %gather3A_458 = tpu.memref_squeeze %gather3A_457 : memref<1x64x128xf32, #tpu.memory_space<vmem>> -> memref<64x128xf32, #tpu.memory_space<vmem>>
    %gather3A_459 = tpu.vector_load_idx %gather3A_458[%add3A_453, %broadcast_in_dim3A_447] : memref<64x128xf32, #tpu.memory_space<vmem>>[vector<16xi32>, vector<16xi32>], vector<16xf32>,
    tpu.vector_store_idx %arg7[%add3A_453, %broadcast_in_dim3A_449], %gather3A_459 : memref<64x512xf32, #tpu.memory_space<vmem>>[vector<16xi32>, vector<16xi32>], vector<16xf32>,
    %iota3A_460 = tpu.iota {dimensions = array<i32: 0>} : vector<16xi32>
    %add3A_461 = arith.constant 16 : i32
    %add3A_462 = vector.broadcast %add3A_461 : i32 to vector<16xi32>
    %add3A_463 = arith.addi %iota3A_460, %add3A_462 : vector<16xi32>
    %gather3A_464 = arith.constant 7 : i32
    %gather3A_465 = arith.constant 0 : i32
    %gather3A_466 = arith.constant 0 : i32
    %gather3A_467 = tpu.memref_slice %arg6[%gather3A_464, %gather3A_465, %gather3A_466] : memref<8x64x128xf32, #tpu.memory_space<vmem>> -> memref<1x64x128xf32, #tpu.memory_space<vmem>>
    %gather3A_468 = tpu.memref_squeeze %gather3A_467 : memref<1x64x128xf32, #tpu.memory_space<vmem>> -> memref<64x128xf32, #tpu.memory_space<vmem>>
    %gather3A_469 = tpu.vector_load_idx %gather3A_468[%add3A_463, %broadcast_in_dim3A_447] : memref<64x128xf32, #tpu.memory_space<vmem>>[vector<16xi32>, vector<16xi32>], vector<16xf32>,
    tpu.vector_store_idx %arg7[%add3A_463, %broadcast_in_dim3A_449], %gather3A_469 : memref<64x512xf32, #tpu.memory_space<vmem>>[vector<16xi32>, vector<16xi32>], vector<16xf32>,
    %iota3A_470 = tpu.iota {dimensions = array<i32: 0>} : vector<16xi32>
    %add3A_471 = arith.constant 32 : i32
    %add3A_472 = vector.broadcast %add3A_471 : i32 to vector<16xi32>
    %add3A_473 = arith.addi %iota3A_470, %add3A_472 : vector<16xi32>
    %gather3A_474 = arith.constant 7 : i32
    %gather3A_475 = arith.constant 0 : i32
    %gather3A_476 = arith.constant 0 : i32
    %gather3A_477 = tpu.memref_slice %arg6[%gather3A_474, %gather3A_475, %gather3A_476] : memref<8x64x128xf32, #tpu.memory_space<vmem>> -> memref<1x64x128xf32, #tpu.memory_space<vmem>>
    %gather3A_478 = tpu.memref_squeeze %gather3A_477 : memref<1x64x128xf32, #tpu.memory_space<vmem>> -> memref<64x128xf32, #tpu.memory_space<vmem>>
    %gather3A_479 = tpu.vector_load_idx %gather3A_478[%add3A_473, %broadcast_in_dim3A_447] : memref<64x128xf32, #tpu.memory_space<vmem>>[vector<16xi32>, vector<16xi32>], vector<16xf32>,
    tpu.vector_store_idx %arg7[%add3A_473, %broadcast_in_dim3A_449], %gather3A_479 : memref<64x512xf32, #tpu.memory_space<vmem>>[vector<16xi32>, vector<16xi32>], vector<16xf32>,
    %iota3A_480 = tpu.iota {dimensions = array<i32: 0>} : vector<16xi32>
    %add3A_481 = arith.constant 48 : i32
    %add3A_482 = vector.broadcast %add3A_481 : i32 to vector<16xi32>
    %add3A_483 = arith.addi %iota3A_480, %add3A_482 : vector<16xi32>
    %gather3A_484 = arith.constant 7 : i32
    %gather3A_485 = arith.constant 0 : i32
    %gather3A_486 = arith.constant 0 : i32
    %gather3A_487 = tpu.memref_slice %arg6[%gather3A_484, %gather3A_485, %gather3A_486] : memref<8x64x128xf32, #tpu.memory_space<vmem>> -> memref<1x64x128xf32, #tpu.memory_space<vmem>>
    %gather3A_488 = tpu.memref_squeeze %gather3A_487 : memref<1x64x128xf32, #tpu.memory_space<vmem>> -> memref<64x128xf32, #tpu.memory_space<vmem>>
    %gather3A_489 = tpu.vector_load_idx %gather3A_488[%add3A_483, %broadcast_in_dim3A_447] : memref<64x128xf32, #tpu.memory_space<vmem>>[vector<16xi32>, vector<16xi32>], vector<16xf32>,
    tpu.vector_store_idx %arg7[%add3A_483, %broadcast_in_dim3A_449], %gather3A_489 : memref<64x512xf32, #tpu.memory_space<vmem>>[vector<16xi32>, vector<16xi32>], vector<16xf32>,
    "tpu.region"() ({
      %run_scoped3A = tpu.sem_alloc : memref<!tpu.dma_semaphore, #tpu.memory_space<semaphore_mem>>
      %dma_start3A = arith.constant 0 : i32
      %dma_start3A_490 = tpu.memref_slice %arg4[%dma_start3A, %mul3A_2] : memref<64x16384xf32, #tpu.memory_space<hbm>> -> memref<64x512xf32, #tpu.memory_space<hbm>>
      %dma_start3A_491 = arith.constant 0 : i32
      %dma_start3A_492 = tpu.memref_slice %arg4[%dma_start3A_491, %mul3A_2] : memref<64x16384xf32, #tpu.memory_space<hbm>> -> memref<64x512xf32, #tpu.memory_space<hbm>>
      tpu.enqueue_dma source(%arg7 : memref<64x512xf32, #tpu.memory_space<vmem>>) target(%dma_start3A_492 : memref<64x512xf32, #tpu.memory_space<hbm>>) target_semaphore(%run_scoped3A : memref<!tpu.dma_semaphore, #tpu.memory_space<semaphore_mem>>)
      %dma_wait3A_493 = arith.constant 0 : i32
      %dma_wait3A_494 = tpu.memref_slice %arg4[%dma_wait3A_493, %mul3A_2] : memref<64x16384xf32, #tpu.memory_space<hbm>> -> memref<64x512xf32, #tpu.memory_space<hbm>>
      %dma_wait3A_495 = arith.constant 0 : i32
      %dma_wait3A_496 = tpu.memref_slice %arg4[%dma_wait3A_495, %mul3A_2] : memref<64x16384xf32, #tpu.memory_space<hbm>> -> memref<64x512xf32, #tpu.memory_space<hbm>>
      tpu.wait_dma2 semaphore(%run_scoped3A : memref<!tpu.dma_semaphore, #tpu.memory_space<semaphore_mem>>) src(%arg7 : memref<64x512xf32, #tpu.memory_space<vmem>>) dst(%dma_wait3A_496 : memref<64x512xf32, #tpu.memory_space<hbm>>)
      tpu.yield
    }) : () -> ()
    return
  }
}

</mosaic_0001>

<sc_bundles>
// kernel: kernel.3.cloned.1.call-start
scs
__scs_entry_jumppad:
0x0: {  	(pc) =	sbr.rel $0x88, $3  }
0x1: {  	(tag) =	ssettag $0x0;
	lr =	simm.s32 $0x1  }
0x2: {  	[smem:$0x3F9F] =	sst lr;
	_ =	strace $0xD0000000  }
0x3: {  	_ = 	snop  }
0x4: {  	_ = 	snop  }
0x5: {  	_ = 	snop  }
0x6: {  	_ = 	snop  }
0x7: {  	_ = 	snop  }
__scs_overlays_trampoline_lowered:
0x8: {  	[smem:$0x3FAE] =	sst s0  }
0x9: {  	[smem:$0x3FAF] =	sst s1  }
0xa: {  	[smem:$0x3FB0] =	sst s2  }
0xb: {  	[smem:$0x3FB1] =	sst s3  }
0xc: {  	[smem:$0x3FB2] =	sst s4  }
0xd: {  	[smem:$0x3FB3] =	sst s5  }
0xe: {  	[smem:$0x3FB4] =	sst s6  }
0xf: {  	[smem:$0x3FB5] =	sst s7  }
0x10: {  	[smem:$0x3FB6] =	sst s8  }
0x11: {  	[smem:$0x3FB7] =	sst s9;
	s0 =	simm.s32 @!p0 $0x0  }
0x12: {  	s1 =	sld [smem:$0x3F9D];
	s0 =	simm.s32 @p0 $0x1  }
0x13: {  	[smem:$0x3FB8] =	sst s0;
	s0 =	simm.s32 @!p1 $0x0  }
0x14: {  	s2 =	sld [smem:$0x3F9C];
	s0 =	simm.s32 @p1 $0x1  }
0x15: {  	[smem:$0x3FB9] =	sst s0;
	s0 =	simm.s32 @!p2 $0x0  }
0x16: {  	s3 =	sld [smem:$0x3FDB];
	s0 =	simm.s32 @p2 $0x1  }
0x17: {  	s4 =	simm.s32 $0x1BF5;
	[smem:$0x3FBB] =	sst s0  }
0x18: {  	s0 =	sld [smem:$0x3F9E];
	_ =	swait.ge [sflag:s4], $0x0  }
0x19: {  	s7 =	sld [smem:$0x3F9F]  }
0x1a: {  	s8 =	sadd.s32 $0xFFFFE003, lr  }
0x1b: {  	s9 =	sadd.s32 $0xFFFFFEF7, lr;
	s5 =	simm.s32 $0xFFFFFFFF;
	p2 =	slt.u32 s8, $0xFFFFF086  }
0x1c: {  	p1 =	slt.u32 s9, $0xF7A;
	s5 =	simm.s32 @!p2 $0x0  }
0x1d: {  	s5 =	simm.s32 @p1 $0x1;
	p0 =	seq.s32 s7, s2  }
0x1e: {  	s7 =	smul.u32 @!p0 $0xF7A, s2;
	p2 =	seq.s32 @!p0 s5, $0x0  }
0x1f: {  	s9 =	smul.u32 $0xF7A, s1;
	s8 =	simm.s32 @!p0 $0x1BF5;
	p2 =	por !p2, p0  }
0x20: {  	[sflag:s8] =	ssyncset.s32 @!p0 $0xFFFFF086;
	s6 =	sadd.s32 @!p0 s3, s7;
	s7 =	simm.s32 @!p0 $0x108  }
0x21: {  	s3 =	sadd.s32 s3, s9;
	s6 =	sadd.s32 @!p0 $0x88, s6;
	s7 =	simm.s32 @p2 $0x1082  }
0x22: {  	[simem:s7], [sflag:s8] =	dma.local @!p0 [hbm:s6], $0xF7A  }
0x23: {  	s9 =	sor.u32 $0xD0000000, s2;
	s6 =	simm.s32 $0x108;
	_ =	swait.ge @!p0 [sflag:s8], $0x0  }
0x24: {  	s3 =	sadd.s32 $0x88, s3;
	s6 =	simm.s32 @!p1 $0x1082;
	[sflag:s4] =	ssyncset.s32 $0xFFFFF086  }
0x25: {  	[simem:s6], [sflag:s4] =	dma.local [hbm:s3], $0xF7A  }
0x26: {  	[smem:$0x3F9F] =	sst s1;
	(tag) =	ssettag s2;
	_ =	strace s9  }
0x27: {  	s1 =	sld [smem:$0x3FAF]  }
0x28: {  	s2 =	sld [smem:$0x3FB0]  }
0x29: {  	s4 =	sld [smem:$0x3FB2]  }
0x2a: {  	p0 =	seq.s32 s5, $0x0;
	s5 =	sld [smem:$0x3FB3]  }
0x2b: {  	s6 =	sld [smem:$0x3FB4]  }
0x2c: {  	s7 =	sld [smem:$0x3FB5]  }
0x2d: {  	s3 =	simm.s32 $0x108;
	s8 =	sld [smem:$0x3FB6]  }
0x2e: {  	s3 =	simm.s32 @!p0 $0x1082;
	s9 =	sld [smem:$0x3FB7]  }
0x2f: {  	lr =	sadd.s32 s0, s3;
	s0 =	sld [smem:$0x3FAE]  }
0x30: {  	s3 =	sld [smem:$0x3FB1]  }
0x31: {  	[smem:$0x3FBA] =	sst s10  }
0x32: {  	s10 =	sld [smem:$0x3FB8];
	_ =	sdelay $0x3  }
0x33: {  	p0 =	seq.s32 s10, $0x1;
	s10 =	sld [smem:$0x3FBA];
	_ =	sdelay $0x3  }
0x34: {  	[smem:$0x3FBA] =	sst s10  }
0x35: {  	s10 =	sld [smem:$0x3FB9];
	_ =	sdelay $0x3  }
0x36: {  	p1 =	seq.s32 s10, $0x1;
	s10 =	sld [smem:$0x3FBA];
	_ =	sdelay $0x3  }
0x37: {  	[smem:$0x3FBA] =	sst s10  }
0x38: {  	s10 =	sld [smem:$0x3FBB]  }
0x39: {  	_ = 	snop;
	(pc) =	sbr.ind lr, $3  }
0x3a: {  	_ = 	snop  }
0x3b: {  	_ = 	snop  }
0x3c: {  	p2 =	seq.s32 s10, $0x1;
	s10 =	sld [smem:$0x3FBA]  }
0x3d: {  	_ =	shalt  }
0x3e: {  	_ =	shalt  }
0x3f: {  	_ =	shalt  }
0x40: {  	_ =	shalt  }
0x41: {  	_ =	shalt  }
0x42: {  	_ =	shalt  }
0x43: {  	_ =	shalt  }
0x44: {  	_ =	shalt  }
0x45: {  	_ =	shalt  }
0x46: {  	_ =	shalt  }
0x47: {  	_ =	shalt  }
0x48: {  	_ =	shalt  }
0x49: {  	_ =	shalt  }
0x4a: {  	_ =	shalt  }
0x4b: {  	_ =	shalt  }
0x4c: {  	_ =	shalt  }
0x4d: {  	_ =	shalt  }
0x4e: {  	_ =	shalt  }
0x4f: {  	_ =	shalt  }
0x50: {  	_ =	shalt  }
0x51: {  	_ =	shalt  }
0x52: {  	_ =	shalt  }
0x53: {  	_ =	shalt  }
0x54: {  	_ =	shalt  }
0x55: {  	_ =	shalt  }
0x56: {  	_ =	shalt  }
0x57: {  	_ =	shalt  }
0x58: {  	_ =	shalt  }
0x59: {  	_ =	shalt  }
0x5a: {  	_ =	shalt  }
0x5b: {  	_ =	shalt  }
0x5c: {  	_ =	shalt  }
0x5d: {  	_ =	shalt  }
0x5e: {  	_ =	shalt  }
0x5f: {  	_ =	shalt  }
0x60: {  	_ =	shalt  }
0x61: {  	_ =	shalt  }
0x62: {  	_ =	shalt  }
0x63: {  	_ =	shalt  }
0x64: {  	_ =	shalt  }
0x65: {  	_ =	shalt  }
0x66: {  	_ =	shalt  }
0x67: {  	_ =	shalt  }
0x68: {  	_ =	shalt  }
0x69: {  	_ =	shalt  }
0x6a: {  	_ =	shalt  }
0x6b: {  	_ =	shalt  }
0x6c: {  	_ =	shalt  }
0x6d: {  	_ =	shalt  }
0x6e: {  	_ =	shalt  }
0x6f: {  	_ =	shalt  }
0x70: {  	_ =	shalt  }
0x71: {  	_ =	shalt  }
0x72: {  	_ =	shalt  }
0x73: {  	_ =	shalt  }
0x74: {  	_ =	shalt  }
0x75: {  	_ =	shalt  }
0x76: {  	_ =	shalt  }
0x77: {  	_ =	shalt  }
0x78: {  	_ =	shalt  }
0x79: {  	_ =	shalt  }
0x7a: {  	_ =	shalt  }
0x7b: {  	_ =	shalt  }
0x7c: {  	_ =	shalt  }
0x7d: {  	_ =	shalt  }
0x7e: {  	_ =	shalt  }
0x7f: {  	_ =	shalt  }
0x80: {  	_ =	shalt  }
0x81: {  	_ =	shalt  }
0x82: {  	_ =	shalt  }
0x83: {  	_ =	shalt  }
0x84: {  	_ =	shalt  }
0x85: {  	_ =	shalt  }
0x86: {  	_ =	shalt  }
0x87: {  	_ =	shalt  }
.Lfunc_end0:
.L_simem_size_0:
called_computation_lowered:
.L_overlay_start_0:
0x88: {  	s2 =	sld [smem:$0x3FD9]  }
0x89: {  	s3 =	sld [smem:$0x3FFE];
	_ =	sdelay $0x1  }
0x8a: {  	s1 =	srdreg.scid  }
0x8b: {  	s0 =	sand.u32 $0x1, s1  }
0x8c: {  	s18 =	sshll.u32 s0, $0xA;
	s2 =	sadd.s32 s3, s2  }
0x8d: {  	s2 =	sadd.s32 s2, s18  }
0x8e: {  	[smem:$0x3FC6] =	sst s2  }
0x8f: {  	_ = 	snop  }
0x90: {  	s2 =	sld [smem:$0x3FC9]  }
0x91: {  	s19 =	sld [smem:$0x3FC8]  }
0x92: {  	s4 =	sld [smem:$0x3FD0];
	(tm) =	ssettm $0x1  }
0x93: {  	s5 =	sld [smem:$0x3FFB];
	_ =	sdelay $0x3  }
0x94: {  	_ =	strace s5  }
0x95: {  	s5 =	sld [smem:$0x3FFC];
	_ =	sdelay $0x3  }
0x96: {  	_ =	strace s5  }
0x97: {  	s5 =	sld [smem:$0x3FFD];
	_ =	sdelay $0x3  }
0x98: {  	_ =	strace s5  }
0x99: {  	_ =	strace $0x8FFFFFFF  }
0x9a: {  	s20 =	sld [smem:$0x3FDB];
	_ =	sdelay $0x1  }
0x9b: {  	s6 =	simm.s32 $_scs_section_size  }
0x9c: {  	s7 =	simm.s32 $_size__tile_overlayer_lowered;
	s8 =	simm.s32 $_tile_overlayer_lowered  }
0x9d: {  	s23 =	simm.s32 $0x1BFF;
	s22 =	sshll.u32 s8, $0x1;
	s5 =	sadd.s32 s6, s20  }
0x9e: {  	s9 =	simm.s32 $0x0;
	s21 =	sshll.u32 s7, $0x1;
	s7 =	sadd.s32 s22, s5  }
0x9f: {  	[timem:s9], [sflag:s23] =	dma.local [hbm:s7], s21  }
0xa0: {  	_ =	swait.ge [sflag:s23], s21  }
0xa1: {  	s6 =	ssub.s32 $0x0, s21;
	[sflag:s23] =	ssyncset.done $0x0  }
0xa2: {  	[sflag:s23] =	ssyncadd.s32 s6;
	_ =	sdelay $0x1  }
0xa3: {  	s24 =	simm.s32 $0x1B8B  }
0xa4: {  	_ =	swait.ge [sflag:s24], $0x1  }
0xa5: {  	[sflag:s24] =	ssyncset.done $0x0  }
0xa6: {  	s25 =	simm.s32 $0x1B8E;
	[sflag:s24] =	ssyncadd.s32 $0xFFFFFFFF  }
0xa7: {  	s26 =	simm.s32 $execute0_lowered;
	[smem:$0x3FD2] =	sst s25  }
0xa8: {  	s6 =	sshll.u32 s26, $0x1;
	_ =	strace $0x80000046;
	[dreg:$0x1] =	wrdreg $0xFFFFFFFF  }
0xa9: {  	s28 =	simm.s32 $_size_execute0_lowered;
	s5 =	sadd.s32 s5, s6;
	[dreg:$0x0] =	wrdreg $0x0  }
0xaa: {  	s6 =	sshll.u32 s28, $0x1;
	[dreg:$0x2] =	wrdreg s5  }
0xab: {  	[dreg:$0x3] =	wrdreg s6  }
0xac: {  	[dreg:$0x4] =	wrdreg $0xC0  }
0xad: {  	_ =	task [dreg:s9], $0x5FFFF  }
0xae: {  	[dreg:$0x1] =	wrdreg $0xFFFFFFFF  }
0xaf: {  	[dreg:$0x0] =	wrdreg $0x60  }
0xb0: {  	[dreg:$0x2] =	wrdreg s2  }
0xb1: {  	[dreg:$0x3] =	wrdreg s19  }
0xb2: {  	[dreg:$0x4] =	wrdreg s4  }
0xb3: {  	[dreg:$0x5] =	wrdreg $0x9  }
0xb4: {  	_ =	task.clear_ibuf [dreg:s9], $0x6FFFF;
	_ =	strace $0x90000046  }
0xb5: {  	s29 =	simm.s32 $0x9;
	_ =	strace $0x80000048  }
0xb6: {  	_ =	swait.ge [sflag:s29], $0x1  }
0xb7: {  	[sflag:s29] =	ssyncadd.s32 $0xFFFFFFFF  }
0xb8: {  	_ =	strace $0x90000048  }
0xb9: {  	_ =	sfence  }
0xba: {  	s30 =	sld [smem:$0x0];
	_ =	sdelay $0x2  }
0xbb: {  	s31 =	sshll.u32 s1, $0xD;
	s1 =	sshrl.u32 s1, $0x2  }
0xbc: {  	s3 =	sand.u32 $0x4000, s31;
	s1 =	sadd.s32 s1, s30  }
0xbd: {  	s0 =	sor.u32 s3, s0;
	s1 =	sshll.u32 s1, $0x11  }
0xbe: {  	s0 =	sor.u32 s1, s0  }
0xbf: {  	s0 =	sadd.s32 $0x8F2B, s0  }
0xc0: {  	[sflag:s0] =	ssyncadd.remote.s32 $0x1  }
0xc1: {  	_ =	sfence.sel $0xFFFF  }
0xc2: {  	[dreg:$0x0] =	wrdreg $0xFFFFFFFF;
	(pc) =	sbr.abs _section_cstart, $3  }
0xc3: {  	[dreg:$0x1] =	wrdreg $0xFFFFFFFF  }
0xc4: {  	_ =	task.clear_ibuf [dreg:s9], $0x2FFFF;
	_ =	strace $0x9FFFFFFF  }
0xc5: {  	(tm) =	ssettm $0x7FFFFFFF  }
tec
execute0_lowered:
.L_overlay_start_1:
0x0: {  	(tag) =	ssettag $0x1  }
0x1: {  	v0 =	vimm.s32 $0x1380;
	vm14 =	vcmask $0x300  }
0x2: {  	vm13 =	vcmask $0x704;
	vm12 =	vcmask $0xB08;
	vm11 =	vcmask $0xF0C  }
0x3: {  	vm10 =	vcmask $0x1310;
	vm9 =	vcmask $0x1714;
	vm8 =	vcmask $0x1B18  }
0x4: {  	v1 =	vlaneseq.u32;
	vm6 =	vcmask $0x1F1C;
	vm0 =	vcmask $0x2320  }
0x5: {  	v3 =	vimm.s32 $0x5380;
	vm1 =	vcmask $0x2724;
	vm2 =	vcmask $0x2B28  }
0x6: {  	vm3 =	vcmask $0x2F2C;
	vm4 =	vcmask $0x3330;
	vm5 =	vcmask $0x3734  }
0x7: {  	vm7 =	vcmask $0x3B38;
	v7 =	vimm.s32 $0x7380;
	v8 =	vimm.s32 $0x1FF8  }
0x8: {  	v9 =	vimm.s32 $0x3FF8;
	v10 =	vimm.s32 $0x5FF8;
	v11 =	vimm.s32 $0x7FF8  }
0x9: {  	v12 =	vimm.s32 $0x1FF9;
	v13 =	vimm.s32 $0x3FF9;
	v14 =	vimm.s32 $0x5FF9  }
0xa: {  	v15 =	vimm.s32 $0x7FF9;
	v16 =	vimm.s32 $0x1FFA;
	v17 =	vimm.s32 $0x3FFA  }
0xb: {  	v18 =	vimm.s32 $0x5FFA;
	v19 =	vimm.s32 $0x7FFA;
	v20 =	vimm.s32 $0x1FFB  }
0xc: {  	v21 =	vimm.s32 $0x3FFB;
	v22 =	vimm.s32 $0x5FFB;
	v23 =	vimm.s32 $0x7FFB  }
0xd: {  	v24 =	vimm.s32 $0x1FFC;
	v25 =	vimm.s32 $0x3FFC;
	v26 =	vimm.s32 $0x5FFC  }
0xe: {  	v27 =	vimm.s32 $0x7FFC;
	v28 =	vimm.s32 $0x1FFD;
	v29 =	vimm.s32 $0x3FFD  }
0xf: {  	v30 =	vimm.s32 $0x5FFD;
	v31 =	vimm.s32 $0x7FFD;
	v32 =	vimm.s32 $0x1FFE  }
0x10: {  	v33 =	vimm.s32 $0x3FFE;
	v34 =	vimm.s32 $0x5FFE;
	v35 =	vimm.s32 $0x7FFE  }
0x11: {  	v36 =	vimm.s32 $0x1FFF;
	v37 =	vimm.s32 $0x3FFF;
	v38 =	vimm.s32 $0x5FFF  }
0x12: {  	v39 =	vimm.s32 $0x7FFF;
	v0 =	vsel vm14, $0x0, v0;
	v3 =	vsel vm14, $0x4000, v3  }
0x13: {  	v7 =	vsel vm14, $0x6000, v7;
	v8 =	vsel vm14, $0xC78, v8;
	v9 =	vsel vm14, $0x2C78, v9  }
0x14: {  	v10 =	vsel vm14, $0x4C78, v10;
	v11 =	vsel vm14, $0x6C78, v11;
	v12 =	vsel vm14, $0xC79, v12  }
0x15: {  	v13 =	vsel vm14, $0x2C79, v13;
	v14 =	vsel vm14, $0x4C79, v14;
	v15 =	vsel vm14, $0x6C79, v15  }
0x16: {  	v16 =	vsel vm14, $0xC7A, v16;
	v17 =	vsel vm14, $0x2C7A, v17;
	v18 =	vsel vm14, $0x4C7A, v18  }
0x17: {  	v19 =	vsel vm14, $0x6C7A, v19;
	v20 =	vsel vm14, $0xC7B, v20;
	v21 =	vsel vm14, $0x2C7B, v21  }
0x18: {  	v22 =	vsel vm14, $0x4C7B, v22;
	v23 =	vsel vm14, $0x6C7B, v23;
	v24 =	vsel vm14, $0xC7C, v24  }
0x19: {  	v25 =	vsel vm14, $0x2C7C, v25;
	v26 =	vsel vm14, $0x4C7C, v26;
	v27 =	vsel vm14, $0x6C7C, v27  }
0x1a: {  	v28 =	vsel vm14, $0xC7D, v28;
	v29 =	vsel vm14, $0x2C7D, v29;
	v30 =	vsel vm14, $0x4C7D, v30  }
0x1b: {  	v31 =	vsel vm14, $0x6C7D, v31;
	v32 =	vsel vm14, $0xC7E, v32;
	v33 =	vsel vm14, $0x2C7E, v33  }
0x1c: {  	v34 =	vsel vm14, $0x4C7E, v34;
	v35 =	vsel vm14, $0x6C7E, v35;
	v36 =	vsel vm14, $0xC7F, v36  }
0x1d: {  	v37 =	vsel vm14, $0x2C7F, v37;
	v38 =	vsel vm14, $0x4C7F, v38;
	v39 =	vsel vm14, $0x6C7F, v39  }
0x1e: {  	v0 =	vsel vm13, $0x80, v0;
	v3 =	vsel vm13, $0x4080, v3;
	v7 =	vsel vm13, $0x6080, v7  }
0x1f: {  	v8 =	vsel vm13, $0xCF8, v8;
	v9 =	vsel vm13, $0x2CF8, v9;
	v10 =	vsel vm13, $0x4CF8, v10  }
0x20: {  	v11 =	vsel vm13, $0x6CF8, v11;
	v12 =	vsel vm13, $0xCF9, v12;
	v13 =	vsel vm13, $0x2CF9, v13  }
0x21: {  	v14 =	vsel vm13, $0x4CF9, v14;
	v15 =	vsel vm13, $0x6CF9, v15;
	v16 =	vsel vm13, $0xCFA, v16  }
0x22: {  	v17 =	vsel vm13, $0x2CFA, v17;
	v18 =	vsel vm13, $0x4CFA, v18;
	v19 =	vsel vm13, $0x6CFA, v19  }
0x23: {  	v20 =	vsel vm13, $0xCFB, v20;
	v21 =	vsel vm13, $0x2CFB, v21;
	v22 =	vsel vm13, $0x4CFB, v22  }
0x24: {  	v23 =	vsel vm13, $0x6CFB, v23;
	v24 =	vsel vm13, $0xCFC, v24;
	v25 =	vsel vm13, $0x2CFC, v25  }
0x25: {  	v26 =	vsel vm13, $0x4CFC, v26;
	v27 =	vsel vm13, $0x6CFC, v27;
	v28 =	vsel vm13, $0xCFD, v28  }
0x26: {  	v29 =	vsel vm13, $0x2CFD, v29;
	v30 =	vsel vm13, $0x4CFD, v30;
	v31 =	vsel vm13, $0x6CFD, v31  }
0x27: {  	v32 =	vsel vm13, $0xCFE, v32;
	v33 =	vsel vm13, $0x2CFE, v33;
	v34 =	vsel vm13, $0x4CFE, v34  }
0x28: {  	v35 =	vsel vm13, $0x6CFE, v35;
	v36 =	vsel vm13, $0xCFF, v36;
	v37 =	vsel vm13, $0x2CFF, v37  }
0x29: {  	v38 =	vsel vm13, $0x4CFF, v38;
	v39 =	vsel vm13, $0x6CFF, v39;
	v0 =	vsel vm12, $0x100, v0  }
0x2a: {  	v3 =	vsel vm12, $0x4100, v3;
	v7 =	vsel vm12, $0x6100, v7;
	v8 =	vsel vm12, $0xD78, v8  }
0x2b: {  	v9 =	vsel vm12, $0x2D78, v9;
	v10 =	vsel vm12, $0x4D78, v10;
	v11 =	vsel vm12, $0x6D78, v11  }
0x2c: {  	v12 =	vsel vm12, $0xD79, v12;
	v13 =	vsel vm12, $0x2D79, v13;
	v14 =	vsel vm12, $0x4D79, v14  }
0x2d: {  	v15 =	vsel vm12, $0x6D79, v15;
	v16 =	vsel vm12, $0xD7A, v16;
	v17 =	vsel vm12, $0x2D7A, v17  }
0x2e: {  	v18 =	vsel vm12, $0x4D7A, v18;
	v19 =	vsel vm12, $0x6D7A, v19;
	v20 =	vsel vm12, $0xD7B, v20  }
0x2f: {  	v21 =	vsel vm12, $0x2D7B, v21;
	v22 =	vsel vm12, $0x4D7B, v22;
	v23 =	vsel vm12, $0x6D7B, v23  }
0x30: {  	v24 =	vsel vm12, $0xD7C, v24;
	v25 =	vsel vm12, $0x2D7C, v25;
	v26 =	vsel vm12, $0x4D7C, v26  }
0x31: {  	v27 =	vsel vm12, $0x6D7C, v27;
	v28 =	vsel vm12, $0xD7D, v28;
	v29 =	vsel vm12, $0x2D7D, v29  }
0x32: {  	v30 =	vsel vm12, $0x4D7D, v30;
	v31 =	vsel vm12, $0x6D7D, v31;
	v32 =	vsel vm12, $0xD7E, v32  }
0x33: {  	v33 =	vsel vm12, $0x2D7E, v33;
	v34 =	vsel vm12, $0x4D7E, v34;
	v35 =	vsel vm12, $0x6D7E, v35  }
0x34: {  	v36 =	vsel vm12, $0xD7F, v36;
	v37 =	vsel vm12, $0x2D7F, v37;
	v38 =	vsel vm12, $0x4D7F, v38  }
0x35: {  	v39 =	vsel vm12, $0x6D7F, v39;
	v0 =	vsel vm11, $0x180, v0;
	v3 =	vsel vm11, $0x4180, v3  }
0x36: {  	v7 =	vsel vm11, $0x6180, v7;
	v8 =	vsel vm11, $0xDF8, v8;
	v9 =	vsel vm11, $0x2DF8, v9  }
0x37: {  	v10 =	vsel vm11, $0x4DF8, v10;
	v11 =	vsel vm11, $0x6DF8, v11;
	v12 =	vsel vm11, $0xDF9, v12  }
0x38: {  	v13 =	vsel vm11, $0x2DF9, v13;
	v14 =	vsel vm11, $0x4DF9, v14;
	v15 =	vsel vm11, $0x6DF9, v15  }
0x39: {  	v16 =	vsel vm11, $0xDFA, v16;
	v17 =	vsel vm11, $0x2DFA, v17;
	v18 =	vsel vm11, $0x4DFA, v18  }
0x3a: {  	v19 =	vsel vm11, $0x6DFA, v19;
	v20 =	vsel vm11, $0xDFB, v20;
	v21 =	vsel vm11, $0x2DFB, v21  }
0x3b: {  	v22 =	vsel vm11, $0x4DFB, v22;
	v23 =	vsel vm11, $0x6DFB, v23;
	v24 =	vsel vm11, $0xDFC, v24  }
0x3c: {  	v25 =	vsel vm11, $0x2DFC, v25;
	v26 =	vsel vm11, $0x4DFC, v26;
	v27 =	vsel vm11, $0x6DFC, v27  }
0x3d: {  	v28 =	vsel vm11, $0xDFD, v28;
	v29 =	vsel vm11, $0x2DFD, v29;
	v30 =	vsel vm11, $0x4DFD, v30  }
0x3e: {  	v31 =	vsel vm11, $0x6DFD, v31;
	v32 =	vsel vm11, $0xDFE, v32;
	v33 =	vsel vm11, $0x2DFE, v33  }
0x3f: {  	v34 =	vsel vm11, $0x4DFE, v34;
	v35 =	vsel vm11, $0x6DFE, v35;
	v36 =	vsel vm11, $0xDFF, v36  }
0x40: {  	v37 =	vsel vm11, $0x2DFF, v37;
	v38 =	vsel vm11, $0x4DFF, v38;
	v39 =	vsel vm11, $0x6DFF, v39  }
0x41: {  	v0 =	vsel vm10, $0x200, v0;
	v3 =	vsel vm10, $0x4200, v3;
	v7 =	vsel vm10, $0x6200, v7  }
0x42: {  	v8 =	vsel vm10, $0xE78, v8;
	v9 =	vsel vm10, $0x2E78, v9;
	v10 =	vsel vm10, $0x4E78, v10  }
0x43: {  	v11 =	vsel vm10, $0x6E78, v11;
	v12 =	vsel vm10, $0xE79, v12;
	v13 =	vsel vm10, $0x2E79, v13  }
0x44: {  	v14 =	vsel vm10, $0x4E79, v14;
	v15 =	vsel vm10, $0x6E79, v15;
	v16 =	vsel vm10, $0xE7A, v16  }
0x45: {  	v17 =	vsel vm10, $0x2E7A, v17;
	v18 =	vsel vm10, $0x4E7A, v18;
	v19 =	vsel vm10, $0x6E7A, v19  }
0x46: {  	v20 =	vsel vm10, $0xE7B, v20;
	v21 =	vsel vm10, $0x2E7B, v21;
	v22 =	vsel vm10, $0x4E7B, v22  }
0x47: {  	v23 =	vsel vm10, $0x6E7B, v23;
	v24 =	vsel vm10, $0xE7C, v24;
	v25 =	vsel vm10, $0x2E7C, v25  }
0x48: {  	v26 =	vsel vm10, $0x4E7C, v26;
	v27 =	vsel vm10, $0x6E7C, v27;
	v28 =	vsel vm10, $0xE7D, v28  }
0x49: {  	v29 =	vsel vm10, $0x2E7D, v29;
	v30 =	vsel vm10, $0x4E7D, v30;
	v31 =	vsel vm10, $0x6E7D, v31  }
0x4a: {  	v32 =	vsel vm10, $0xE7E, v32;
	v33 =	vsel vm10, $0x2E7E, v33;
	v34 =	vsel vm10, $0x4E7E, v34  }
0x4b: {  	v35 =	vsel vm10, $0x6E7E, v35;
	v36 =	vsel vm10, $0xE7F, v36;
	v37 =	vsel vm10, $0x2E7F, v37  }
0x4c: {  	v38 =	vsel vm10, $0x4E7F, v38;
	v39 =	vsel vm10, $0x6E7F, v39;
	v0 =	vsel vm9, $0x280, v0  }
0x4d: {  	v3 =	vsel vm9, $0x4280, v3;
	v7 =	vsel vm9, $0x6280, v7;
	v8 =	vsel vm9, $0xEF8, v8  }
0x4e: {  	v9 =	vsel vm9, $0x2EF8, v9;
	v10 =	vsel vm9, $0x4EF8, v10;
	v11 =	vsel vm9, $0x6EF8, v11  }
0x4f: {  	v12 =	vsel vm9, $0xEF9, v12;
	v13 =	vsel vm9, $0x2EF9, v13;
	v14 =	vsel vm9, $0x4EF9, v14  }
0x50: {  	v15 =	vsel vm9, $0x6EF9, v15;
	v16 =	vsel vm9, $0xEFA, v16;
	v17 =	vsel vm9, $0x2EFA, v17  }
0x51: {  	v18 =	vsel vm9, $0x4EFA, v18;
	v19 =	vsel vm9, $0x6EFA, v19;
	v20 =	vsel vm9, $0xEFB, v20  }
0x52: {  	v21 =	vsel vm9, $0x2EFB, v21;
	v22 =	vsel vm9, $0x4EFB, v22;
	v23 =	vsel vm9, $0x6EFB, v23  }
0x53: {  	v24 =	vsel vm9, $0xEFC, v24;
	v25 =	vsel vm9, $0x2EFC, v25;
	v26 =	vsel vm9, $0x4EFC, v26  }
0x54: {  	v27 =	vsel vm9, $0x6EFC, v27;
	v28 =	vsel vm9, $0xEFD, v28;
	v29 =	vsel vm9, $0x2EFD, v29  }
0x55: {  	v30 =	vsel vm9, $0x4EFD, v30;
	v31 =	vsel vm9, $0x6EFD, v31;
	v32 =	vsel vm9, $0xEFE, v32  }
0x56: {  	v33 =	vsel vm9, $0x2EFE, v33;
	v34 =	vsel vm9, $0x4EFE, v34;
	v35 =	vsel vm9, $0x6EFE, v35  }
0x57: {  	v36 =	vsel vm9, $0xEFF, v36;
	v37 =	vsel vm9, $0x2EFF, v37;
	v38 =	vsel vm9, $0x4EFF, v38  }
0x58: {  	v39 =	vsel vm9, $0x6EFF, v39;
	v2 =	vsel vm8, $0x300, v0;
	v0 =	vmul.u32 $0x80, v1  }
0x59: {  	v3 =	vsel vm8, $0x4300, v3;
	v7 =	vsel vm8, $0x6300, v7;
	v8 =	vsel vm8, $0xF78, v8  }
0x5a: {  	v9 =	vsel vm8, $0x2F78, v9;
	v10 =	vsel vm8, $0x4F78, v10;
	v11 =	vsel vm8, $0x6F78, v11  }
0x5b: {  	v12 =	vsel vm8, $0xF79, v12;
	v13 =	vsel vm8, $0x2F79, v13;
	v14 =	vsel vm8, $0x4F79, v14  }
0x5c: {  	v15 =	vsel vm8, $0x6F79, v15;
	v16 =	vsel vm8, $0xF7A, v16;
	v17 =	vsel vm8, $0x2F7A, v17  }
0x5d: {  	v18 =	vsel vm8, $0x4F7A, v18;
	v19 =	vsel vm8, $0x6F7A, v19;
	v20 =	vsel vm8, $0xF7B, v20  }
0x5e: {  	v21 =	vsel vm8, $0x2F7B, v21;
	v22 =	vsel vm8, $0x4F7B, v22;
	v23 =	vsel vm8, $0x6F7B, v23  }
0x5f: {  	v24 =	vsel vm8, $0xF7C, v24;
	v25 =	vsel vm8, $0x2F7C, v25;
	v26 =	vsel vm8, $0x4F7C, v26  }
0x60: {  	v27 =	vsel vm8, $0x6F7C, v27;
	v28 =	vsel vm8, $0xF7D, v28;
	v29 =	vsel vm8, $0x2F7D, v29  }
0x61: {  	v30 =	vsel vm8, $0x4F7D, v30;
	v31 =	vsel vm8, $0x6F7D, v31;
	v32 =	vsel vm8, $0xF7E, v32  }
0x62: {  	v33 =	vsel vm8, $0x2F7E, v33;
	v34 =	vsel vm8, $0x4F7E, v34;
	v35 =	vsel vm8, $0x6F7E, v35  }
0x63: {  	v36 =	vsel vm8, $0xF7F, v36;
	v37 =	vsel vm8, $0x2F7F, v37;
	v38 =	vsel vm8, $0x4F7F, v38  }
0x64: {  	v39 =	vsel vm8, $0x6F7F, v39;
	v1 =	vsel vm6, $0x380, v2;
	v2 =	vimm.s32 $0x3380  }
0x65: {  	v3 =	vsel vm6, $0x4380, v3;
	v7 =	vsel vm6, $0x6380, v7;
	v8 =	vsel vm6, $0xFF8, v8  }
0x66: {  	v9 =	vsel vm6, $0x2FF8, v9;
	v10 =	vsel vm6, $0x4FF8, v10;
	v11 =	vsel vm6, $0x6FF8, v11  }
0x67: {  	v12 =	vsel vm6, $0xFF9, v12;
	v13 =	vsel vm6, $0x2FF9, v13;
	v14 =	vsel vm6, $0x4FF9, v14  }
0x68: {  	v15 =	vsel vm6, $0x6FF9, v15;
	v16 =	vsel vm6, $0xFFA, v16;
	v17 =	vsel vm6, $0x2FFA, v17  }
0x69: {  	v18 =	vsel vm6, $0x4FFA, v18;
	v19 =	vsel vm6, $0x6FFA, v19;
	v20 =	vsel vm6, $0xFFB, v20  }
0x6a: {  	v21 =	vsel vm6, $0x2FFB, v21;
	v22 =	vsel vm6, $0x4FFB, v22;
	v23 =	vsel vm6, $0x6FFB, v23  }
0x6b: {  	v24 =	vsel vm6, $0xFFC, v24;
	v25 =	vsel vm6, $0x2FFC, v25;
	v26 =	vsel vm6, $0x4FFC, v26  }
0x6c: {  	v27 =	vsel vm6, $0x6FFC, v27;
	v28 =	vsel vm6, $0xFFD, v28;
	v29 =	vsel vm6, $0x2FFD, v29  }
0x6d: {  	v30 =	vsel vm6, $0x4FFD, v30;
	v31 =	vsel vm6, $0x6FFD, v31;
	v32 =	vsel vm6, $0xFFE, v32  }
0x6e: {  	v33 =	vsel vm6, $0x2FFE, v33;
	v34 =	vsel vm6, $0x4FFE, v34;
	v35 =	vsel vm6, $0x6FFE, v35  }
0x6f: {  	v36 =	vsel vm6, $0xFFF, v36;
	v37 =	vsel vm6, $0x2FFF, v37;
	v38 =	vsel vm6, $0x4FFF, v38  }
0x70: {  	v39 =	vsel vm6, $0x6FFF, v39;
	v2 =	vsel vm14, $0x2000, v2;
	v1 =	vsel vm0, $0x1000, v1  }
0x71: {  	v3 =	vsel vm0, $0x5000, v3;
	v6 =	vor.u32 $0x1800, v0;
	v7 =	vsel vm0, $0x7000, v7  }
0x72: {  	v8 =	vsel vm0, $0x1C78, v8;
	v9 =	vsel vm0, $0x3C78, v9;
	v10 =	vsel vm0, $0x5C78, v10  }
0x73: {  	v11 =	vsel vm0, $0x7C78, v11;
	v12 =	vsel vm0, $0x1C79, v12;
	v13 =	vsel vm0, $0x3C79, v13  }
0x74: {  	v14 =	vsel vm0, $0x5C79, v14;
	v15 =	vsel vm0, $0x7C79, v15;
	v16 =	vsel vm0, $0x1C7A, v16  }
0x75: {  	v17 =	vsel vm0, $0x3C7A, v17;
	v18 =	vsel vm0, $0x5C7A, v18;
	v19 =	vsel vm0, $0x7C7A, v19  }
0x76: {  	v20 =	vsel vm0, $0x1C7B, v20;
	v21 =	vsel vm0, $0x3C7B, v21;
	v22 =	vsel vm0, $0x5C7B, v22  }
0x77: {  	v23 =	vsel vm0, $0x7C7B, v23;
	v24 =	vsel vm0, $0x1C7C, v24;
	v25 =	vsel vm0, $0x3C7C, v25  }
0x78: {  	v26 =	vsel vm0, $0x5C7C, v26;
	v27 =	vsel vm0, $0x7C7C, v27;
	v28 =	vsel vm0, $0x1C7D, v28  }
0x79: {  	v29 =	vsel vm0, $0x3C7D, v29;
	v30 =	vsel vm0, $0x5C7D, v30;
	v31 =	vsel vm0, $0x7C7D, v31  }
0x7a: {  	v32 =	vsel vm0, $0x1C7E, v32;
	v33 =	vsel vm0, $0x3C7E, v33;
	v34 =	vsel vm0, $0x5C7E, v34  }
0x7b: {  	v35 =	vsel vm0, $0x7C7E, v35;
	v36 =	vsel vm0, $0x1C7F, v36;
	v37 =	vsel vm0, $0x3C7F, v37  }
0x7c: {  	v38 =	vsel vm0, $0x5C7F, v38;
	v39 =	vsel vm0, $0x7C7F, v39;
	v2 =	vsel vm13, $0x2080, v2  }
0x7d: {  	v1 =	vsel vm1, $0x1080, v1;
	v3 =	vsel vm1, $0x5080, v3;
	v7 =	vsel vm1, $0x7080, v7  }
0x7e: {  	v8 =	vsel vm1, $0x1CF8, v8;
	v9 =	vsel vm1, $0x3CF8, v9;
	v10 =	vsel vm1, $0x5CF8, v10  }
0x7f: {  	v11 =	vsel vm1, $0x7CF8, v11;
	v12 =	vsel vm1, $0x1CF9, v12;
	v13 =	vsel vm1, $0x3CF9, v13  }
0x80: {  	v14 =	vsel vm1, $0x5CF9, v14;
	v15 =	vsel vm1, $0x7CF9, v15;
	v16 =	vsel vm1, $0x1CFA, v16  }
0x81: {  	v17 =	vsel vm1, $0x3CFA, v17;
	v18 =	vsel vm1, $0x5CFA, v18;
	v19 =	vsel vm1, $0x7CFA, v19  }
0x82: {  	v20 =	vsel vm1, $0x1CFB, v20;
	v21 =	vsel vm1, $0x3CFB, v21;
	v22 =	vsel vm1, $0x5CFB, v22  }
0x83: {  	v23 =	vsel vm1, $0x7CFB, v23;
	v24 =	vsel vm1, $0x1CFC, v24;
	v25 =	vsel vm1, $0x3CFC, v25  }
0x84: {  	v26 =	vsel vm1, $0x5CFC, v26;
	v27 =	vsel vm1, $0x7CFC, v27;
	v28 =	vsel vm1, $0x1CFD, v28  }
0x85: {  	v29 =	vsel vm1, $0x3CFD, v29;
	v30 =	vsel vm1, $0x5CFD, v30;
	v31 =	vsel vm1, $0x7CFD, v31  }
0x86: {  	v32 =	vsel vm1, $0x1CFE, v32;
	v33 =	vsel vm1, $0x3CFE, v33;
	v34 =	vsel vm1, $0x5CFE, v34  }
0x87: {  	v35 =	vsel vm1, $0x7CFE, v35;
	v36 =	vsel vm1, $0x1CFF, v36;
	v37 =	vsel vm1, $0x3CFF, v37  }
0x88: {  	v38 =	vsel vm1, $0x5CFF, v38;
	v39 =	vsel vm1, $0x7CFF, v39;
	v2 =	vsel vm12, $0x2100, v2  }
0x89: {  	v1 =	vsel vm2, $0x1100, v1;
	v3 =	vsel vm2, $0x5100, v3;
	v7 =	vsel vm2, $0x7100, v7  }
0x8a: {  	v8 =	vsel vm2, $0x1D78, v8;
	v9 =	vsel vm2, $0x3D78, v9;
	v10 =	vsel vm2, $0x5D78, v10  }
0x8b: {  	v11 =	vsel vm2, $0x7D78, v11;
	v12 =	vsel vm2, $0x1D79, v12;
	v13 =	vsel vm2, $0x3D79, v13  }
0x8c: {  	v14 =	vsel vm2, $0x5D79, v14;
	v15 =	vsel vm2, $0x7D79, v15;
	v16 =	vsel vm2, $0x1D7A, v16  }
0x8d: {  	v17 =	vsel vm2, $0x3D7A, v17;
	v18 =	vsel vm2, $0x5D7A, v18;
	v19 =	vsel vm2, $0x7D7A, v19  }
0x8e: {  	v20 =	vsel vm2, $0x1D7B, v20;
	v21 =	vsel vm2, $0x3D7B, v21;
	v22 =	vsel vm2, $0x5D7B, v22  }
0x8f: {  	v23 =	vsel vm2, $0x7D7B, v23;
	v24 =	vsel vm2, $0x1D7C, v24;
	v25 =	vsel vm2, $0x3D7C, v25  }
0x90: {  	v26 =	vsel vm2, $0x5D7C, v26;
	v27 =	vsel vm2, $0x7D7C, v27;
	v28 =	vsel vm2, $0x1D7D, v28  }
0x91: {  	v29 =	vsel vm2, $0x3D7D, v29;
	v30 =	vsel vm2, $0x5D7D, v30;
	v31 =	vsel vm2, $0x7D7D, v31  }
0x92: {  	v32 =	vsel vm2, $0x1D7E, v32;
	v33 =	vsel vm2, $0x3D7E, v33;
	v34 =	vsel vm2, $0x5D7E, v34  }
0x93: {  	v35 =	vsel vm2, $0x7D7E, v35;
	v36 =	vsel vm2, $0x1D7F, v36;
	v37 =	vsel vm2, $0x3D7F, v37  }
0x94: {  	v38 =	vsel vm2, $0x5D7F, v38;
	v39 =	vsel vm2, $0x7D7F, v39;
	v2 =	vsel vm11, $0x2180, v2  }
0x95: {  	v1 =	vsel vm3, $0x1180, v1;
	v3 =	vsel vm3, $0x5180, v3;
	v7 =	vsel vm3, $0x7180, v7  }
0x96: {  	v8 =	vsel vm3, $0x1DF8, v8;
	v9 =	vsel vm3, $0x3DF8, v9;
	v10 =	vsel vm3, $0x5DF8, v10  }
0x97: {  	v11 =	vsel vm3, $0x7DF8, v11;
	v12 =	vsel vm3, $0x1DF9, v12;
	v13 =	vsel vm3, $0x3DF9, v13  }
0x98: {  	v14 =	vsel vm3, $0x5DF9, v14;
	v15 =	vsel vm3, $0x7DF9, v15;
	v16 =	vsel vm3, $0x1DFA, v16  }
0x99: {  	v17 =	vsel vm3, $0x3DFA, v17;
	v18 =	vsel vm3, $0x5DFA, v18;
	v19 =	vsel vm3, $0x7DFA, v19  }
0x9a: {  	v20 =	vsel vm3, $0x1DFB, v20;
	v21 =	vsel vm3, $0x3DFB, v21;
	v22 =	vsel vm3, $0x5DFB, v22  }
0x9b: {  	v23 =	vsel vm3, $0x7DFB, v23;
	v24 =	vsel vm3, $0x1DFC, v24;
	v25 =	vsel vm3, $0x3DFC, v25  }
0x9c: {  	v26 =	vsel vm3, $0x5DFC, v26;
	v27 =	vsel vm3, $0x7DFC, v27;
	v28 =	vsel vm3, $0x1DFD, v28  }
0x9d: {  	v29 =	vsel vm3, $0x3DFD, v29;
	v30 =	vsel vm3, $0x5DFD, v30;
	v31 =	vsel vm3, $0x7DFD, v31  }
0x9e: {  	v32 =	vsel vm3, $0x1DFE, v32;
	v33 =	vsel vm3, $0x3DFE, v33;
	v34 =	vsel vm3, $0x5DFE, v34  }
0x9f: {  	v35 =	vsel vm3, $0x7DFE, v35;
	v36 =	vsel vm3, $0x1DFF, v36;
	v37 =	vsel vm3, $0x3DFF, v37  }
0xa0: {  	v38 =	vsel vm3, $0x5DFF, v38;
	v39 =	vsel vm3, $0x7DFF, v39;
	v2 =	vsel vm10, $0x2200, v2  }
0xa1: {  	v1 =	vsel vm4, $0x1200, v1;
	v5 =	vsel vm4, $0x5200, v3;
	v7 =	vsel vm4, $0x7200, v7  }
0xa2: {  	v8 =	vsel vm4, $0x1E78, v8;
	v9 =	vsel vm4, $0x3E78, v9;
	v10 =	vsel vm4, $0x5E78, v10  }
0xa3: {  	v11 =	vsel vm4, $0x7E78, v11;
	v12 =	vsel vm4, $0x1E79, v12;
	v13 =	vsel vm4, $0x3E79, v13  }
0xa4: {  	v14 =	vsel vm4, $0x5E79, v14;
	v15 =	vsel vm4, $0x7E79, v15;
	v16 =	vsel vm4, $0x1E7A, v16  }
0xa5: {  	v17 =	vsel vm4, $0x3E7A, v17;
	v18 =	vsel vm4, $0x5E7A, v18;
	v19 =	vsel vm4, $0x7E7A, v19  }
0xa6: {  	v20 =	vsel vm4, $0x1E7B, v20;
	v21 =	vsel vm4, $0x3E7B, v21;
	v22 =	vsel vm4, $0x5E7B, v22  }
0xa7: {  	v23 =	vsel vm4, $0x7E7B, v23;
	v24 =	vsel vm4, $0x1E7C, v24;
	v25 =	vsel vm4, $0x3E7C, v25  }
0xa8: {  	v26 =	vsel vm4, $0x5E7C, v26;
	v27 =	vsel vm4, $0x7E7C, v27;
	v28 =	vsel vm4, $0x1E7D, v28  }
0xa9: {  	v29 =	vsel vm4, $0x3E7D, v29;
	v30 =	vsel vm4, $0x5E7D, v30;
	v31 =	vsel vm4, $0x7E7D, v31  }
0xaa: {  	v32 =	vsel vm4, $0x1E7E, v32;
	v33 =	vsel vm4, $0x3E7E, v33;
	v34 =	vsel vm4, $0x5E7E, v34  }
0xab: {  	v35 =	vsel vm4, $0x7E7E, v35;
	v36 =	vsel vm4, $0x1E7F, v36;
	v37 =	vsel vm4, $0x3E7F, v37  }
0xac: {  	v38 =	vsel vm4, $0x5E7F, v38;
	v39 =	vsel vm4, $0x7E7F, v39;
	v2 =	vsel vm9, $0x2280, v2  }
0xad: {  	v1 =	vsel vm5, $0x1280, v1;
	v5 =	vsel vm5, $0x5280, v5;
	v7 =	vsel vm5, $0x7280, v7  }
0xae: {  	v8 =	vsel vm5, $0x1EF8, v8;
	v9 =	vsel vm5, $0x3EF8, v9;
	v10 =	vsel vm5, $0x5EF8, v10  }
0xaf: {  	v11 =	vsel vm5, $0x7EF8, v11;
	v12 =	vsel vm5, $0x1EF9, v12;
	v13 =	vsel vm5, $0x3EF9, v13  }
0xb0: {  	v14 =	vsel vm5, $0x5EF9, v14;
	v15 =	vsel vm5, $0x7EF9, v15;
	v16 =	vsel vm5, $0x1EFA, v16  }
0xb1: {  	v17 =	vsel vm5, $0x3EFA, v17;
	v18 =	vsel vm5, $0x5EFA, v18;
	v19 =	vsel vm5, $0x7EFA, v19  }
0xb2: {  	v20 =	vsel vm5, $0x1EFB, v20;
	v21 =	vsel vm5, $0x3EFB, v21;
	v22 =	vsel vm5, $0x5EFB, v22  }
0xb3: {  	v23 =	vsel vm5, $0x7EFB, v23;
	v24 =	vsel vm5, $0x1EFC, v24;
	v25 =	vsel vm5, $0x3EFC, v25  }
0xb4: {  	v26 =	vsel vm5, $0x5EFC, v26;
	v27 =	vsel vm5, $0x7EFC, v27;
	v28 =	vsel vm5, $0x1EFD, v28  }
0xb5: {  	v29 =	vsel vm5, $0x3EFD, v29;
	v30 =	vsel vm5, $0x5EFD, v30;
	v31 =	vsel vm5, $0x7EFD, v31  }
0xb6: {  	v32 =	vsel vm5, $0x1EFE, v32;
	v33 =	vsel vm5, $0x3EFE, v33;
	v34 =	vsel vm5, $0x5EFE, v34  }
0xb7: {  	v35 =	vsel vm5, $0x7EFE, v35;
	v36 =	vsel vm5, $0x1EFF, v36;
	v37 =	vsel vm5, $0x3EFF, v37  }
0xb8: {  	s1 =	rddreg [dreg:$0x0];
	v38 =	vsel vm5, $0x5EFF, v38;
	v39 =	vsel vm5, $0x7EFF, v39;
	v2 =	vsel vm8, $0x2300, v2  }
0xb9: {  	s0 =	rddreg [dreg:$0x1];
	v1 =	vsel vm7, $0x1300, v1;
	v5 =	vsel vm7, $0x5300, v5;
	v7 =	vsel vm7, $0x7300, v7  }
0xba: {  	s2 =	rddreg [dreg:$0x2];
	s3 =	srdreg.scid;
	v8 =	vsel vm7, $0x1F78, v8;
	v9 =	vsel vm7, $0x3F78, v9;
	v10 =	vsel vm7, $0x5F78, v10  }
0xbb: {  	s4 =	stileid.u32;
	s6 =	simm.s32 $0x0;
	s8 =	simm.s32 $0x7A1400;
	v11 =	vsel vm7, $0x7F78, v11;
	v12 =	vsel vm7, $0x1F79, v12;
	v13 =	vsel vm7, $0x3F79, v13  }
0xbc: {  	s9 =	simm.s32 $0x400;
	s10 =	simm.s32 $0x200;
	s11 =	simm.s32 $0x2200;
	v14 =	vsel vm7, $0x5F79, v14;
	v15 =	vsel vm7, $0x7F79, v15;
	v16 =	vsel vm7, $0x1F7A, v16  }
0xbd: {  	s12 =	simm.s32 $0x4200;
	s13 =	simm.s32 $0x6200;
	s14 =	simm.s32 $0x8200;
	v17 =	vsel vm7, $0x3F7A, v17;
	v18 =	vsel vm7, $0x5F7A, v18;
	v19 =	vsel vm7, $0x7F7A, v19  }
0xbe: {  	s15 =	simm.s32 $0xA200;
	s16 =	simm.s32 $0xC200;
	s17 =	simm.s32 $0xE200;
	v20 =	vsel vm7, $0x1F7B, v20;
	v21 =	vsel vm7, $0x3F7B, v21;
	v22 =	vsel vm7, $0x5F7B, v22  }
0xbf: {  	s18 =	simm.s32 $0x1;
	s19 =	simm.s32 $0x10200;
	s20 =	simm.s32 $0x2;
	v23 =	vsel vm7, $0x7F7B, v23;
	v24 =	vsel vm7, $0x1F7C, v24;
	v25 =	vsel vm7, $0x3F7C, v25  }
0xc0: {  	s21 =	simm.s32 $0x3;
	s22 =	simm.s32 $0x4;
	s23 =	simm.s32 $0x5;
	v26 =	vsel vm7, $0x5F7C, v26;
	v27 =	vsel vm7, $0x7F7C, v27;
	v2 =	vsel vm6, $0x2380, v2  }
0xc1: {  	s24 =	simm.s32 $0x6;
	s25 =	simm.s32 $0x7;
	s3 =	sand.u32 $0x1, s3;
	v28 =	vsel vm7, $0x1F7D, v28;
	v29 =	vsel vm7, $0x3F7D, v29;
	v2 =	vsel vm0, $0x3000, v2  }
0xc2: {  	s4 =	sshll.u32 s4, $0xA;
	[smem:$0x7FF] =	sst s6;
	s5 =	sshll.u32 s3, $0x9;
	v30 =	vsel vm7, $0x5F7D, v30;
	v31 =	vsel vm7, $0x7F7D, v31;
	v2 =	vsel vm1, $0x3080, v2  }
0xc3: {  	s3 =	ssub.s32 $0x2, s3;
	_ =	strace $0x80000047;
	s4 =	sor.u32 s5, s4;
	v32 =	vsel vm7, $0x1F7E, v32;
	v33 =	vsel vm7, $0x3F7E, v33;
	v2 =	vsel vm2, $0x3100, v2  }
0xc4: {  	s26 =	sshrl.u32 s3, $0x1;
	s28 =	sshrl.u32 s4, $0x3;
	s29 =	sadd.s32 s2, s4;
	v34 =	vsel vm7, $0x5F7E, v34;
	v35 =	vsel vm7, $0x7F7E, v35;
	v2 =	vsel vm3, $0x3180, v2  }
0xc5: {  	s3 =	ssub.s32 s3, s26;
	s1 =	sadd.s32 s1, s28;
	[dreg:$0x5] =	wrdreg s29;
	v36 =	vsel vm7, $0x1F7F, v36;
	v37 =	vsel vm7, $0x3F7F, v37;
	v2 =	vsel vm4, $0x3200, v2  }
0xc6: {  	s30 =	simm.s32 $0x0;
	s31 =	smax.u32 s3, $0x1;
	[dreg:$0x4] =	wrdreg s1;
	v38 =	vsel vm7, $0x5F7F, v38;
	v39 =	vsel vm7, $0x7F7F, v39;
	v4 =	vsel vm5, $0x3280, v2  }
0xc7: {  	s26 =	simm.s32 $0x8;
	s3 =	simm.s32 $0x9;
	[dreg:$0x6] =	wrdreg s31;
	v2 =	vor.u32 $0x800, v0;
	v3 =	vsel vm7, $0x3300, v4;
	v4 =	vor.u32 $0x1000, v0  }
.LBB2_1:
0xc8: {  	s1 =	simm.s32 $0x0;
	s2 =	rddreg [dreg:$0x4]  }
0xc9: {  	[tilespmem:s1], [sflag:$0x9] =	stream.linear.gather [hbm4b:s2+s1], $0x200, $0x38;
	[tilespmem:$0x18200] =	vst v63  }
0xca: {  	_ =	swait.ge [sflag:s3], $0x200  }
0xcb: {  	[sflag:s3] =	ssyncset.done $0x0  }
0xcc: {  	s31 =	simm.s32 $0x0;
	s1 =	simm.s32 $0x0;
	[sflag:s3] =	ssyncadd.s32 $0xFFFFFE00  }
.LBB2_2:
0xcd: {  	v40 =	vld [tilespmem:s31+$0x0];
	_ =	sdelay $0x4  }
0xce: {  	(v2sf) =	vpush v40, $0x0;
	_ =	sdelay $0xe  }
0xcf: {  	p0 =	seq.s32 s1, $0x0;
	s2 =	spop (v2sf)  }
0xd0: {  	_ =	swait.ge @!p0 [sflag:s18], $0x2000  }
0xd1: {  	[sflag:s18] =	ssyncset.done @!p0 $0x0  }
0xd2: {  	[sflag:s18] =	ssyncadd.s32 @!p0 $0xFFFFE000  }
0xd3: {  	s3 =	sld @!p0 [smem:$0x0];
	_ =	sdelay $0x2  }
0xd4: {  	s4 =	sadd.s32 @!p0 $0xFFFFFFF8, s1;
	v41 =	vadd.s32 @!p0 s3, v0  }
0xd5: {  	v42 =	vmov @!p0 s4  }
0xd6: {  	v43 =	vshll.u32 @!p0 v42, $0x3  }
0xd7: {  	v42 =	vand.u32 @!p0 $0x78, v42;
	v43 =	vand.u32 @!p0 $0xFFFFFC00, v43  }
0xd8: {  	v42 =	vor.u32 @!p0 v42, v43  }
0xd9: {  	v43 =	vadd.s32 @!p0 v1, v42;
	v41 =	vld.idx.msk @!p0 [tilespmem:v41+s10+$0x0], $0xffff  }
0xda: {  	v44 =	vadd.s32 @!p0 s3, v2;
	_ =	sdelay $0x3  }
0xdb: {  	[tilespmem:v43+s19+$0x0] =	vst.idx.msk @!p0 $0xffff, v41  }
0xdc: {  	v43 =	vadd.s32 @!p0 v3, v42;
	v41 =	vld.idx.msk @!p0 [tilespmem:v44+s10+$0x0], $0xffff  }
0xdd: {  	v44 =	vadd.s32 @!p0 s3, v4;
	_ =	sdelay $0x3  }
0xde: {  	(v2sf) =	vpush v40, $0x1;
	[tilespmem:v43+s19+$0x0] =	vst.idx.msk @!p0 $0xffff, v41  }
0xdf: {  	v43 =	vadd.s32 @!p0 v5, v42;
	v41 =	vld.idx.msk @!p0 [tilespmem:v44+s10+$0x0], $0xffff  }
0xe0: {  	v44 =	vadd.s32 @!p0 s3, v6;
	_ =	sdelay $0x3  }
0xe1: {  	[tilespmem:v43+s19+$0x0] =	vst.idx.msk @!p0 $0xffff, v41  }
0xe2: {  	v42 =	vadd.s32 @!p0 v7, v42;
	v41 =	vld.idx.msk @!p0 [tilespmem:v44+s10+$0x0], $0xffff;
	_ =	sdelay $0x3  }
0xe3: {  	s6 =	sand.u32 $0xFFFFF80, s2  }
0xe4: {  	s3 =	sadd.s32 s0, s6;
	[tilespmem:v42+s19+$0x0] =	vst.idx.msk @!p0 $0xffff, v41  }
0xe5: {  	[tilespmem:s10], [sflag:$0x1] =	stream.strided.gather [hbm4b:s3+s9], $0x2000, s8, s9, $0x38;
	[tilespmem:$0x18200] =	vst v63  }
0xe6: {  	s3 =	sand.u32 $0x7F, s2  }
0xe7: {  	s7 =	spop (v2sf);
	[smem:$0x0] =	sst s3  }
0xe8: {  	_ =	swait.ge @!p0 [sflag:s20], $0x2000  }
0xe9: {  	[sflag:s20] =	ssyncset.done @!p0 $0x0  }
0xea: {  	[sflag:s20] =	ssyncadd.s32 @!p0 $0xFFFFE000  }
0xeb: {  	s4 =	sld @!p0 [smem:$0x1];
	_ =	sdelay $0x2  }
0xec: {  	s5 =	sadd.s32 @!p0 $0xFFFFFFF9, s1;
	v41 =	vadd.s32 @!p0 s4, v0  }
0xed: {  	v42 =	vmov @!p0 s5  }
0xee: {  	v43 =	vshll.u32 @!p0 v42, $0x3  }
0xef: {  	v42 =	vand.u32 @!p0 $0x79, v42;
	v43 =	vand.u32 @!p0 $0xFFFFFC00, v43  }
0xf0: {  	v42 =	vor.u32 @!p0 v42, v43  }
0xf1: {  	v43 =	vadd.s32 @!p0 v1, v42;
	v41 =	vld.idx.msk @!p0 [tilespmem:v41+s11+$0x0], $0xffff  }
0xf2: {  	v44 =	vadd.s32 @!p0 s4, v2;
	_ =	sdelay $0x3  }
0xf3: {  	[tilespmem:v43+s19+$0x0] =	vst.idx.msk @!p0 $0xffff, v41  }
0xf4: {  	v43 =	vadd.s32 @!p0 v3, v42;
	v41 =	vld.idx.msk @!p0 [tilespmem:v44+s11+$0x0], $0xffff  }
0xf5: {  	v44 =	vadd.s32 @!p0 s4, v4  }
0xf6: {  	(v2sf) =	vpush v40, $0x2;
	_ =	sdelay $0x2  }
0xf7: {  	[tilespmem:v43+s19+$0x0] =	vst.idx.msk @!p0 $0xffff, v41  }
0xf8: {  	v43 =	vadd.s32 @!p0 v5, v42;
	v41 =	vld.idx.msk @!p0 [tilespmem:v44+s11+$0x0], $0xffff  }
0xf9: {  	v44 =	vadd.s32 @!p0 s4, v6;
	_ =	sdelay $0x3  }
0xfa: {  	[tilespmem:v43+s19+$0x0] =	vst.idx.msk @!p0 $0xffff, v41  }
0xfb: {  	v42 =	vadd.s32 @!p0 v7, v42;
	v41 =	vld.idx.msk @!p0 [tilespmem:v44+s11+$0x0], $0xffff;
	_ =	sdelay $0x2  }
0xfc: {  	s28 =	sand.u32 $0xFFFFF80, s7  }
0xfd: {  	s4 =	sadd.s32 s0, s28;
	s28 =	sand.u32 $0x7F, s7  }
0xfe: {  	s29 =	spop (v2sf);
	[smem:$0x1] =	sst s28;
	[tilespmem:v42+s19+$0x0] =	vst.idx.msk @!p0 $0xffff, v41  }
0xff: {  	[tilespmem:s11], [sflag:$0x2] =	stream.strided.gather [hbm4b:s4+s9], $0x2000, s8, s9, $0x38;
	[tilespmem:$0x18200] =	vst v63  }
0x100: {  	_ =	swait.ge @!p0 [sflag:s21], $0x2000  }
0x101: {  	[sflag:s21] =	ssyncset.done @!p0 $0x0  }
0x102: {  	[sflag:s21] =	ssyncadd.s32 @!p0 $0xFFFFE000  }
0x103: {  	s4 =	sld @!p0 [smem:$0x2];
	_ =	sdelay $0x2  }
0x104: {  	s5 =	sadd.s32 @!p0 $0xFFFFFFFA, s1;
	v41 =	vadd.s32 @!p0 s4, v0  }
0x105: {  	v42 =	vmov @!p0 s5  }
0x106: {  	v43 =	vshll.u32 @!p0 v42, $0x3  }
0x107: {  	v42 =	vand.u32 @!p0 $0x7A, v42;
	v43 =	vand.u32 @!p0 $0xFFFFFC00, v43  }
0x108: {  	v42 =	vor.u32 @!p0 v42, v43  }
0x109: {  	v43 =	vadd.s32 @!p0 v1, v42;
	v41 =	vld.idx.msk @!p0 [tilespmem:v41+s12+$0x0], $0xffff  }
0x10a: {  	v44 =	vadd.s32 @!p0 s4, v2;
	_ =	sdelay $0x3  }
0x10b: {  	[tilespmem:v43+s19+$0x0] =	vst.idx.msk @!p0 $0xffff, v41  }
0x10c: {  	v43 =	vadd.s32 @!p0 v3, v42;
	v41 =	vld.idx.msk @!p0 [tilespmem:v44+s12+$0x0], $0xffff  }
0x10d: {  	v44 =	vadd.s32 @!p0 s4, v4  }
0x10e: {  	(v2sf) =	vpush v40, $0x3;
	_ =	sdelay $0x2  }
0x10f: {  	[tilespmem:v43+s19+$0x0] =	vst.idx.msk @!p0 $0xffff, v41  }
0x110: {  	v43 =	vadd.s32 @!p0 v5, v42;
	v41 =	vld.idx.msk @!p0 [tilespmem:v44+s12+$0x0], $0xffff  }
0x111: {  	v44 =	vadd.s32 @!p0 s4, v6;
	_ =	sdelay $0x3  }
0x112: {  	[tilespmem:v43+s19+$0x0] =	vst.idx.msk @!p0 $0xffff, v41  }
0x113: {  	v42 =	vadd.s32 @!p0 v7, v42;
	v41 =	vld.idx.msk @!p0 [tilespmem:v44+s12+$0x0], $0xffff;
	_ =	sdelay $0x3  }
0x114: {  	s6 =	sand.u32 $0xFFFFF80, s29;
	s29 =	sand.u32 $0x7F, s29  }
0x115: {  	[smem:$0x2] =	sst s29;
	s7 =	spop (v2sf);
	s4 =	sadd.s32 s0, s6;
	[tilespmem:v42+s19+$0x0] =	vst.idx.msk @!p0 $0xffff, v41  }
0x116: {  	[tilespmem:s12], [sflag:$0x3] =	stream.strided.gather [hbm4b:s4+s9], $0x2000, s8, s9, $0x38;
	[tilespmem:$0x18200] =	vst v63  }
0x117: {  	_ =	swait.ge @!p0 [sflag:s22], $0x2000  }
0x118: {  	[sflag:s22] =	ssyncset.done @!p0 $0x0  }
0x119: {  	[sflag:s22] =	ssyncadd.s32 @!p0 $0xFFFFE000  }
0x11a: {  	s4 =	sld @!p0 [smem:$0x3];
	_ =	sdelay $0x2  }
0x11b: {  	s5 =	sadd.s32 @!p0 $0xFFFFFFFB, s1;
	v41 =	vadd.s32 @!p0 s4, v0  }
0x11c: {  	v42 =	vmov @!p0 s5  }
0x11d: {  	v43 =	vshll.u32 @!p0 v42, $0x3  }
0x11e: {  	v42 =	vand.u32 @!p0 $0x7B, v42;
	v43 =	vand.u32 @!p0 $0xFFFFFC00, v43  }
0x11f: {  	v42 =	vor.u32 @!p0 v42, v43  }
0x120: {  	v43 =	vadd.s32 @!p0 v1, v42;
	v41 =	vld.idx.msk @!p0 [tilespmem:v41+s13+$0x0], $0xffff  }
0x121: {  	v44 =	vadd.s32 @!p0 s4, v2;
	_ =	sdelay $0x3  }
0x122: {  	[tilespmem:v43+s19+$0x0] =	vst.idx.msk @!p0 $0xffff, v41  }
0x123: {  	v43 =	vadd.s32 @!p0 v3, v42;
	v41 =	vld.idx.msk @!p0 [tilespmem:v44+s13+$0x0], $0xffff  }
0x124: {  	v44 =	vadd.s32 @!p0 s4, v4  }
0x125: {  	(v2sf) =	vpush v40, $0x4;
	_ =	sdelay $0x2  }
0x126: {  	[tilespmem:v43+s19+$0x0] =	vst.idx.msk @!p0 $0xffff, v41  }
0x127: {  	v43 =	vadd.s32 @!p0 v5, v42;
	v41 =	vld.idx.msk @!p0 [tilespmem:v44+s13+$0x0], $0xffff  }
0x128: {  	v44 =	vadd.s32 @!p0 s4, v6;
	_ =	sdelay $0x3  }
0x129: {  	[tilespmem:v43+s19+$0x0] =	vst.idx.msk @!p0 $0xffff, v41  }
0x12a: {  	v42 =	vadd.s32 @!p0 v7, v42;
	v41 =	vld.idx.msk @!p0 [tilespmem:v44+s13+$0x0], $0xffff;
	_ =	sdelay $0x3  }
0x12b: {  	s2 =	sand.u32 $0x7F, s7;
	s6 =	sand.u32 $0xFFFFF80, s7  }
0x12c: {  	[smem:$0x3] =	sst s2;
	s7 =	spop (v2sf);
	s4 =	sadd.s32 s0, s6;
	[tilespmem:v42+s19+$0x0] =	vst.idx.msk @!p0 $0xffff, v41  }
0x12d: {  	[tilespmem:s13], [sflag:$0x4] =	stream.strided.gather [hbm4b:s4+s9], $0x2000, s8, s9, $0x38;
	[tilespmem:$0x18200] =	vst v63  }
0x12e: {  	_ =	swait.ge @!p0 [sflag:s23], $0x2000  }
0x12f: {  	[sflag:s23] =	ssyncset.done @!p0 $0x0  }
0x130: {  	[sflag:s23] =	ssyncadd.s32 @!p0 $0xFFFFE000  }
0x131: {  	s4 =	sld @!p0 [smem:$0x4];
	_ =	sdelay $0x2  }
0x132: {  	s5 =	sadd.s32 @!p0 $0xFFFFFFFC, s1;
	v41 =	vadd.s32 @!p0 s4, v0  }
0x133: {  	v42 =	vmov @!p0 s5  }
0x134: {  	v43 =	vshll.u32 @!p0 v42, $0x3  }
0x135: {  	v42 =	vand.u32 @!p0 $0x7C, v42;
	v43 =	vand.u32 @!p0 $0xFFFFFC00, v43  }
0x136: {  	v42 =	vor.u32 @!p0 v42, v43  }
0x137: {  	v43 =	vadd.s32 @!p0 v1, v42;
	v41 =	vld.idx.msk @!p0 [tilespmem:v41+s14+$0x0], $0xffff  }
0x138: {  	v44 =	vadd.s32 @!p0 s4, v2;
	_ =	sdelay $0x3  }
0x139: {  	[tilespmem:v43+s19+$0x0] =	vst.idx.msk @!p0 $0xffff, v41  }
0x13a: {  	v43 =	vadd.s32 @!p0 v3, v42;
	v41 =	vld.idx.msk @!p0 [tilespmem:v44+s14+$0x0], $0xffff  }
0x13b: {  	v44 =	vadd.s32 @!p0 s4, v4  }
0x13c: {  	(v2sf) =	vpush v40, $0x5;
	_ =	sdelay $0x2  }
0x13d: {  	[tilespmem:v43+s19+$0x0] =	vst.idx.msk @!p0 $0xffff, v41  }
0x13e: {  	v43 =	vadd.s32 @!p0 v5, v42;
	v41 =	vld.idx.msk @!p0 [tilespmem:v44+s14+$0x0], $0xffff  }
0x13f: {  	v44 =	vadd.s32 @!p0 s4, v6;
	_ =	sdelay $0x3  }
0x140: {  	[tilespmem:v43+s19+$0x0] =	vst.idx.msk @!p0 $0xffff, v41  }
0x141: {  	v42 =	vadd.s32 @!p0 v7, v42;
	v41 =	vld.idx.msk @!p0 [tilespmem:v44+s14+$0x0], $0xffff;
	_ =	sdelay $0x3  }
0x142: {  	s2 =	sand.u32 $0x7F, s7;
	s6 =	sand.u32 $0xFFFFF80, s7  }
0x143: {  	[smem:$0x4] =	sst s2;
	s7 =	spop (v2sf);
	s4 =	sadd.s32 s0, s6;
	[tilespmem:v42+s19+$0x0] =	vst.idx.msk @!p0 $0xffff, v41  }
0x144: {  	[tilespmem:s14], [sflag:$0x5] =	stream.strided.gather [hbm4b:s4+s9], $0x2000, s8, s9, $0x38;
	[tilespmem:$0x18200] =	vst v63  }
0x145: {  	_ =	swait.ge @!p0 [sflag:s24], $0x2000  }
0x146: {  	[sflag:s24] =	ssyncset.done @!p0 $0x0  }
0x147: {  	[sflag:s24] =	ssyncadd.s32 @!p0 $0xFFFFE000  }
0x148: {  	s4 =	sld @!p0 [smem:$0x5];
	_ =	sdelay $0x2  }
0x149: {  	s5 =	sadd.s32 @!p0 $0xFFFFFFFD, s1;
	v41 =	vadd.s32 @!p0 s4, v0  }
0x14a: {  	v42 =	vmov @!p0 s5  }
0x14b: {  	v43 =	vshll.u32 @!p0 v42, $0x3  }
0x14c: {  	v42 =	vand.u32 @!p0 $0x7D, v42;
	v43 =	vand.u32 @!p0 $0xFFFFFC00, v43  }
0x14d: {  	v42 =	vor.u32 @!p0 v42, v43  }
0x14e: {  	v43 =	vadd.s32 @!p0 v1, v42;
	v41 =	vld.idx.msk @!p0 [tilespmem:v41+s15+$0x0], $0xffff  }
0x14f: {  	v44 =	vadd.s32 @!p0 s4, v2;
	_ =	sdelay $0x3  }
0x150: {  	[tilespmem:v43+s19+$0x0] =	vst.idx.msk @!p0 $0xffff, v41  }
0x151: {  	v43 =	vadd.s32 @!p0 v3, v42;
	v41 =	vld.idx.msk @!p0 [tilespmem:v44+s15+$0x0], $0xffff  }
0x152: {  	v44 =	vadd.s32 @!p0 s4, v4  }
0x153: {  	(v2sf) =	vpush v40, $0x6;
	_ =	sdelay $0x2  }
0x154: {  	[tilespmem:v43+s19+$0x0] =	vst.idx.msk @!p0 $0xffff, v41  }
0x155: {  	v43 =	vadd.s32 @!p0 v5, v42;
	v41 =	vld.idx.msk @!p0 [tilespmem:v44+s15+$0x0], $0xffff  }
0x156: {  	v44 =	vadd.s32 @!p0 s4, v6;
	_ =	sdelay $0x3  }
0x157: {  	[tilespmem:v43+s19+$0x0] =	vst.idx.msk @!p0 $0xffff, v41  }
0x158: {  	v42 =	vadd.s32 @!p0 v7, v42;
	v41 =	vld.idx.msk @!p0 [tilespmem:v44+s15+$0x0], $0xffff;
	_ =	sdelay $0x3  }
0x159: {  	s2 =	sand.u32 $0x7F, s7;
	s6 =	sand.u32 $0xFFFFF80, s7  }
0x15a: {  	[smem:$0x5] =	sst s2;
	s7 =	spop (v2sf);
	s4 =	sadd.s32 s0, s6;
	[tilespmem:v42+s19+$0x0] =	vst.idx.msk @!p0 $0xffff, v41  }
0x15b: {  	[tilespmem:s15], [sflag:$0x6] =	stream.strided.gather [hbm4b:s4+s9], $0x2000, s8, s9, $0x38;
	[tilespmem:$0x18200] =	vst v63  }
0x15c: {  	_ =	swait.ge @!p0 [sflag:s25], $0x2000  }
0x15d: {  	[sflag:s25] =	ssyncset.done @!p0 $0x0  }
0x15e: {  	[sflag:s25] =	ssyncadd.s32 @!p0 $0xFFFFE000  }
0x15f: {  	s4 =	sld @!p0 [smem:$0x6];
	_ =	sdelay $0x2  }
0x160: {  	s5 =	sadd.s32 @!p0 $0xFFFFFFFE, s1;
	v41 =	vadd.s32 @!p0 s4, v0  }
0x161: {  	v42 =	vmov @!p0 s5  }
0x162: {  	v43 =	vshll.u32 @!p0 v42, $0x3  }
0x163: {  	v42 =	vand.u32 @!p0 $0x7E, v42;
	v43 =	vand.u32 @!p0 $0xFFFFFC00, v43  }
0x164: {  	v42 =	vor.u32 @!p0 v42, v43  }
0x165: {  	v43 =	vadd.s32 @!p0 v1, v42;
	v41 =	vld.idx.msk @!p0 [tilespmem:v41+s16+$0x0], $0xffff  }
0x166: {  	v44 =	vadd.s32 @!p0 s4, v2;
	_ =	sdelay $0x3  }
0x167: {  	[tilespmem:v43+s19+$0x0] =	vst.idx.msk @!p0 $0xffff, v41  }
0x168: {  	v43 =	vadd.s32 @!p0 v3, v42;
	v41 =	vld.idx.msk @!p0 [tilespmem:v44+s16+$0x0], $0xffff  }
0x169: {  	v44 =	vadd.s32 @!p0 s4, v4  }
0x16a: {  	(v2sf) =	vpush v40, $0x7;
	_ =	sdelay $0x2  }
0x16b: {  	[tilespmem:v43+s19+$0x0] =	vst.idx.msk @!p0 $0xffff, v41  }
0x16c: {  	v43 =	vadd.s32 @!p0 v5, v42;
	v41 =	vld.idx.msk @!p0 [tilespmem:v44+s16+$0x0], $0xffff  }
0x16d: {  	v44 =	vadd.s32 @!p0 s4, v6;
	_ =	sdelay $0x3  }
0x16e: {  	[tilespmem:v43+s19+$0x0] =	vst.idx.msk @!p0 $0xffff, v41  }
0x16f: {  	v42 =	vadd.s32 @!p0 v7, v42;
	v41 =	vld.idx.msk @!p0 [tilespmem:v44+s16+$0x0], $0xffff;
	_ =	sdelay $0x3  }
0x170: {  	s5 =	sand.u32 $0xFFFFF80, s7  }
0x171: {  	s4 =	sadd.s32 s0, s5;
	s5 =	spop (v2sf);
	[tilespmem:v42+s19+$0x0] =	vst.idx.msk @!p0 $0xffff, v41  }
0x172: {  	[tilespmem:s16], [sflag:$0x7] =	stream.strided.gather [hbm4b:s4+s9], $0x2000, s8, s9, $0x38;
	[tilespmem:$0x18200] =	vst v63  }
0x173: {  	_ =	swait.ge @!p0 [sflag:s26], $0x2000  }
0x174: {  	[sflag:s26] =	ssyncset.done @!p0 $0x0  }
0x175: {  	[sflag:s26] =	ssyncadd.s32 @!p0 $0xFFFFE000  }
0x176: {  	s6 =	sld @!p0 [smem:$0x7];
	_ =	sdelay $0x2  }
0x177: {  	s4 =	sand.u32 $0x7F, s7;
	s7 =	sadd.s32 @!p0 $0xFFFFFFFF, s1;
	v41 =	vadd.s32 @!p0 s6, v0  }
0x178: {  	v42 =	vmov @!p0 s7  }
0x179: {  	v43 =	vshll.u32 @!p0 v42, $0x3  }
0x17a: {  	v42 =	vand.u32 @!p0 $0x7F, v42;
	v43 =	vand.u32 @!p0 $0xFFFFFC00, v43  }
0x17b: {  	v42 =	vor.u32 @!p0 v42, v43  }
0x17c: {  	v43 =	vadd.s32 @!p0 v1, v42;
	v41 =	vld.idx.msk @!p0 [tilespmem:v41+s17+$0x0], $0xffff  }
0x17d: {  	v44 =	vadd.s32 @!p0 s6, v2;
	_ =	sdelay $0x3  }
0x17e: {  	[tilespmem:v43+s19+$0x0] =	vst.idx.msk @!p0 $0xffff, v41  }
0x17f: {  	v43 =	vadd.s32 @!p0 v3, v42;
	v41 =	vld.idx.msk @!p0 [tilespmem:v44+s17+$0x0], $0xffff  }
0x180: {  	v44 =	vadd.s32 @!p0 s6, v4;
	_ =	sdelay $0x2  }
0x181: {  	(v2sf) =	vpush v40, $0x8  }
0x182: {  	[tilespmem:v43+s19+$0x0] =	vst.idx.msk @!p0 $0xffff, v41  }
0x183: {  	v43 =	vadd.s32 @!p0 v5, v42;
	v41 =	vld.idx.msk @!p0 [tilespmem:v44+s17+$0x0], $0xffff  }
0x184: {  	v44 =	vadd.s32 @!p0 s6, v6;
	_ =	sdelay $0x3  }
0x185: {  	[tilespmem:v43+s19+$0x0] =	vst.idx.msk @!p0 $0xffff, v41  }
0x186: {  	v42 =	vadd.s32 @!p0 v7, v42;
	v41 =	vld.idx.msk @!p0 [tilespmem:v44+s17+$0x0], $0xffff;
	_ =	sdelay $0x3  }
0x187: {  	s2 =	sand.u32 $0x7F, s5;
	s5 =	sand.u32 $0xFFFFF80, s5  }
0x188: {  	s5 =	sadd.s32 s0, s5;
	[tilespmem:v42+s19+$0x0] =	vst.idx.msk @!p0 $0xffff, v41  }
0x189: {  	v48 =	vor.u32 s3, v0;
	[tilespmem:s17], [sflag:$0x8] =	stream.strided.gather [hbm4b:s5+s9], $0x2000, s8, s9, $0x38;
	[tilespmem:$0x18200] =	vst v63  }
0x18a: {  	v49 =	vmov s1;
	s5 =	spop (v2sf)  }
0x18b: {  	v50 =	vshll.u32 v49, $0x3;
	_ =	swait.ge [sflag:s18], $0x2000  }
0x18c: {  	v43 =	vand.u32 $0xC00, v50;
	v42 =	vand.u32 $0x70, v49;
	[sflag:s18] =	ssyncset.done $0x0  }
0x18d: {  	v42 =	vor.u32 v42, v43;
	[sflag:s18] =	ssyncadd.s32 $0xFFFFE000  }
0x18e: {  	v43 =	vor.u32 v1, v42;
	v41 =	vld.idx.msk [tilespmem:v48+s10+$0x0], $0xffff  }
0x18f: {  	v51 =	vor.u32 s3, v2;
	_ =	sdelay $0x3  }
0x190: {  	[tilespmem:v43+s19+$0x0] =	vst.idx.msk $0xffff, v41  }
0x191: {  	v52 =	vor.u32 v3, v42;
	v41 =	vld.idx.msk [tilespmem:v51+s10+$0x0], $0xffff  }
0x192: {  	v53 =	vor.u32 s3, v4  }
0x193: {  	(v2sf) =	vpush v40, $0x9;
	_ =	sdelay $0x2  }
0x194: {  	[tilespmem:v52+s19+$0x0] =	vst.idx.msk $0xffff, v41  }
0x195: {  	v54 =	vor.u32 v5, v42;
	v41 =	vld.idx.msk [tilespmem:v53+s10+$0x0], $0xffff  }
0x196: {  	v55 =	vor.u32 s3, v6;
	_ =	sdelay $0x3  }
0x197: {  	[tilespmem:v54+s19+$0x0] =	vst.idx.msk $0xffff, v41  }
0x198: {  	v42 =	vor.u32 v7, v42;
	v41 =	vld.idx.msk [tilespmem:v55+s10+$0x0], $0xffff;
	_ =	sdelay $0x3  }
0x199: {  	s7 =	sadd.s32 $0x1, s1;
	s6 =	sand.u32 $0xFFFFF80, s5;
	s5 =	sand.u32 $0x7F, s5  }
0x19a: {  	v56 =	vor.u32 s28, v0;
	s3 =	sadd.s32 s0, s6;
	[smem:$0x0] =	sst s5;
	s6 =	spop (v2sf);
	[tilespmem:v42+s19+$0x0] =	vst.idx.msk $0xffff, v41  }
0x19b: {  	v57 =	vmov s7;
	[tilespmem:s10], [sflag:$0x1] =	stream.strided.gather [hbm4b:s3+s9], $0x2000, s8, s9, $0x38;
	[tilespmem:$0x18200] =	vst v63  }
0x19c: {  	v58 =	vshll.u32 v57, $0x3;
	_ =	swait.ge [sflag:s20], $0x2000  }
0x19d: {  	v43 =	vand.u32 $0xC00, v58;
	v42 =	vand.u32 $0x71, v57;
	[sflag:s20] =	ssyncset.done $0x0  }
0x19e: {  	v42 =	vor.u32 v42, v43;
	[sflag:s20] =	ssyncadd.s32 $0xFFFFE000  }
0x19f: {  	v43 =	vor.u32 v1, v42;
	v41 =	vld.idx.msk [tilespmem:v56+s11+$0x0], $0xffff  }
0x1a0: {  	v59 =	vor.u32 s28, v2;
	_ =	sdelay $0x3  }
0x1a1: {  	[tilespmem:v43+s19+$0x0] =	vst.idx.msk $0xffff, v41  }
0x1a2: {  	v60 =	vor.u32 v3, v42;
	v41 =	vld.idx.msk [tilespmem:v59+s11+$0x0], $0xffff  }
0x1a3: {  	v61 =	vor.u32 s28, v4  }
0x1a4: {  	(v2sf) =	vpush v40, $0xA;
	_ =	sdelay $0x2  }
0x1a5: {  	[tilespmem:v60+s19+$0x0] =	vst.idx.msk $0xffff, v41  }
0x1a6: {  	v62 =	vor.u32 v5, v42;
	v41 =	vld.idx.msk [tilespmem:v61+s11+$0x0], $0xffff  }
0x1a7: {  	v63 =	vor.u32 s28, v6;
	_ =	sdelay $0x3  }
0x1a8: {  	[tilespmem:v62+s19+$0x0] =	vst.idx.msk $0xffff, v41  }
0x1a9: {  	v42 =	vor.u32 v7, v42;
	v41 =	vld.idx.msk [tilespmem:v63+s11+$0x0], $0xffff;
	_ =	sdelay $0x3  }
0x1aa: {  	s28 =	sadd.s32 $0x2, s1;
	s7 =	sand.u32 $0xFFFFF80, s6;
	s3 =	sand.u32 $0x7F, s6  }
0x1ab: {  	v48 =	vor.u32 s29, v0;
	s5 =	sadd.s32 s0, s7;
	[smem:$0x1] =	sst s3;
	s6 =	spop (v2sf);
	[tilespmem:v42+s19+$0x0] =	vst.idx.msk $0xffff, v41  }
0x1ac: {  	v49 =	vmov s28;
	[tilespmem:s11], [sflag:$0x2] =	stream.strided.gather [hbm4b:s5+s9], $0x2000, s8, s9, $0x38;
	[tilespmem:$0x18200] =	vst v63  }
0x1ad: {  	v50 =	vshll.u32 v49, $0x3;
	_ =	swait.ge [sflag:s21], $0x2000  }
0x1ae: {  	v43 =	vand.u32 $0xC00, v50;
	v42 =	vand.u32 $0x72, v49;
	[sflag:s21] =	ssyncset.done $0x0  }
0x1af: {  	v42 =	vor.u32 v42, v43;
	[sflag:s21] =	ssyncadd.s32 $0xFFFFE000  }
0x1b0: {  	v43 =	vor.u32 v1, v42;
	v41 =	vld.idx.msk [tilespmem:v48+s12+$0x0], $0xffff  }
0x1b1: {  	v51 =	vor.u32 s29, v2;
	_ =	sdelay $0x3  }
0x1b2: {  	[tilespmem:v43+s19+$0x0] =	vst.idx.msk $0xffff, v41  }
0x1b3: {  	v52 =	vor.u32 v3, v42;
	v41 =	vld.idx.msk [tilespmem:v51+s12+$0x0], $0xffff  }
0x1b4: {  	v53 =	vor.u32 s29, v4  }
0x1b5: {  	(v2sf) =	vpush v40, $0xB;
	_ =	sdelay $0x2  }
0x1b6: {  	[tilespmem:v52+s19+$0x0] =	vst.idx.msk $0xffff, v41  }
0x1b7: {  	v54 =	vor.u32 v5, v42;
	v41 =	vld.idx.msk [tilespmem:v53+s12+$0x0], $0xffff  }
0x1b8: {  	v55 =	vor.u32 s29, v6;
	_ =	sdelay $0x3  }
0x1b9: {  	[tilespmem:v54+s19+$0x0] =	vst.idx.msk $0xffff, v41  }
0x1ba: {  	v42 =	vor.u32 v7, v42;
	v41 =	vld.idx.msk [tilespmem:v55+s12+$0x0], $0xffff;
	_ =	sdelay $0x3  }
0x1bb: {  	s7 =	sand.u32 $0xFFFFF80, s6;
	s3 =	sand.u32 $0x7F, s6  }
0x1bc: {  	s5 =	sadd.s32 s0, s7;
	[smem:$0x2] =	sst s3;
	s3 =	spop (v2sf);
	[tilespmem:v42+s19+$0x0] =	vst.idx.msk $0xffff, v41  }
0x1bd: {  	[tilespmem:s12], [sflag:$0x3] =	stream.strided.gather [hbm4b:s5+s9], $0x2000, s8, s9, $0x38;
	[tilespmem:$0x18200] =	vst v63  }
0x1be: {  	_ =	swait.ge [sflag:s22], $0x2000  }
0x1bf: {  	[sflag:s22] =	ssyncset.done $0x0  }
0x1c0: {  	[sflag:s22] =	ssyncadd.s32 $0xFFFFE000  }
0x1c1: {  	s28 =	sld [smem:$0x3];
	_ =	sdelay $0x2  }
0x1c2: {  	s29 =	sadd.s32 $0x3, s1;
	v56 =	vadd.s32 s28, v0  }
0x1c3: {  	v57 =	vmov s29  }
0x1c4: {  	v58 =	vshll.u32 v57, $0x3  }
0x1c5: {  	v43 =	vand.u32 $0xC00, v58;
	v42 =	vand.u32 $0x73, v57  }
0x1c6: {  	v42 =	vor.u32 v42, v43  }
0x1c7: {  	v43 =	vor.u32 v1, v42;
	v41 =	vld.idx.msk [tilespmem:v56+s13+$0x0], $0xffff  }
0x1c8: {  	v59 =	vadd.s32 s28, v2;
	_ =	sdelay $0x3  }
0x1c9: {  	[tilespmem:v43+s19+$0x0] =	vst.idx.msk $0xffff, v41  }
0x1ca: {  	v60 =	vor.u32 v3, v42;
	v41 =	vld.idx.msk [tilespmem:v59+s13+$0x0], $0xffff  }
0x1cb: {  	v61 =	vadd.s32 s28, v4  }
0x1cc: {  	(v2sf) =	vpush v40, $0xC;
	_ =	sdelay $0x2  }
0x1cd: {  	[tilespmem:v60+s19+$0x0] =	vst.idx.msk $0xffff, v41  }
0x1ce: {  	v62 =	vor.u32 v5, v42;
	v41 =	vld.idx.msk [tilespmem:v61+s13+$0x0], $0xffff  }
0x1cf: {  	v63 =	vadd.s32 s28, v6;
	_ =	sdelay $0x3  }
0x1d0: {  	[tilespmem:v62+s19+$0x0] =	vst.idx.msk $0xffff, v41  }
0x1d1: {  	v42 =	vor.u32 v7, v42;
	v41 =	vld.idx.msk [tilespmem:v63+s13+$0x0], $0xffff;
	_ =	sdelay $0x3  }
0x1d2: {  	s7 =	sand.u32 $0xFFFFF80, s3;
	s3 =	sand.u32 $0x7F, s3  }
0x1d3: {  	s5 =	sadd.s32 s0, s7;
	[smem:$0x3] =	sst s3;
	s3 =	spop (v2sf);
	[tilespmem:v42+s19+$0x0] =	vst.idx.msk $0xffff, v41  }
0x1d4: {  	[tilespmem:s13], [sflag:$0x4] =	stream.strided.gather [hbm4b:s5+s9], $0x2000, s8, s9, $0x38;
	[tilespmem:$0x18200] =	vst v63  }
0x1d5: {  	_ =	swait.ge [sflag:s23], $0x2000  }
0x1d6: {  	[sflag:s23] =	ssyncset.done $0x0  }
0x1d7: {  	[sflag:s23] =	ssyncadd.s32 $0xFFFFE000  }
0x1d8: {  	s28 =	sld [smem:$0x4];
	_ =	sdelay $0x2  }
0x1d9: {  	s29 =	sadd.s32 $0x4, s1;
	v48 =	vadd.s32 s28, v0  }
0x1da: {  	v49 =	vmov s29  }
0x1db: {  	v50 =	vshll.u32 v49, $0x3  }
0x1dc: {  	v43 =	vand.u32 $0xC00, v50;
	v42 =	vand.u32 $0x74, v49  }
0x1dd: {  	v42 =	vor.u32 v42, v43  }
0x1de: {  	v43 =	vor.u32 v1, v42;
	v41 =	vld.idx.msk [tilespmem:v48+s14+$0x0], $0xffff  }
0x1df: {  	v51 =	vadd.s32 s28, v2;
	_ =	sdelay $0x3  }
0x1e0: {  	[tilespmem:v43+s19+$0x0] =	vst.idx.msk $0xffff, v41  }
0x1e1: {  	v52 =	vor.u32 v3, v42;
	v41 =	vld.idx.msk [tilespmem:v51+s14+$0x0], $0xffff  }
0x1e2: {  	v53 =	vadd.s32 s28, v4  }
0x1e3: {  	(v2sf) =	vpush v40, $0xD;
	_ =	sdelay $0x2  }
0x1e4: {  	[tilespmem:v52+s19+$0x0] =	vst.idx.msk $0xffff, v41  }
0x1e5: {  	v54 =	vor.u32 v5, v42;
	v41 =	vld.idx.msk [tilespmem:v53+s14+$0x0], $0xffff  }
0x1e6: {  	v55 =	vadd.s32 s28, v6;
	_ =	sdelay $0x3  }
0x1e7: {  	[tilespmem:v54+s19+$0x0] =	vst.idx.msk $0xffff, v41  }
0x1e8: {  	v42 =	vor.u32 v7, v42;
	v41 =	vld.idx.msk [tilespmem:v55+s14+$0x0], $0xffff;
	_ =	sdelay $0x3  }
0x1e9: {  	s7 =	sand.u32 $0xFFFFF80, s3;
	s3 =	sand.u32 $0x7F, s3  }
0x1ea: {  	s5 =	sadd.s32 s0, s7;
	[smem:$0x4] =	sst s3;
	s3 =	spop (v2sf);
	[tilespmem:v42+s19+$0x0] =	vst.idx.msk $0xffff, v41  }
0x1eb: {  	[tilespmem:s14], [sflag:$0x5] =	stream.strided.gather [hbm4b:s5+s9], $0x2000, s8, s9, $0x38;
	[tilespmem:$0x18200] =	vst v63  }
0x1ec: {  	_ =	swait.ge [sflag:s24], $0x2000  }
0x1ed: {  	[sflag:s24] =	ssyncset.done $0x0  }
0x1ee: {  	[sflag:s24] =	ssyncadd.s32 $0xFFFFE000  }
0x1ef: {  	s28 =	sld [smem:$0x5];
	_ =	sdelay $0x2  }
0x1f0: {  	s29 =	sadd.s32 $0x5, s1;
	v56 =	vadd.s32 s28, v0  }
0x1f1: {  	v57 =	vmov s29  }
0x1f2: {  	v58 =	vshll.u32 v57, $0x3  }
0x1f3: {  	v43 =	vand.u32 $0xC00, v58;
	v42 =	vand.u32 $0x75, v57  }
0x1f4: {  	v42 =	vor.u32 v42, v43  }
0x1f5: {  	v43 =	vor.u32 v1, v42;
	v41 =	vld.idx.msk [tilespmem:v56+s15+$0x0], $0xffff  }
0x1f6: {  	v59 =	vadd.s32 s28, v2;
	_ =	sdelay $0x3  }
0x1f7: {  	[tilespmem:v43+s19+$0x0] =	vst.idx.msk $0xffff, v41  }
0x1f8: {  	v60 =	vor.u32 v3, v42;
	v41 =	vld.idx.msk [tilespmem:v59+s15+$0x0], $0xffff  }
0x1f9: {  	v61 =	vadd.s32 s28, v4  }
0x1fa: {  	(v2sf) =	vpush v40, $0xE;
	_ =	sdelay $0x2  }
0x1fb: {  	[tilespmem:v60+s19+$0x0] =	vst.idx.msk $0xffff, v41  }
0x1fc: {  	v62 =	vor.u32 v5, v42;
	v41 =	vld.idx.msk [tilespmem:v61+s15+$0x0], $0xffff  }
0x1fd: {  	v63 =	vadd.s32 s28, v6;
	_ =	sdelay $0x3  }
0x1fe: {  	[tilespmem:v62+s19+$0x0] =	vst.idx.msk $0xffff, v41  }
0x1ff: {  	v42 =	vor.u32 v7, v42;
	v41 =	vld.idx.msk [tilespmem:v63+s15+$0x0], $0xffff;
	_ =	sdelay $0x2  }
0x200: {  	s7 =	sand.u32 $0xFFFFF80, s3  }
0x201: {  	s3 =	sand.u32 $0x7F, s3;
	s5 =	sadd.s32 s0, s7  }
0x202: {  	v46 =	vor.u32 s4, v0;
	[smem:$0x5] =	sst s3;
	s28 =	sadd.s32 $0x6, s1;
	s29 =	spop (v2sf);
	[tilespmem:v42+s19+$0x0] =	vst.idx.msk $0xffff, v41  }
0x203: {  	v47 =	vmov s28;
	[tilespmem:s15], [sflag:$0x6] =	stream.strided.gather [hbm4b:s5+s9], $0x2000, s8, s9, $0x38;
	[tilespmem:$0x18200] =	vst v63  }
0x204: {  	v48 =	vshll.u32 v47, $0x3;
	_ =	swait.ge [sflag:s25], $0x2000  }
0x205: {  	v43 =	vand.u32 $0xC00, v48;
	v42 =	vand.u32 $0x76, v47;
	[sflag:s25] =	ssyncset.done $0x0  }
0x206: {  	v42 =	vor.u32 v42, v43;
	[sflag:s25] =	ssyncadd.s32 $0xFFFFE000  }
0x207: {  	v43 =	vor.u32 v1, v42;
	v41 =	vld.idx.msk [tilespmem:v46+s16+$0x0], $0xffff  }
0x208: {  	v49 =	vor.u32 s4, v2;
	_ =	sdelay $0x3  }
0x209: {  	[tilespmem:v43+s19+$0x0] =	vst.idx.msk $0xffff, v41  }
0x20a: {  	v50 =	vor.u32 v3, v42;
	v41 =	vld.idx.msk [tilespmem:v49+s16+$0x0], $0xffff  }
0x20b: {  	v51 =	vor.u32 s4, v4  }
0x20c: {  	(v2sf) =	vpush v40, $0xF;
	_ =	sdelay $0x2  }
0x20d: {  	[tilespmem:v50+s19+$0x0] =	vst.idx.msk $0xffff, v41  }
0x20e: {  	v53 =	vor.u32 v5, v42;
	v52 =	vld.idx.msk [tilespmem:v51+s16+$0x0], $0xffff  }
0x20f: {  	v54 =	vor.u32 s4, v6;
	_ =	sdelay $0x3  }
0x210: {  	[tilespmem:v53+s19+$0x0] =	vst.idx.msk $0xffff, v52  }
0x211: {  	v55 =	vor.u32 v7, v42;
	v40 =	vld.idx.msk [tilespmem:v54+s16+$0x0], $0xffff;
	_ =	sdelay $0x3  }
0x212: {  	s6 =	sadd.s32 $0x7, s1;
	s3 =	sand.u32 $0x7F, s29;
	s5 =	sand.u32 $0xFFFFF80, s29  }
0x213: {  	v56 =	vor.u32 s2, v0;
	s4 =	sadd.s32 s0, s5;
	[smem:$0x6] =	sst s3;
	s7 =	spop (v2sf);
	[tilespmem:v55+s19+$0x0] =	vst.idx.msk $0xffff, v40  }
0x214: {  	v57 =	vmov s6;
	[tilespmem:s16], [sflag:$0x7] =	stream.strided.gather [hbm4b:s4+s9], $0x2000, s8, s9, $0x38;
	[tilespmem:$0x18200] =	vst v63  }
0x215: {  	v58 =	vshll.u32 v57, $0x3;
	_ =	swait.ge [sflag:s26], $0x2000  }
0x216: {  	v42 =	vand.u32 $0xC00, v58;
	v41 =	vand.u32 $0x77, v57;
	[sflag:s26] =	ssyncset.done $0x0  }
0x217: {  	v41 =	vor.u32 v41, v42;
	[sflag:s26] =	ssyncadd.s32 $0xFFFFE000  }
0x218: {  	v42 =	vor.u32 v1, v41;
	v40 =	vld.idx.msk [tilespmem:v56+s17+$0x0], $0xffff  }
0x219: {  	v59 =	vor.u32 s2, v2;
	_ =	sdelay $0x3  }
0x21a: {  	[tilespmem:v42+s19+$0x0] =	vst.idx.msk $0xffff, v40  }
0x21b: {  	v60 =	vor.u32 v3, v41;
	v40 =	vld.idx.msk [tilespmem:v59+s17+$0x0], $0xffff  }
0x21c: {  	v61 =	vor.u32 s2, v4;
	_ =	sdelay $0x3  }
0x21d: {  	[tilespmem:v60+s19+$0x0] =	vst.idx.msk $0xffff, v40  }
0x21e: {  	v62 =	vor.u32 v5, v41;
	v40 =	vld.idx.msk [tilespmem:v61+s17+$0x0], $0xffff  }
0x21f: {  	v63 =	vor.u32 s2, v6;
	_ =	sdelay $0x3  }
0x220: {  	[tilespmem:v62+s19+$0x0] =	vst.idx.msk $0xffff, v40  }
0x221: {  	s1 =	sadd.s32 $0x10, s1;
	v41 =	vor.u32 v7, v41;
	v40 =	vld.idx.msk [tilespmem:v63+s17+$0x0], $0xffff  }
0x222: {  	p0 =	sne.s32 s1, $0x200  }
.Ltmp0:
0x223: {  	_ = 	snop;
	(pc) =	sbr.rel @p0 .LBB2_2-.Ltmp0, $4  }
0x224: {  	_ = 	snop  }
0x225: {  	s28 =	sand.u32 $0xFFFFF80, s7;
	s29 =	sand.u32 $0x7F, s7  }
0x226: {  	s31 =	sadd.s32 $0x10, s31;
	s2 =	sadd.s32 s0, s28;
	[smem:$0x7] =	sst s29;
	[tilespmem:v41+s19+$0x0] =	vst.idx.msk $0xffff, v40  }
0x227: {  	[tilespmem:s17], [sflag:$0x8] =	stream.strided.gather [hbm4b:s2+s9], $0x2000, s8, s9, $0x38;
	[tilespmem:$0x18200] =	vst v63  }
0x228: {  	_ =	swait.ge [sflag:s18], $0x2000  }
0x229: {  	[sflag:s18] =	ssyncset.done $0x0  }
0x22a: {  	[sflag:s18] =	ssyncadd.s32 $0xFFFFE000  }
0x22b: {  	s1 =	sld [smem:$0x0];
	_ =	sdelay $0x2  }
0x22c: {  	v40 =	vadd.s32 s1, v0;
	_ =	sdelay $0x4  }
0x22d: {  	v40 =	vld.idx.msk [tilespmem:v40+s10+$0x0], $0xffff  }
0x22e: {  	v41 =	vadd.s32 s1, v2;
	_ =	sdelay $0x3  }
0x22f: {  	[tilespmem:v8+s19+$0x0] =	vst.idx.msk $0xffff, v40  }
0x230: {  	v40 =	vld.idx.msk [tilespmem:v41+s10+$0x0], $0xffff  }
0x231: {  	v54 =	vadd.s32 s1, v4;
	_ =	sdelay $0x3  }
0x232: {  	[tilespmem:v9+s19+$0x0] =	vst.idx.msk $0xffff, v40  }
0x233: {  	v40 =	vld.idx.msk [tilespmem:v54+s10+$0x0], $0xffff  }
0x234: {  	v55 =	vadd.s32 s1, v6;
	_ =	sdelay $0x3  }
0x235: {  	[tilespmem:v10+s19+$0x0] =	vst.idx.msk $0xffff, v40  }
0x236: {  	v40 =	vld.idx.msk [tilespmem:v55+s10+$0x0], $0xffff;
	_ =	sdelay $0x4  }
0x237: {  	[tilespmem:v11+s19+$0x0] =	vst.idx.msk $0xffff, v40  }
0x238: {  	_ =	swait.ge [sflag:s20], $0x2000  }
0x239: {  	[sflag:s20] =	ssyncset.done $0x0  }
0x23a: {  	[sflag:s20] =	ssyncadd.s32 $0xFFFFE000  }
0x23b: {  	s2 =	sld [smem:$0x1];
	_ =	sdelay $0x2  }
0x23c: {  	v56 =	vadd.s32 s2, v0;
	_ =	sdelay $0x4  }
0x23d: {  	v40 =	vld.idx.msk [tilespmem:v56+s11+$0x0], $0xffff  }
0x23e: {  	v57 =	vadd.s32 s2, v2;
	_ =	sdelay $0x3  }
0x23f: {  	[tilespmem:v12+s19+$0x0] =	vst.idx.msk $0xffff, v40  }
0x240: {  	v40 =	vld.idx.msk [tilespmem:v57+s11+$0x0], $0xffff  }
0x241: {  	v58 =	vadd.s32 s2, v4;
	_ =	sdelay $0x3  }
0x242: {  	[tilespmem:v13+s19+$0x0] =	vst.idx.msk $0xffff, v40  }
0x243: {  	v40 =	vld.idx.msk [tilespmem:v58+s11+$0x0], $0xffff  }
0x244: {  	v59 =	vadd.s32 s2, v6;
	_ =	sdelay $0x3  }
0x245: {  	[tilespmem:v14+s19+$0x0] =	vst.idx.msk $0xffff, v40  }
0x246: {  	v40 =	vld.idx.msk [tilespmem:v59+s11+$0x0], $0xffff;
	_ =	sdelay $0x4  }
0x247: {  	[tilespmem:v15+s19+$0x0] =	vst.idx.msk $0xffff, v40  }
0x248: {  	_ =	swait.ge [sflag:s21], $0x2000  }
0x249: {  	[sflag:s21] =	ssyncset.done $0x0  }
0x24a: {  	[sflag:s21] =	ssyncadd.s32 $0xFFFFE000  }
0x24b: {  	s3 =	sld [smem:$0x2];
	_ =	sdelay $0x2  }
0x24c: {  	v60 =	vadd.s32 s3, v0;
	_ =	sdelay $0x4  }
0x24d: {  	v40 =	vld.idx.msk [tilespmem:v60+s12+$0x0], $0xffff  }
0x24e: {  	v61 =	vadd.s32 s3, v2;
	_ =	sdelay $0x3  }
0x24f: {  	[tilespmem:v16+s19+$0x0] =	vst.idx.msk $0xffff, v40  }
0x250: {  	v40 =	vld.idx.msk [tilespmem:v61+s12+$0x0], $0xffff  }
0x251: {  	v62 =	vadd.s32 s3, v4;
	_ =	sdelay $0x3  }
0x252: {  	[tilespmem:v17+s19+$0x0] =	vst.idx.msk $0xffff, v40  }
0x253: {  	v40 =	vld.idx.msk [tilespmem:v62+s12+$0x0], $0xffff  }
0x254: {  	v63 =	vadd.s32 s3, v6;
	_ =	sdelay $0x3  }
0x255: {  	[tilespmem:v18+s19+$0x0] =	vst.idx.msk $0xffff, v40  }
0x256: {  	v40 =	vld.idx.msk [tilespmem:v63+s12+$0x0], $0xffff;
	_ =	sdelay $0x4  }
0x257: {  	[tilespmem:v19+s19+$0x0] =	vst.idx.msk $0xffff, v40  }
0x258: {  	_ =	swait.ge [sflag:s22], $0x2000  }
0x259: {  	[sflag:s22] =	ssyncset.done $0x0  }
0x25a: {  	[sflag:s22] =	ssyncadd.s32 $0xFFFFE000  }
0x25b: {  	s4 =	sld [smem:$0x3];
	_ =	sdelay $0x2  }
0x25c: {  	v44 =	vadd.s32 s4, v0;
	_ =	sdelay $0x4  }
0x25d: {  	v40 =	vld.idx.msk [tilespmem:v44+s13+$0x0], $0xffff  }
0x25e: {  	v45 =	vadd.s32 s4, v2;
	_ =	sdelay $0x3  }
0x25f: {  	[tilespmem:v20+s19+$0x0] =	vst.idx.msk $0xffff, v40  }
0x260: {  	v40 =	vld.idx.msk [tilespmem:v45+s13+$0x0], $0xffff  }
0x261: {  	v46 =	vadd.s32 s4, v4;
	_ =	sdelay $0x3  }
0x262: {  	[tilespmem:v21+s19+$0x0] =	vst.idx.msk $0xffff, v40  }
0x263: {  	v40 =	vld.idx.msk [tilespmem:v46+s13+$0x0], $0xffff  }
0x264: {  	v47 =	vadd.s32 s4, v6;
	_ =	sdelay $0x3  }
0x265: {  	[tilespmem:v22+s19+$0x0] =	vst.idx.msk $0xffff, v40  }
0x266: {  	v40 =	vld.idx.msk [tilespmem:v47+s13+$0x0], $0xffff;
	_ =	sdelay $0x4  }
0x267: {  	[tilespmem:v23+s19+$0x0] =	vst.idx.msk $0xffff, v40  }
0x268: {  	_ =	swait.ge [sflag:s23], $0x2000  }
0x269: {  	[sflag:s23] =	ssyncset.done $0x0  }
0x26a: {  	[sflag:s23] =	ssyncadd.s32 $0xFFFFE000  }
0x26b: {  	s5 =	sld [smem:$0x4];
	_ =	sdelay $0x2  }
0x26c: {  	v48 =	vadd.s32 s5, v0;
	_ =	sdelay $0x4  }
0x26d: {  	v40 =	vld.idx.msk [tilespmem:v48+s14+$0x0], $0xffff  }
0x26e: {  	v49 =	vadd.s32 s5, v2;
	_ =	sdelay $0x3  }
0x26f: {  	[tilespmem:v24+s19+$0x0] =	vst.idx.msk $0xffff, v40  }
0x270: {  	v40 =	vld.idx.msk [tilespmem:v49+s14+$0x0], $0xffff  }
0x271: {  	v50 =	vadd.s32 s5, v4;
	_ =	sdelay $0x3  }
0x272: {  	[tilespmem:v25+s19+$0x0] =	vst.idx.msk $0xffff, v40  }
0x273: {  	v40 =	vld.idx.msk [tilespmem:v50+s14+$0x0], $0xffff  }
0x274: {  	v51 =	vadd.s32 s5, v6;
	_ =	sdelay $0x3  }
0x275: {  	[tilespmem:v26+s19+$0x0] =	vst.idx.msk $0xffff, v40  }
0x276: {  	v40 =	vld.idx.msk [tilespmem:v51+s14+$0x0], $0xffff;
	_ =	sdelay $0x4  }
0x277: {  	[tilespmem:v27+s19+$0x0] =	vst.idx.msk $0xffff, v40  }
0x278: {  	_ =	swait.ge [sflag:s24], $0x2000  }
0x279: {  	[sflag:s24] =	ssyncset.done $0x0  }
0x27a: {  	[sflag:s24] =	ssyncadd.s32 $0xFFFFE000  }
0x27b: {  	s6 =	sld [smem:$0x5];
	_ =	sdelay $0x2  }
0x27c: {  	v52 =	vadd.s32 s6, v0;
	_ =	sdelay $0x4  }
0x27d: {  	v40 =	vld.idx.msk [tilespmem:v52+s15+$0x0], $0xffff  }
0x27e: {  	v53 =	vadd.s32 s6, v2;
	_ =	sdelay $0x3  }
0x27f: {  	[tilespmem:v28+s19+$0x0] =	vst.idx.msk $0xffff, v40  }
0x280: {  	v40 =	vld.idx.msk [tilespmem:v53+s15+$0x0], $0xffff  }
0x281: {  	v54 =	vadd.s32 s6, v4;
	_ =	sdelay $0x3  }
0x282: {  	[tilespmem:v29+s19+$0x0] =	vst.idx.msk $0xffff, v40  }
0x283: {  	v40 =	vld.idx.msk [tilespmem:v54+s15+$0x0], $0xffff  }
0x284: {  	v55 =	vadd.s32 s6, v6;
	_ =	sdelay $0x3  }
0x285: {  	[tilespmem:v30+s19+$0x0] =	vst.idx.msk $0xffff, v40  }
0x286: {  	v40 =	vld.idx.msk [tilespmem:v55+s15+$0x0], $0xffff;
	_ =	sdelay $0x4  }
0x287: {  	[tilespmem:v31+s19+$0x0] =	vst.idx.msk $0xffff, v40  }
0x288: {  	_ =	swait.ge [sflag:s25], $0x2000  }
0x289: {  	[sflag:s25] =	ssyncset.done $0x0  }
0x28a: {  	[sflag:s25] =	ssyncadd.s32 $0xFFFFE000  }
0x28b: {  	s7 =	sld [smem:$0x6];
	_ =	sdelay $0x2  }
0x28c: {  	v56 =	vadd.s32 s7, v0;
	_ =	sdelay $0x4  }
0x28d: {  	v40 =	vld.idx.msk [tilespmem:v56+s16+$0x0], $0xffff  }
0x28e: {  	v57 =	vadd.s32 s7, v2;
	_ =	sdelay $0x3  }
0x28f: {  	[tilespmem:v32+s19+$0x0] =	vst.idx.msk $0xffff, v40  }
0x290: {  	v40 =	vld.idx.msk [tilespmem:v57+s16+$0x0], $0xffff  }
0x291: {  	v58 =	vadd.s32 s7, v4;
	_ =	sdelay $0x3  }
0x292: {  	[tilespmem:v33+s19+$0x0] =	vst.idx.msk $0xffff, v40  }
0x293: {  	v40 =	vld.idx.msk [tilespmem:v58+s16+$0x0], $0xffff  }
0x294: {  	v59 =	vadd.s32 s7, v6;
	_ =	sdelay $0x3  }
0x295: {  	[tilespmem:v34+s19+$0x0] =	vst.idx.msk $0xffff, v40  }
0x296: {  	v40 =	vld.idx.msk [tilespmem:v59+s16+$0x0], $0xffff;
	_ =	sdelay $0x4  }
0x297: {  	[tilespmem:v35+s19+$0x0] =	vst.idx.msk $0xffff, v40  }
0x298: {  	_ =	swait.ge [sflag:s26], $0x2000  }
0x299: {  	[sflag:s26] =	ssyncset.done $0x0  }
0x29a: {  	[sflag:s26] =	ssyncadd.s32 $0xFFFFE000  }
0x29b: {  	s28 =	sld [smem:$0x7];
	_ =	sdelay $0x2  }
0x29c: {  	v60 =	vadd.s32 s28, v0;
	_ =	sdelay $0x4  }
0x29d: {  	v40 =	vld.idx.msk [tilespmem:v60+s17+$0x0], $0xffff  }
0x29e: {  	v61 =	vadd.s32 s28, v2;
	_ =	sdelay $0x3  }
0x29f: {  	[tilespmem:v36+s19+$0x0] =	vst.idx.msk $0xffff, v40  }
0x2a0: {  	v40 =	vld.idx.msk [tilespmem:v61+s17+$0x0], $0xffff  }
0x2a1: {  	v62 =	vadd.s32 s28, v4;
	_ =	sdelay $0x3  }
0x2a2: {  	[tilespmem:v37+s19+$0x0] =	vst.idx.msk $0xffff, v40  }
0x2a3: {  	v40 =	vld.idx.msk [tilespmem:v62+s17+$0x0], $0xffff  }
0x2a4: {  	v63 =	vadd.s32 s28, v6;
	_ =	sdelay $0x3  }
0x2a5: {  	[tilespmem:v38+s19+$0x0] =	vst.idx.msk $0xffff, v40  }
0x2a6: {  	v40 =	vld.idx.msk [tilespmem:v63+s17+$0x0], $0xffff;
	_ =	sdelay $0x4  }
0x2a7: {  	s2 =	simm.s32 $0x1000;
	s3 =	simm.s32 $0x20000;
	s29 =	rddreg [dreg:$0x5];
	[tilespmem:v39+s19+$0x0] =	vst.idx.msk $0xffff, v40  }
0x2a8: {  	[hbm4b:s29+s2] =	stream.strided.scatter [tilespmem:s19], [sflag:$0x9], $0x8000, s3, s2, $0x38;
	[tilespmem:$0x18200] =	vst v63  }
0x2a9: {  	s3 =	simm.s32 $0x9  }
0x2aa: {  	_ =	swait.ge [sflag:s3], $0x8000  }
0x2ab: {  	s30 =	sadd.s32 $0x1, s30;
	s31 =	rddreg [dreg:$0x6]  }
0x2ac: {  	p0 =	sne.s32 s30, s31  }
.Ltmp1:
0x2ad: {  	_ = 	snop;
	(pc) =	sbr.rel @p0 .LBB2_1-.Ltmp1, $3  }
0x2ae: {  	_ =	sdelay $0x1  }
0x2af: {  	[sflag:s3] =	ssyncset.done $0x0  }
0x2b0: {  	[sflag:s3] =	ssyncadd.s32 $0xFFFF8000  }
0x2b1: {  	_ =	sfence.sel $0x180000  }
0x2b2: {  	[bflag:$0x0] =	sbarrier.arrive $0xFFFF  }
0x2b3: {  	_ =	strace $0x90000047  }
0x2b4: {  	s0 =	stileid.u32;
	[bflag:$0x2] =	sbarrier.arrive $0xFFFF  }
0x2b5: {  	p0 =	sne.s32 s0, $0x0;
	s0 =	rddreg [dreg:$0x3]  }
0x2b6: {  	s0 =	sadd.s32 @!p0 $0x100000, s0  }
0x2b7: {  	[sflag:s0] =	ssyncadd.tile.s32 @!p0 $0x1;
	_ =	shalt  }
.Lfunc_end2:
_tile_overlayer_lowered:
.L_overlay_start_2:
0x2b8: {  	(tag) =	ssettag $0x2  }
0x2b9: {  	s0 =	rddreg [dreg:$0x0];
	s2 =	stileid.u32  }
0x2ba: {  	s1 =	rddreg [dreg:$0x1];
	p0 =	sne.s32 s2, $0x0  }
0x2bb: {  	s3 =	rddreg [dreg:$0x2];
	[bflag:$0x3] =	sbarrier.arrive $0xFFFF;
	s2 =	simm.s32 @!p0 $0x1C09  }
0x2bc: {  	[timem:s3], [sflag:s2] =	dma.local @!p0 [hbm:s0], s1  }
0x2bd: {  	s0 =	simm.s32 @!p0 $0x9  }
0x2be: {  	_ =	swait.ge @!p0 [sflag:s0], s1  }
0x2bf: {  	s1 =	ssub.s32 @!p0 $0x0, s1;
	[sflag:s0] =	ssyncset.done @!p0 $0x0  }
0x2c0: {  	[sflag:s0] =	ssyncadd.s32 @!p0 s1  }
0x2c1: {  	[bflag:$0x3] =	sbarrier.arrive $0xFFFF  }
0x2c2: {  	_ =	shalt  }

</sc_bundles>
